<compile_context>
chip_gen: v7x
topology: tpu7x:2x2x1
jax: 0.10.2.dev20260603
libtpu: 0.0.44.dev20260713+nightly
codegen_flags: <defaults>
</compile_context>

<pallas_src>
import functools

import jax
import jax.numpy as jnp
from jax import lax
from jax.experimental import pallas as pl
from jax.experimental.pallas import tpu as pltpu
from jax.experimental.pallas import tpu_sc as plsc

N = 10000
E = 320000
D = 128

NC = 2
NS = 16
NW = NC * NS
K = 128
G = 80
EPT = G * K
EPAD = NW * EPT - E
PADW = 240
BLK = 20
NB = 10240
ZB = NB // NS
NP = 10240
RPS = NP // NS

_mesh = plsc.VectorSubcoreMesh(core_axis_name="c", subcore_axis_name="s")


@functools.partial(
    pl.kernel,
    mesh=_mesh,
    out_type=jax.ShapeDtypeStruct((NC, 2, NB), jnp.float32),
    scratch_types=[
        pltpu.VMEM((G, 2, K), jnp.int32),
        pltpu.VMEM((K,), jnp.float32),
        pltpu.VMEM((ZB,), jnp.float32),
        pltpu.VMEM_SHARED((NB,), jnp.float32),
        pltpu.VMEM_SHARED((NB,), jnp.float32),
        pltpu.SemaphoreType.DMA,
    ],
)
def _hist_kernel(edges_hbm, out_hbm, idx_v, ones_v, buf_v,
                 csrc_sh, cdst_sh, sem):
    cid = lax.axis_index("c")
    sid = lax.axis_index("s")
    w = sid * NC + cid
    pltpu.sync_copy(edges_hbm.at[w], idx_v)

    def _fill_ones(i, _):
        ones_v[pl.ds(i * 16, 16)] = jnp.ones((16,), jnp.float32)
        return 0
    lax.fori_loop(0, K // 16, _fill_ones, 0)

    def _fill_zeros(i, _):
        buf_v[pl.ds(i * 16, 16)] = jnp.zeros((16,), jnp.float32)
        return 0
    lax.fori_loop(0, ZB // 16, _fill_zeros, 0)

    pltpu.sync_copy(buf_v, csrc_sh.at[pl.ds(sid * ZB, ZB)])
    pltpu.sync_copy(buf_v, cdst_sh.at[pl.ds(sid * ZB, ZB)])
    plsc.subcore_barrier()

    WV = 8

    def _wave(wv, _):
        def _fire(g2, _):
            g = wv * WV + g2
            pltpu.make_async_copy(
                ones_v, csrc_sh.at[idx_v.at[g, 0]], sem).start(add=True)
            pltpu.make_async_copy(
                ones_v, cdst_sh.at[idx_v.at[g, 1]], sem).start(add=True)
            return 0
        lax.fori_loop(0, WV, _fire, 0)

        def _drain(g2, _):
            g = wv * WV + g2
            pltpu.make_async_copy(
                ones_v, csrc_sh.at[idx_v.at[g, 0]], sem).wait()
            pltpu.make_async_copy(
                ones_v, cdst_sh.at[idx_v.at[g, 1]], sem).wait()
            return 0
        lax.fori_loop(0, WV, _drain, 0)
        return 0
    lax.fori_loop(0, G // WV, _wave, 0)
    plsc.subcore_barrier()

    pltpu.sync_copy(csrc_sh.at[pl.ds(sid * ZB, ZB)], buf_v)
    pltpu.sync_copy(buf_v, out_hbm.at[cid, 0, pl.ds(sid * ZB, ZB)])
    pltpu.sync_copy(cdst_sh.at[pl.ds(sid * ZB, ZB)], buf_v)
    pltpu.sync_copy(buf_v, out_hbm.at[cid, 1, pl.ds(sid * ZB, ZB)])


@functools.partial(
    pl.kernel,
    mesh=_mesh,
    out_type=jax.ShapeDtypeStruct((NC, NP, D), jnp.float32),
    scratch_types=[
        pltpu.VMEM((BLK, 2, K), jnp.int32),
        pltpu.VMEM((BLK, 2, K), jnp.int32),
        pltpu.VMEM((K, D), jnp.float32),
        pltpu.VMEM((K, D), jnp.float32),
        pltpu.VMEM_SHARED((NP, D), jnp.float32),
        pltpu.SemaphoreType.DMA,
        pltpu.SemaphoreType.DMA,
        pltpu.SemaphoreType.DMA,
        pltpu.SemaphoreType.DMA,
    ],
)
def _agg_kernel(feat_hbm, edges_hbm, out_hbm, idx_a, idx_b, rows0, rows1,
                agg_sh, sem_a, sem_b, sem0, sem1):
    cid = lax.axis_index("c")
    sid = lax.axis_index("s")
    w = sid * NC + cid

    def _stage_start(blk, ibuf, isem):
        pltpu.make_async_copy(
            edges_hbm.at[w, pl.ds(blk * BLK, BLK)], ibuf, isem).start()

    def _stage_wait(blk, ibuf, isem):
        pltpu.make_async_copy(
            edges_hbm.at[w, pl.ds(blk * BLK, BLK)], ibuf, isem).wait()

    def _gather(ibuf, j, rbuf, rsem):
        return pltpu.make_async_copy(feat_hbm.at[ibuf.at[j, 0]], rbuf, rsem)

    def _scatter(ibuf, j, rbuf):
        pltpu.sync_copy(rbuf, agg_sh.at[ibuf.at[j, 1]], add=True)

    _stage_start(0, idx_a, sem_a)

    def _fill_zeros(i, _):
        rows0[i // 8, pl.ds((i % 8) * 16, 16)] = jnp.zeros((16,), jnp.float32)
        return 0
    lax.fori_loop(0, K * 8, _fill_zeros, 0)

    def _zero_agg(j, _):
        pltpu.sync_copy(rows0, agg_sh.at[pl.ds(sid * RPS + j * K, K)])
        return 0
    lax.fori_loop(0, RPS // K, _zero_agg, 0)
    plsc.subcore_barrier()

    def _block(ibuf):
        def _body(jo, _):
            j0 = jo * 2
            _gather(ibuf, j0, rows0, sem0).wait()
            _scatter(ibuf, j0, rows0)

            @pl.when(j0 + 2 < BLK)
            def _():
                _gather(ibuf, j0 + 2, rows0, sem0).start()

            j1 = j0 + 1
            _gather(ibuf, j1, rows1, sem1).wait()
            _scatter(ibuf, j1, rows1)

            @pl.when(j1 + 2 < BLK)
            def _():
                _gather(ibuf, j1 + 2, rows1, sem1).start()
            return 0
        lax.fori_loop(0, BLK // 2, _body, 0)

    bufs = [idx_a, idx_b, idx_a, idx_b]
    sems = [sem_a, sem_b, sem_a, sem_b]
    for blk in range(4):
        ip = bufs[blk]
        _stage_wait(blk, ip, sems[blk])
        if blk + 1 < 4:
            _stage_start(blk + 1, bufs[blk + 1], sems[blk + 1])
        _gather(ip, 0, rows0, sem0).start()
        _gather(ip, 1, rows1, sem1).start()
        _block(ip)

    plsc.subcore_barrier()

    def _readback(j, _):
        base = sid * RPS + j * K
        pltpu.sync_copy(agg_sh.at[pl.ds(base, K)], rows0)
        pltpu.sync_copy(rows0, out_hbm.at[cid, pl.ds(base, K)])
        return 0
    lax.fori_loop(0, RPS // K, _readback, 0)


def _scale_body(deg_ref, feat_ref, out_ref):
    rb = feat_ref.shape[0]
    base = pl.program_id(0) * rb
    deg = (deg_ref[0, 0, pl.ds(base, rb)] +
           deg_ref[1, 0, pl.ds(base, rb)])
    row = lax.broadcasted_iota(jnp.int32, deg.shape, 0)
    pad0 = (pl.program_id(0) == 0) & (row < PADW)
    deg = deg - jnp.where(pad0, jnp.float32(EPAD // PADW), jnp.float32(0.0))
    scale = lax.rsqrt(jnp.maximum(deg, 1.0))
    out_ref[...] = feat_ref[...] * scale[:, None]


def _final_body(aggp_ref, deg_ref, wmu_ref, wlog_ref, epsw_ref,
                bmu_ref, blog_ref, epsb_ref, out_ref, kl_ref):
    wlog = wlog_ref[...]
    wmu = wmu_ref[...]
    weight = wmu + jnp.exp(wlog) * epsw_ref[...]
    agg = aggp_ref[0] + aggp_ref[1]
    rst = jnp.dot(agg, weight, preferred_element_type=jnp.float32)
    rb = out_ref.shape[0]
    base = pl.program_id(0) * rb
    deg = (deg_ref[0, 1, pl.ds(base, rb)] +
           deg_ref[1, 1, pl.ds(base, rb)])
    scale = lax.rsqrt(jnp.maximum(deg, 1.0))[:, None]
    blog = blog_ref[...]
    bmu = bmu_ref[...]
    bias = bmu + jnp.exp(blog) * epsb_ref[...]
    out_ref[...] = rst * scale + bias

    @pl.when(pl.program_id(0) == 0)
    def _():
        klw = jnp.sum(-wlog + (jnp.exp(2.0 * wlog) + wmu * wmu) * 0.5 - 0.5)
        klb = jnp.sum(-blog + (jnp.exp(2.0 * blog) + bmu * bmu) * 0.5 - 0.5)
        kl_ref[...] = jnp.reshape(klw + klb, (1, 1))


def kernel(feat, weight_mu, weight_logsd, bias_mu, bias_logsd, edge_index):
    ramp = jnp.arange(EPAD, dtype=jnp.int32)
    pad = jnp.concatenate([
        (ramp % PADW).reshape(1, EPAD),
        (N + ramp % (NP - N)).reshape(1, EPAD),
    ])
    edges = jnp.concatenate([edge_index.astype(jnp.int32), pad], axis=1)
    edges = edges.reshape(2, NW, G, K).transpose(1, 2, 0, 3)

    deg_col = _hist_kernel(edges)

    rb = 2048
    feat_scaled = pl.pallas_call(
        _scale_body,
        grid=((N + rb - 1) // rb,),
        in_specs=[
            pl.BlockSpec((NC, 2, NB), lambda i: (0, 0, 0)),
            pl.BlockSpec((rb, D), lambda i: (i, 0)),
        ],
        out_specs=pl.BlockSpec((rb, D), lambda i: (i, 0)),
        out_shape=jax.ShapeDtypeStruct((N, D), jnp.float32),
    )(deg_col, feat)

    aggp = _agg_kernel(feat_scaled, edges)

    eps_w = jax.random.normal(jax.random.key(42), weight_mu.shape,
                              dtype=weight_mu.dtype)
    eps_b = jax.random.normal(jax.random.key(43), bias_mu.shape,
                              dtype=bias_mu.dtype)

    rst, kl = pl.pallas_call(
        _final_body,
        grid=((N + rb - 1) // rb,),
        in_specs=[
            pl.BlockSpec((NC, rb, D), lambda i: (0, i, 0)),
            pl.BlockSpec((NC, 2, NB), lambda i: (0, 0, 0)),
            pl.BlockSpec((D, D), lambda i: (0, 0)),
            pl.BlockSpec((D, D), lambda i: (0, 0)),
            pl.BlockSpec((D, D), lambda i: (0, 0)),
            pl.BlockSpec((1, D), lambda i: (0, 0)),
            pl.BlockSpec((1, D), lambda i: (0, 0)),
            pl.BlockSpec((1, D), lambda i: (0, 0)),
        ],
        out_specs=[
            pl.BlockSpec((rb, D), lambda i: (i, 0)),
            pl.BlockSpec((1, 1), lambda i: (0, 0)),
        ],
        out_shape=[
            jax.ShapeDtypeStruct((N, D), jnp.float32),
            jax.ShapeDtypeStruct((1, 1), jnp.float32),
        ],
    )(aggp, deg_col, weight_mu, weight_logsd, eps_w,
      bias_mu, bias_logsd, eps_b)

    return rst, kl[0, 0]

# --- scband reference (transcript-rebuilt; emitter-appended) ---
"""Pipeline reference for scband-bcgngraph-26998164422992 (READ-ONLY COPY).

The authoritative reference and input builder live on the scoring server;
editing this copy changes nothing except your own understanding.
"""

import jax, jax.numpy as jnp
import numpy as np

N = 10000
E = 320000
D_IN = 128
D_OUT = 128


def _kl_normal(mu_q, logsd_q, mu_p, logsd_p):
    # KL( N(mu_q, sd_q) || N(mu_p, sd_p) ), elementwise then summed by caller
    sd_q2 = jnp.exp(2.0 * logsd_q)
    sd_p2 = jnp.exp(2.0 * logsd_p)
    return logsd_p - logsd_q + (sd_q2 + (mu_q - mu_p) ** 2) / (2.0 * sd_p2) - 0.5


def setup_inputs(seed: int = 0) -> dict:
    key = jax.random.key(seed)
    k1, k2 = jax.random.split(key, 2)
    feat = jax.random.normal(k1, (N, D_IN), dtype=jnp.float32)
    edge_index = jax.random.randint(k2, (2, E), 0, N)
    # parameters (match torch init: xavier_uniform for weight_mu, logsd=-6, bias_mu=0)
    bound = float(np.sqrt(6.0 / (D_IN + D_OUT)))
    kw = jax.random.fold_in(key, 1)
    weight_mu = jax.random.uniform(kw, (D_IN, D_OUT), minval=-bound, maxval=bound, dtype=jnp.float32)
    weight_logsd = jnp.full((D_IN, D_OUT), -6.0, dtype=jnp.float32)
    bias_mu = jnp.zeros((1, D_OUT), dtype=jnp.float32)
    bias_logsd = jnp.full((1, D_OUT), -6.0, dtype=jnp.float32)
    return {
        'feat': feat,
        'weight_mu': weight_mu,
        'weight_logsd': weight_logsd,
        'bias_mu': bias_mu,
        'bias_logsd': bias_logsd,
        'edge_index': edge_index,
    }


def reference(feat, weight_mu, weight_logsd, bias_mu, bias_logsd, edge_index):
    src = edge_index[0]
    dst = edge_index[1]

    # left norm (out-degrees of source nodes), norm='both' -> deg^-0.5
    deg_out = jnp.clip(jnp.bincount(src, length=N).astype(feat.dtype), 1.0, None)
    feat_src = feat * (deg_out ** -0.5)[:, None]

    # reparameterized weight sample + KL vs standard-normal prior
    ek = jax.random.key(42)
    eps_w = jax.random.normal(ek, weight_mu.shape, dtype=weight_mu.dtype)
    weight = weight_mu + jnp.exp(weight_logsd) * eps_w
    kl = jnp.sum(_kl_normal(weight_mu, weight_logsd,
                            jnp.zeros_like(weight_mu), jnp.zeros_like(weight_logsd)))

    # in_feats == out_feats (not in > out): aggregate first, then matmul
    msg = jnp.take(feat_src, src, axis=0)
    agg = jnp.zeros((N, D_IN), dtype=feat.dtype).at[dst].add(msg)
    rst = agg @ weight

    # right norm (in-degrees of destination nodes)
    deg_in = jnp.clip(jnp.bincount(dst, length=N).astype(feat.dtype), 1.0, None)
    rst = rst * (deg_in ** -0.5)[:, None]

    # reparameterized bias sample + KL
    ekb = jax.random.key(43)
    eps_b = jax.random.normal(ekb, bias_mu.shape, dtype=bias_mu.dtype)
    bias = bias_mu + jnp.exp(bias_logsd) * eps_b
    kl = kl + jnp.sum(_kl_normal(bias_mu, bias_logsd,
                                 jnp.zeros_like(bias_mu), jnp.zeros_like(bias_logsd)))
    rst = rst + bias
    return rst, kl

if __name__ == "__main__":
    import jax
    _d = setup_inputs()
    print(jax.jit(kernel)(*tuple(_d.values())))

</pallas_src>

<mosaic_0001>
#map = affine_map<(d0, d1) -> (0, 0, 0, 0)>
#map1 = affine_map<(d0, d1) -> (0, 0, 0)>
module attributes {stable_mosaic.version = 14 : i64} {
  func.func @_hist_kernel(%arg0: i32, %arg1: i32, %arg2: memref<32x80x2x128xi32, #tpu.memory_space<hbm>>, %arg3: memref<2x2x10240xf32, #tpu.memory_space<hbm>>, %arg4: memref<80x2x128xi32, #tpu.memory_space<vmem>>, %arg5: memref<128xf32, #tpu.memory_space<vmem>>, %arg6: memref<640xf32, #tpu.memory_space<vmem>>, %arg7: memref<10240xf32, #tpu.memory_space<vmem_shared>>, %arg8: memref<10240xf32, #tpu.memory_space<vmem_shared>>, %arg9: memref<!tpu.dma_semaphore, #tpu.memory_space<semaphore_mem>>) attributes {dimension_semantics = [#tpu.dimension_semantics<core_parallel>, #tpu.dimension_semantics<subcore_parallel>], iteration_bounds = array<i64: 2, 16>, scalar_prefetch = 0 : i64, scratch_operands = 6 : i64, tpu.core_type = #tpu.core_type<sc_vector_subcore>, window_params = [{transform_indices = #map}, {transform_indices = #map1}]} {
    %mul3A = arith.constant 2 : i32
    %mul3A_0 = arith.muli %arg1, %mul3A : i32
    %add3A = arith.addi %mul3A_0, %arg0 : i32
    "tpu.region"() ({
      %run_scoped3A_35 = tpu.sem_alloc : memref<!tpu.dma_semaphore, #tpu.memory_space<semaphore_mem>>
      %dma_start3A = arith.constant 0 : i32
      %dma_start3A_36 = arith.constant 0 : i32
      %dma_start3A_37 = arith.constant 0 : i32
      %dma_start3A_38 = tpu.memref_slice %arg2[%add3A, %dma_start3A, %dma_start3A_36, %dma_start3A_37] : memref<32x80x2x128xi32, #tpu.memory_space<hbm>> -> memref<1x80x2x128xi32, #tpu.memory_space<hbm>>
      %dma_start3A_39 = tpu.memref_squeeze %dma_start3A_38 : memref<1x80x2x128xi32, #tpu.memory_space<hbm>> -> memref<80x2x128xi32, #tpu.memory_space<hbm>>
      %dma_start3A_40 = arith.constant 0 : i32
      %dma_start3A_41 = arith.constant 0 : i32
      %dma_start3A_42 = arith.constant 0 : i32
      %dma_start3A_43 = tpu.memref_slice %arg2[%add3A, %dma_start3A_40, %dma_start3A_41, %dma_start3A_42] : memref<32x80x2x128xi32, #tpu.memory_space<hbm>> -> memref<1x80x2x128xi32, #tpu.memory_space<hbm>>
      %dma_start3A_44 = tpu.memref_squeeze %dma_start3A_43 : memref<1x80x2x128xi32, #tpu.memory_space<hbm>> -> memref<80x2x128xi32, #tpu.memory_space<hbm>>
      tpu.enqueue_dma source(%dma_start3A_44 : memref<80x2x128xi32, #tpu.memory_space<hbm>>) target(%arg4 : memref<80x2x128xi32, #tpu.memory_space<vmem>>) target_semaphore(%run_scoped3A_35 : memref<!tpu.dma_semaphore, #tpu.memory_space<semaphore_mem>>)
      %dma_wait3A = arith.constant 0 : i32
      %dma_wait3A_45 = arith.constant 0 : i32
      %dma_wait3A_46 = arith.constant 0 : i32
      %dma_wait3A_47 = tpu.memref_slice %arg2[%add3A, %dma_wait3A, %dma_wait3A_45, %dma_wait3A_46] : memref<32x80x2x128xi32, #tpu.memory_space<hbm>> -> memref<1x80x2x128xi32, #tpu.memory_space<hbm>>
      %dma_wait3A_48 = tpu.memref_squeeze %dma_wait3A_47 : memref<1x80x2x128xi32, #tpu.memory_space<hbm>> -> memref<80x2x128xi32, #tpu.memory_space<hbm>>
      %dma_wait3A_49 = arith.constant 0 : i32
      %dma_wait3A_50 = arith.constant 0 : i32
      %dma_wait3A_51 = arith.constant 0 : i32
      %dma_wait3A_52 = tpu.memref_slice %arg2[%add3A, %dma_wait3A_49, %dma_wait3A_50, %dma_wait3A_51] : memref<32x80x2x128xi32, #tpu.memory_space<hbm>> -> memref<1x80x2x128xi32, #tpu.memory_space<hbm>>
      %dma_wait3A_53 = tpu.memref_squeeze %dma_wait3A_52 : memref<1x80x2x128xi32, #tpu.memory_space<hbm>> -> memref<80x2x128xi32, #tpu.memory_space<hbm>>
      tpu.wait_dma2 semaphore(%run_scoped3A_35 : memref<!tpu.dma_semaphore, #tpu.memory_space<semaphore_mem>>) src(%dma_wait3A_53 : memref<80x2x128xi32, #tpu.memory_space<hbm>>) dst(%arg4 : memref<80x2x128xi32, #tpu.memory_space<vmem>>)
      tpu.yield
    }) : () -> ()
    %scan3A = arith.constant 0 : i32
    %scan3A_1 = arith.constant 0 : i32
    %scan3A_2 = arith.constant 8 : i32
    %scan3A_3 = arith.addi %scan3A_1, %scan3A_2 : i32
    %scan3A_4 = arith.constant 1 : i32
    %scan3A_5 = scf.for %scan3A_35 = %scan3A_1 to %scan3A_3 step %scan3A_4 iter_args(%scan3A_36 = %scan3A) -> (i32)  : i32 {
      %broadcast_in_dim3A = arith.constant 1.000000e+00 : f32
      %broadcast_in_dim3A_37 = vector.broadcast %broadcast_in_dim3A : f32 to vector<16xf32>
      %mul3A_38 = arith.constant 16 : i32
      %mul3A_39 = arith.muli %scan3A_35, %mul3A_38 : i32
      %swap3A = arith.index_cast %mul3A_39 : i32 to index
      %swap3A_40 = tpu.vector_load %arg5[%swap3A] {strides = array<i32>} : memref<128xf32, #tpu.memory_space<vmem>>, vector<16xf32>,
      %swap3A_41 = vector.shape_cast %swap3A_40 : vector<16xf32> to vector<16xf32>
      %swap3A_42 = vector.shape_cast %broadcast_in_dim3A_37 : vector<16xf32> to vector<16xf32>
      tpu.vector_store %arg5[%swap3A], %swap3A_42 {strides = array<i32>} : memref<128xf32, #tpu.memory_space<vmem>>, vector<16xf32>,
      %scan3A_43 = arith.constant 0 : i32
      scf.yield %scan3A_43 : i32
    }
    %scan3A_6 = arith.constant 8 : i32
    %scan3A_7 = arith.constant 0 : i32
    %scan3A_8 = arith.constant 0 : i32
    %scan3A_9 = arith.constant 40 : i32
    %scan3A_10 = arith.addi %scan3A_8, %scan3A_9 : i32
    %scan3A_11 = arith.constant 1 : i32
    %scan3A_12 = scf.for %scan3A_35 = %scan3A_8 to %scan3A_10 step %scan3A_11 iter_args(%scan3A_36 = %scan3A_7) -> (i32)  : i32 {
      %broadcast_in_dim3A = arith.constant 0.000000e+00 : f32
      %broadcast_in_dim3A_37 = vector.broadcast %broadcast_in_dim3A : f32 to vector<16xf32>
      %mul3A_38 = arith.constant 16 : i32
      %mul3A_39 = arith.muli %scan3A_35, %mul3A_38 : i32
      %swap3A = arith.index_cast %mul3A_39 : i32 to index
      %swap3A_40 = tpu.vector_load %arg6[%swap3A] {strides = array<i32>} : memref<640xf32, #tpu.memory_space<vmem>>, vector<16xf32>,
      %swap3A_41 = vector.shape_cast %swap3A_40 : vector<16xf32> to vector<16xf32>
      %swap3A_42 = vector.shape_cast %broadcast_in_dim3A_37 : vector<16xf32> to vector<16xf32>
      tpu.vector_store %arg6[%swap3A], %swap3A_42 {strides = array<i32>} : memref<640xf32, #tpu.memory_space<vmem>>, vector<16xf32>,
      %scan3A_43 = arith.constant 0 : i32
      scf.yield %scan3A_43 : i32
    }
    %scan3A_13 = arith.constant 40 : i32
    %mul3A_14 = arith.constant 640 : i32
    %mul3A_15 = arith.muli %arg1, %mul3A_14 : i32
    "tpu.region"() ({
      %run_scoped3A_35 = tpu.sem_alloc : memref<!tpu.dma_semaphore, #tpu.memory_space<semaphore_mem>>
      %dma_start3A = tpu.memref_slice %arg7[%mul3A_15] : memref<10240xf32, #tpu.memory_space<vmem_shared>> -> memref<640xf32, #tpu.memory_space<vmem_shared>>
      %dma_start3A_36 = tpu.memref_slice %arg7[%mul3A_15] : memref<10240xf32, #tpu.memory_space<vmem_shared>> -> memref<640xf32, #tpu.memory_space<vmem_shared>>
      tpu.enqueue_dma source(%arg6 : memref<640xf32, #tpu.memory_space<vmem>>) target(%dma_start3A_36 : memref<640xf32, #tpu.memory_space<vmem_shared>>) target_semaphore(%run_scoped3A_35 : memref<!tpu.dma_semaphore, #tpu.memory_space<semaphore_mem>>)
      %dma_wait3A = tpu.memref_slice %arg7[%mul3A_15] : memref<10240xf32, #tpu.memory_space<vmem_shared>> -> memref<640xf32, #tpu.memory_space<vmem_shared>>
      %dma_wait3A_37 = tpu.memref_slice %arg7[%mul3A_15] : memref<10240xf32, #tpu.memory_space<vmem_shared>> -> memref<640xf32, #tpu.memory_space<vmem_shared>>
      tpu.wait_dma2 semaphore(%run_scoped3A_35 : memref<!tpu.dma_semaphore, #tpu.memory_space<semaphore_mem>>) src(%arg6 : memref<640xf32, #tpu.memory_space<vmem>>) dst(%dma_wait3A_37 : memref<640xf32, #tpu.memory_space<vmem_shared>>)
      tpu.yield
    }) : () -> ()
    %mul3A_16 = arith.constant 640 : i32
    %mul3A_17 = arith.muli %arg1, %mul3A_16 : i32
    "tpu.region"() ({
      %run_scoped3A_35 = tpu.sem_alloc : memref<!tpu.dma_semaphore, #tpu.memory_space<semaphore_mem>>
      %dma_start3A = tpu.memref_slice %arg8[%mul3A_17] : memref<10240xf32, #tpu.memory_space<vmem_shared>> -> memref<640xf32, #tpu.memory_space<vmem_shared>>
      %dma_start3A_36 = tpu.memref_slice %arg8[%mul3A_17] : memref<10240xf32, #tpu.memory_space<vmem_shared>> -> memref<640xf32, #tpu.memory_space<vmem_shared>>
      tpu.enqueue_dma source(%arg6 : memref<640xf32, #tpu.memory_space<vmem>>) target(%dma_start3A_36 : memref<640xf32, #tpu.memory_space<vmem_shared>>) target_semaphore(%run_scoped3A_35 : memref<!tpu.dma_semaphore, #tpu.memory_space<semaphore_mem>>)
      %dma_wait3A = tpu.memref_slice %arg8[%mul3A_17] : memref<10240xf32, #tpu.memory_space<vmem_shared>> -> memref<640xf32, #tpu.memory_space<vmem_shared>>
      %dma_wait3A_37 = tpu.memref_slice %arg8[%mul3A_17] : memref<10240xf32, #tpu.memory_space<vmem_shared>> -> memref<640xf32, #tpu.memory_space<vmem_shared>>
      tpu.wait_dma2 semaphore(%run_scoped3A_35 : memref<!tpu.dma_semaphore, #tpu.memory_space<semaphore_mem>>) src(%arg6 : memref<640xf32, #tpu.memory_space<vmem>>) dst(%dma_wait3A_37 : memref<640xf32, #tpu.memory_space<vmem_shared>>)
      tpu.yield
    }) : () -> ()
    %barrier3A = arith.constant 0 : index
    tpu.barrier barrier_id(%barrier3A)
    %scan3A_18 = arith.constant 0 : i32
    %scan3A_19 = arith.constant 0 : i32
    %scan3A_20 = arith.constant 10 : i32
    %scan3A_21 = arith.addi %scan3A_19, %scan3A_20 : i32
    %scan3A_22 = arith.constant 1 : i32
    %scan3A_23 = scf.for %scan3A_35 = %scan3A_19 to %scan3A_21 step %scan3A_22 iter_args(%scan3A_36 = %scan3A_18) -> (i32)  : i32 {
      %scan3A_37 = arith.constant 0 : i32
      %scan3A_38 = arith.constant 0 : i32
      %scan3A_39 = arith.constant 8 : i32
      %scan3A_40 = arith.addi %scan3A_38, %scan3A_39 : i32
      %scan3A_41 = arith.constant 1 : i32
      %scan3A_42 = scf.for %scan3A_52 = %scan3A_38 to %scan3A_40 step %scan3A_41 iter_args(%scan3A_53 = %scan3A_37) -> (i32)  : i32 {
        %mul3A_54 = arith.constant 8 : i32
        %mul3A_55 = arith.muli %scan3A_35, %mul3A_54 : i32
        %add3A_56 = arith.addi %mul3A_55, %scan3A_52 : i32
        %dma_start3A = arith.constant 0 : i32
        %dma_start3A_57 = arith.constant 0 : i32
        %dma_start3A_58 = tpu.memref_slice %arg4[%add3A_56, %dma_start3A, %dma_start3A_57] : memref<80x2x128xi32, #tpu.memory_space<vmem>> -> memref<1x1x128xi32, #tpu.memory_space<vmem>>
        %dma_start3A_59 = tpu.memref_squeeze %dma_start3A_58 : memref<1x1x128xi32, #tpu.memory_space<vmem>> -> memref<128xi32, #tpu.memory_space<vmem>>
        %dma_start3A_60 = arith.constant 0 : i32
        %dma_start3A_61 = tpu.memref_slice %arg7[%dma_start3A_60] : memref<10240xf32, #tpu.memory_space<vmem_shared>> -> memref<10240xf32, #tpu.memory_space<vmem_shared>>
        tpu.enqueue_indirect_dma source(%arg5 : memref<128xf32, #tpu.memory_space<vmem>>) target(%dma_start3A_61 : memref<10240xf32, #tpu.memory_space<vmem_shared>>) offsets(%dma_start3A_59 : memref<128xi32, #tpu.memory_space<vmem>>) semaphore(%arg9 : memref<!tpu.dma_semaphore, #tpu.memory_space<semaphore_mem>>) {add = true}
        %dma_start3A_62 = arith.constant 1 : i32
        %dma_start3A_63 = arith.constant 0 : i32
        %dma_start3A_64 = tpu.memref_slice %arg4[%add3A_56, %dma_start3A_62, %dma_start3A_63] : memref<80x2x128xi32, #tpu.memory_space<vmem>> -> memref<1x1x128xi32, #tpu.memory_space<vmem>>
        %dma_start3A_65 = tpu.memref_squeeze %dma_start3A_64 : memref<1x1x128xi32, #tpu.memory_space<vmem>> -> memref<128xi32, #tpu.memory_space<vmem>>
        %dma_start3A_66 = arith.constant 0 : i32
        %dma_start3A_67 = tpu.memref_slice %arg8[%dma_start3A_66] : memref<10240xf32, #tpu.memory_space<vmem_shared>> -> memref<10240xf32, #tpu.memory_space<vmem_shared>>
        tpu.enqueue_indirect_dma source(%arg5 : memref<128xf32, #tpu.memory_space<vmem>>) target(%dma_start3A_67 : memref<10240xf32, #tpu.memory_space<vmem_shared>>) offsets(%dma_start3A_65 : memref<128xi32, #tpu.memory_space<vmem>>) semaphore(%arg9 : memref<!tpu.dma_semaphore, #tpu.memory_space<semaphore_mem>>) {add = true}
        %scan3A_68 = arith.constant 0 : i32
        scf.yield %scan3A_68 : i32
      }
      %scan3A_43 = arith.constant 8 : i32
      %scan3A_44 = arith.constant 0 : i32
      %scan3A_45 = arith.constant 0 : i32
      %scan3A_46 = arith.constant 8 : i32
      %scan3A_47 = arith.addi %scan3A_45, %scan3A_46 : i32
      %scan3A_48 = arith.constant 1 : i32
      %scan3A_49 = scf.for %scan3A_52 = %scan3A_45 to %scan3A_47 step %scan3A_48 iter_args(%scan3A_53 = %scan3A_44) -> (i32)  : i32 {
        %mul3A_54 = arith.constant 8 : i32
        %mul3A_55 = arith.muli %scan3A_35, %mul3A_54 : i32
        %add3A_56 = arith.addi %mul3A_55, %scan3A_52 : i32
        %dma_wait3A = arith.constant 0 : i32
        %dma_wait3A_57 = arith.constant 0 : i32
        %dma_wait3A_58 = tpu.memref_slice %arg4[%add3A_56, %dma_wait3A, %dma_wait3A_57] : memref<80x2x128xi32, #tpu.memory_space<vmem>> -> memref<1x1x128xi32, #tpu.memory_space<vmem>>
        %dma_wait3A_59 = tpu.memref_squeeze %dma_wait3A_58 : memref<1x1x128xi32, #tpu.memory_space<vmem>> -> memref<128xi32, #tpu.memory_space<vmem>>
        %dma_wait3A_60 = arith.constant 0 : i32
        %dma_wait3A_61 = tpu.memref_slice %arg7[%dma_wait3A_60] : memref<10240xf32, #tpu.memory_space<vmem_shared>> -> memref<10240xf32, #tpu.memory_space<vmem_shared>>
        tpu.wait_indirect_dma semaphore(%arg9 : memref<!tpu.dma_semaphore, #tpu.memory_space<semaphore_mem>>) src(%arg5 : memref<128xf32, #tpu.memory_space<vmem>>) dst(%dma_wait3A_61 : memref<10240xf32, #tpu.memory_space<vmem_shared>>)
        %dma_wait3A_62 = arith.constant 1 : i32
        %dma_wait3A_63 = arith.constant 0 : i32
        %dma_wait3A_64 = tpu.memref_slice %arg4[%add3A_56, %dma_wait3A_62, %dma_wait3A_63] : memref<80x2x128xi32, #tpu.memory_space<vmem>> -> memref<1x1x128xi32, #tpu.memory_space<vmem>>
        %dma_wait3A_65 = tpu.memref_squeeze %dma_wait3A_64 : memref<1x1x128xi32, #tpu.memory_space<vmem>> -> memref<128xi32, #tpu.memory_space<vmem>>
        %dma_wait3A_66 = arith.constant 0 : i32
        %dma_wait3A_67 = tpu.memref_slice %arg8[%dma_wait3A_66] : memref<10240xf32, #tpu.memory_space<vmem_shared>> -> memref<10240xf32, #tpu.memory_space<vmem_shared>>
        tpu.wait_indirect_dma semaphore(%arg9 : memref<!tpu.dma_semaphore, #tpu.memory_space<semaphore_mem>>) src(%arg5 : memref<128xf32, #tpu.memory_space<vmem>>) dst(%dma_wait3A_67 : memref<10240xf32, #tpu.memory_space<vmem_shared>>)
        %scan3A_68 = arith.constant 0 : i32
        scf.yield %scan3A_68 : i32
      }
      %scan3A_50 = arith.constant 8 : i32
      %scan3A_51 = arith.constant 0 : i32
      scf.yield %scan3A_51 : i32
    }
    %scan3A_24 = arith.constant 10 : i32
    %barrier3A_25 = arith.constant 0 : index
    tpu.barrier barrier_id(%barrier3A_25)
    %mul3A_26 = arith.constant 640 : i32
    %mul3A_27 = arith.muli %arg1, %mul3A_26 : i32
    "tpu.region"() ({
      %run_scoped3A_35 = tpu.sem_alloc : memref<!tpu.dma_semaphore, #tpu.memory_space<semaphore_mem>>
      %dma_start3A = tpu.memref_slice %arg7[%mul3A_27] : memref<10240xf32, #tpu.memory_space<vmem_shared>> -> memref<640xf32, #tpu.memory_space<vmem_shared>>
      %dma_start3A_36 = tpu.memref_slice %arg7[%mul3A_27] : memref<10240xf32, #tpu.memory_space<vmem_shared>> -> memref<640xf32, #tpu.memory_space<vmem_shared>>
      tpu.enqueue_dma source(%dma_start3A_36 : memref<640xf32, #tpu.memory_space<vmem_shared>>) target(%arg6 : memref<640xf32, #tpu.memory_space<vmem>>) target_semaphore(%run_scoped3A_35 : memref<!tpu.dma_semaphore, #tpu.memory_space<semaphore_mem>>)
      %dma_wait3A = tpu.memref_slice %arg7[%mul3A_27] : memref<10240xf32, #tpu.memory_space<vmem_shared>> -> memref<640xf32, #tpu.memory_space<vmem_shared>>
      %dma_wait3A_37 = tpu.memref_slice %arg7[%mul3A_27] : memref<10240xf32, #tpu.memory_space<vmem_shared>> -> memref<640xf32, #tpu.memory_space<vmem_shared>>
      tpu.wait_dma2 semaphore(%run_scoped3A_35 : memref<!tpu.dma_semaphore, #tpu.memory_space<semaphore_mem>>) src(%dma_wait3A_37 : memref<640xf32, #tpu.memory_space<vmem_shared>>) dst(%arg6 : memref<640xf32, #tpu.memory_space<vmem>>)
      tpu.yield
    }) : () -> ()
    %mul3A_28 = arith.constant 640 : i32
    %mul3A_29 = arith.muli %arg1, %mul3A_28 : i32
    %run_scoped3A = arith.constant 0 : i32
    "tpu.region"() ({
      %run_scoped3A_35 = tpu.sem_alloc : memref<!tpu.dma_semaphore, #tpu.memory_space<semaphore_mem>>
      %dma_start3A = tpu.memref_slice %arg3[%arg0, %run_scoped3A, %mul3A_29] : memref<2x2x10240xf32, #tpu.memory_space<hbm>> -> memref<1x1x640xf32, #tpu.memory_space<hbm>>
      %dma_start3A_36 = tpu.memref_squeeze %dma_start3A : memref<1x1x640xf32, #tpu.memory_space<hbm>> -> memref<640xf32, #tpu.memory_space<hbm>>
      %dma_start3A_37 = tpu.memref_slice %arg3[%arg0, %run_scoped3A, %mul3A_29] : memref<2x2x10240xf32, #tpu.memory_space<hbm>> -> memref<1x1x640xf32, #tpu.memory_space<hbm>>
      %dma_start3A_38 = tpu.memref_squeeze %dma_start3A_37 : memref<1x1x640xf32, #tpu.memory_space<hbm>> -> memref<640xf32, #tpu.memory_space<hbm>>
      tpu.enqueue_dma source(%arg6 : memref<640xf32, #tpu.memory_space<vmem>>) target(%dma_start3A_38 : memref<640xf32, #tpu.memory_space<hbm>>) target_semaphore(%run_scoped3A_35 : memref<!tpu.dma_semaphore, #tpu.memory_space<semaphore_mem>>)
      %dma_wait3A = tpu.memref_slice %arg3[%arg0, %run_scoped3A, %mul3A_29] : memref<2x2x10240xf32, #tpu.memory_space<hbm>> -> memref<1x1x640xf32, #tpu.memory_space<hbm>>
      %dma_wait3A_39 = tpu.memref_squeeze %dma_wait3A : memref<1x1x640xf32, #tpu.memory_space<hbm>> -> memref<640xf32, #tpu.memory_space<hbm>>
      %dma_wait3A_40 = tpu.memref_slice %arg3[%arg0, %run_scoped3A, %mul3A_29] : memref<2x2x10240xf32, #tpu.memory_space<hbm>> -> memref<1x1x640xf32, #tpu.memory_space<hbm>>
      %dma_wait3A_41 = tpu.memref_squeeze %dma_wait3A_40 : memref<1x1x640xf32, #tpu.memory_space<hbm>> -> memref<640xf32, #tpu.memory_space<hbm>>
      tpu.wait_dma2 semaphore(%run_scoped3A_35 : memref<!tpu.dma_semaphore, #tpu.memory_space<semaphore_mem>>) src(%arg6 : memref<640xf32, #tpu.memory_space<vmem>>) dst(%dma_wait3A_41 : memref<640xf32, #tpu.memory_space<hbm>>)
      tpu.yield
    }) : () -> ()
    %mul3A_30 = arith.constant 640 : i32
    %mul3A_31 = arith.muli %arg1, %mul3A_30 : i32
    "tpu.region"() ({
      %run_scoped3A_35 = tpu.sem_alloc : memref<!tpu.dma_semaphore, #tpu.memory_space<semaphore_mem>>
      %dma_start3A = tpu.memref_slice %arg8[%mul3A_31] : memref<10240xf32, #tpu.memory_space<vmem_shared>> -> memref<640xf32, #tpu.memory_space<vmem_shared>>
      %dma_start3A_36 = tpu.memref_slice %arg8[%mul3A_31] : memref<10240xf32, #tpu.memory_space<vmem_shared>> -> memref<640xf32, #tpu.memory_space<vmem_shared>>
      tpu.enqueue_dma source(%dma_start3A_36 : memref<640xf32, #tpu.memory_space<vmem_shared>>) target(%arg6 : memref<640xf32, #tpu.memory_space<vmem>>) target_semaphore(%run_scoped3A_35 : memref<!tpu.dma_semaphore, #tpu.memory_space<semaphore_mem>>)
      %dma_wait3A = tpu.memref_slice %arg8[%mul3A_31] : memref<10240xf32, #tpu.memory_space<vmem_shared>> -> memref<640xf32, #tpu.memory_space<vmem_shared>>
      %dma_wait3A_37 = tpu.memref_slice %arg8[%mul3A_31] : memref<10240xf32, #tpu.memory_space<vmem_shared>> -> memref<640xf32, #tpu.memory_space<vmem_shared>>
      tpu.wait_dma2 semaphore(%run_scoped3A_35 : memref<!tpu.dma_semaphore, #tpu.memory_space<semaphore_mem>>) src(%dma_wait3A_37 : memref<640xf32, #tpu.memory_space<vmem_shared>>) dst(%arg6 : memref<640xf32, #tpu.memory_space<vmem>>)
      tpu.yield
    }) : () -> ()
    %mul3A_32 = arith.constant 640 : i32
    %mul3A_33 = arith.muli %arg1, %mul3A_32 : i32
    %run_scoped3A_34 = arith.constant 1 : i32
    "tpu.region"() ({
      %run_scoped3A_35 = tpu.sem_alloc : memref<!tpu.dma_semaphore, #tpu.memory_space<semaphore_mem>>
      %dma_start3A = tpu.memref_slice %arg3[%arg0, %run_scoped3A_34, %mul3A_33] : memref<2x2x10240xf32, #tpu.memory_space<hbm>> -> memref<1x1x640xf32, #tpu.memory_space<hbm>>
      %dma_start3A_36 = tpu.memref_squeeze %dma_start3A : memref<1x1x640xf32, #tpu.memory_space<hbm>> -> memref<640xf32, #tpu.memory_space<hbm>>
      %dma_start3A_37 = tpu.memref_slice %arg3[%arg0, %run_scoped3A_34, %mul3A_33] : memref<2x2x10240xf32, #tpu.memory_space<hbm>> -> memref<1x1x640xf32, #tpu.memory_space<hbm>>
      %dma_start3A_38 = tpu.memref_squeeze %dma_start3A_37 : memref<1x1x640xf32, #tpu.memory_space<hbm>> -> memref<640xf32, #tpu.memory_space<hbm>>
      tpu.enqueue_dma source(%arg6 : memref<640xf32, #tpu.memory_space<vmem>>) target(%dma_start3A_38 : memref<640xf32, #tpu.memory_space<hbm>>) target_semaphore(%run_scoped3A_35 : memref<!tpu.dma_semaphore, #tpu.memory_space<semaphore_mem>>)
      %dma_wait3A = tpu.memref_slice %arg3[%arg0, %run_scoped3A_34, %mul3A_33] : memref<2x2x10240xf32, #tpu.memory_space<hbm>> -> memref<1x1x640xf32, #tpu.memory_space<hbm>>
      %dma_wait3A_39 = tpu.memref_squeeze %dma_wait3A : memref<1x1x640xf32, #tpu.memory_space<hbm>> -> memref<640xf32, #tpu.memory_space<hbm>>
      %dma_wait3A_40 = tpu.memref_slice %arg3[%arg0, %run_scoped3A_34, %mul3A_33] : memref<2x2x10240xf32, #tpu.memory_space<hbm>> -> memref<1x1x640xf32, #tpu.memory_space<hbm>>
      %dma_wait3A_41 = tpu.memref_squeeze %dma_wait3A_40 : memref<1x1x640xf32, #tpu.memory_space<hbm>> -> memref<640xf32, #tpu.memory_space<hbm>>
      tpu.wait_dma2 semaphore(%run_scoped3A_35 : memref<!tpu.dma_semaphore, #tpu.memory_space<semaphore_mem>>) src(%arg6 : memref<640xf32, #tpu.memory_space<vmem>>) dst(%dma_wait3A_41 : memref<640xf32, #tpu.memory_space<hbm>>)
      tpu.yield
    }) : () -> ()
    return
  }
}

#map = affine_map<(d0, d1) -> (0, 0)>
#map1 = affine_map<(d0, d1) -> (0, 0, 0, 0)>
#map2 = affine_map<(d0, d1) -> (0, 0, 0)>
module attributes {stable_mosaic.version = 14 : i64} {
  func.func @_agg_kernel(%arg0: i32, %arg1: i32, %arg2: memref<10000x128xf32, #tpu.memory_space<hbm>>, %arg3: memref<32x80x2x128xi32, #tpu.memory_space<hbm>>, %arg4: memref<2x10240x128xf32, #tpu.memory_space<hbm>>, %arg5: memref<20x2x128xi32, #tpu.memory_space<vmem>>, %arg6: memref<20x2x128xi32, #tpu.memory_space<vmem>>, %arg7: memref<128x128xf32, #tpu.memory_space<vmem>>, %arg8: memref<128x128xf32, #tpu.memory_space<vmem>>, %arg9: memref<10240x128xf32, #tpu.memory_space<vmem_shared>>, %arg10: memref<!tpu.dma_semaphore, #tpu.memory_space<semaphore_mem>>, %arg11: memref<!tpu.dma_semaphore, #tpu.memory_space<semaphore_mem>>, %arg12: memref<!tpu.dma_semaphore, #tpu.memory_space<semaphore_mem>>, %arg13: memref<!tpu.dma_semaphore, #tpu.memory_space<semaphore_mem>>) attributes {dimension_semantics = [#tpu.dimension_semantics<core_parallel>, #tpu.dimension_semantics<subcore_parallel>], iteration_bounds = array<i64: 2, 16>, scalar_prefetch = 0 : i64, scratch_operands = 9 : i64, tpu.core_type = #tpu.core_type<sc_vector_subcore>, window_params = [{transform_indices = #map}, {transform_indices = #map1}, {transform_indices = #map2}]} {
    %mul3A = arith.constant 2 : i32
    %mul3A_0 = arith.muli %arg1, %mul3A : i32
    %add3A = arith.addi %mul3A_0, %arg0 : i32
    %dma_start3A = arith.constant 0 : i32
    %dma_start3A_1 = arith.constant 0 : i32
    %dma_start3A_2 = arith.constant 0 : i32
    %dma_start3A_3 = tpu.memref_slice %arg3[%add3A, %dma_start3A, %dma_start3A_1, %dma_start3A_2] : memref<32x80x2x128xi32, #tpu.memory_space<hbm>> -> memref<1x20x2x128xi32, #tpu.memory_space<hbm>>
    %dma_start3A_4 = tpu.memref_squeeze %dma_start3A_3 : memref<1x20x2x128xi32, #tpu.memory_space<hbm>> -> memref<20x2x128xi32, #tpu.memory_space<hbm>>
    %dma_start3A_5 = arith.constant 0 : i32
    %dma_start3A_6 = arith.constant 0 : i32
    %dma_start3A_7 = arith.constant 0 : i32
    %dma_start3A_8 = tpu.memref_slice %arg3[%add3A, %dma_start3A_5, %dma_start3A_6, %dma_start3A_7] : memref<32x80x2x128xi32, #tpu.memory_space<hbm>> -> memref<1x20x2x128xi32, #tpu.memory_space<hbm>>
    %dma_start3A_9 = tpu.memref_squeeze %dma_start3A_8 : memref<1x20x2x128xi32, #tpu.memory_space<hbm>> -> memref<20x2x128xi32, #tpu.memory_space<hbm>>
    tpu.enqueue_dma source(%dma_start3A_9 : memref<20x2x128xi32, #tpu.memory_space<hbm>>) target(%arg5 : memref<20x2x128xi32, #tpu.memory_space<vmem>>) target_semaphore(%arg10 : memref<!tpu.dma_semaphore, #tpu.memory_space<semaphore_mem>>)
    %scan3A = arith.constant 0 : i32
    %scan3A_10 = arith.constant 0 : i32
    %scan3A_11 = arith.constant 1024 : i32
    %scan3A_12 = arith.addi %scan3A_10, %scan3A_11 : i32
    %scan3A_13 = arith.constant 1 : i32
    %scan3A_14 = scf.for %scan3A_192 = %scan3A_10 to %scan3A_12 step %scan3A_13 iter_args(%scan3A_193 = %scan3A) -> (i32)  : i32 {
      %broadcast_in_dim3A = arith.constant 0.000000e+00 : f32
      %broadcast_in_dim3A_194 = vector.broadcast %broadcast_in_dim3A : f32 to vector<16xf32>
      %jit3A = arith.constant 8 : i32
      %div3A = arith.divsi %scan3A_192, %jit3A : i32
      %sign3A = arith.constant 0 : i32
      %sign3A_195 = arith.cmpi sgt, %scan3A_192, %sign3A : i32
      %sign3A_196 = arith.extui %sign3A_195 : i1 to i32
      %sign3A_197 = arith.constant 0 : i32
      %sign3A_198 = arith.cmpi slt, %scan3A_192, %sign3A_197 : i32
      %sign3A_199 = arith.extui %sign3A_198 : i1 to i32
      %sign3A_200 = arith.subi %sign3A_196, %sign3A_199 : i32
      %sign3A_201 = arith.constant 0 : i32
      %sign3A_202 = arith.cmpi sgt, %jit3A, %sign3A_201 : i32
      %sign3A_203 = arith.extui %sign3A_202 : i1 to i32
      %sign3A_204 = arith.constant 0 : i32
      %sign3A_205 = arith.cmpi slt, %jit3A, %sign3A_204 : i32
      %sign3A_206 = arith.extui %sign3A_205 : i1 to i32
      %sign3A_207 = arith.subi %sign3A_203, %sign3A_206 : i32
      %ne3A = arith.cmpi ne, %sign3A_200, %sign3A_207 : i32
      %rem3A = arith.remsi %scan3A_192, %jit3A : i32
      %ne3A_208 = arith.constant 0 : i32
      %ne3A_209 = arith.cmpi ne, %rem3A, %ne3A_208 : i32
      %and3A = arith.andi %ne3A, %ne3A_209 : i1
      %sub3A = arith.constant 1 : i32
      %sub3A_210 = arith.subi %div3A, %sub3A : i32
      %select_n3A = arith.select %and3A, %sub3A_210, %div3A : i32
      %jit3A_211 = arith.constant 8 : i32
      %eq3A = arith.constant 0 : i32
      %eq3A_212 = arith.cmpi eq, %jit3A_211, %eq3A : i32
      %jit3A_213 = arith.constant 1 : i32
      %select_n3A_214 = arith.select %eq3A_212, %jit3A_213, %jit3A_211 : i32
      %rem3A_215 = arith.remsi %scan3A_192, %select_n3A_214 : i32
      %ne3A_216 = arith.constant 0 : i32
      %ne3A_217 = arith.cmpi ne, %rem3A_215, %ne3A_216 : i32
      %lt3A = arith.constant 0 : i32
      %lt3A_218 = arith.cmpi slt, %rem3A_215, %lt3A : i32
      %lt3A_219 = arith.constant 0 : i32
      %lt3A_220 = arith.cmpi slt, %select_n3A_214, %lt3A_219 : i32
      %ne3A_221 = arith.xori %lt3A_218, %lt3A_220 : i1
      %and3A_222 = arith.andi %ne3A_221, %ne3A_217 : i1
      %add3A_223 = arith.addi %rem3A_215, %select_n3A_214 : i32
      %select_n3A_224 = arith.select %and3A_222, %add3A_223, %rem3A_215 : i32
      %mul3A_225 = arith.constant 16 : i32
      %mul3A_226 = arith.muli %select_n3A_224, %mul3A_225 : i32
      %swap3A = arith.index_cast %select_n3A : i32 to index
      %swap3A_227 = arith.index_cast %mul3A_226 : i32 to index
      %swap3A_228 = tpu.vector_load %arg7[%swap3A, %swap3A_227] {strides = array<i32>} : memref<128x128xf32, #tpu.memory_space<vmem>>, vector<1x16xf32>,
      %swap3A_229 = vector.shape_cast %swap3A_228 : vector<1x16xf32> to vector<16xf32>
      %swap3A_230 = vector.shape_cast %broadcast_in_dim3A_194 : vector<16xf32> to vector<1x16xf32>
      tpu.vector_store %arg7[%swap3A, %swap3A_227], %swap3A_230 {strides = array<i32>} : memref<128x128xf32, #tpu.memory_space<vmem>>, vector<1x16xf32>,
      %scan3A_231 = arith.constant 0 : i32
      scf.yield %scan3A_231 : i32
    }
    %scan3A_15 = arith.constant 1024 : i32
    %scan3A_16 = arith.constant 0 : i32
    %scan3A_17 = arith.constant 0 : i32
    %scan3A_18 = arith.constant 5 : i32
    %scan3A_19 = arith.addi %scan3A_17, %scan3A_18 : i32
    %scan3A_20 = arith.constant 1 : i32
    %scan3A_21 = scf.for %scan3A_192 = %scan3A_17 to %scan3A_19 step %scan3A_20 iter_args(%scan3A_193 = %scan3A_16) -> (i32)  : i32 {
      %mul3A_194 = arith.constant 640 : i32
      %mul3A_195 = arith.muli %arg1, %mul3A_194 : i32
      %mul3A_196 = arith.constant 128 : i32
      %mul3A_197 = arith.muli %scan3A_192, %mul3A_196 : i32
      %add3A_198 = arith.addi %mul3A_195, %mul3A_197 : i32
      "tpu.region"() ({
        %run_scoped3A = tpu.sem_alloc : memref<!tpu.dma_semaphore, #tpu.memory_space<semaphore_mem>>
        %dma_start3A_200 = arith.constant 0 : i32
        %dma_start3A_201 = tpu.memref_slice %arg9[%add3A_198, %dma_start3A_200] : memref<10240x128xf32, #tpu.memory_space<vmem_shared>> -> memref<128x128xf32, #tpu.memory_space<vmem_shared>>
        %dma_start3A_202 = arith.constant 0 : i32
        %dma_start3A_203 = tpu.memref_slice %arg9[%add3A_198, %dma_start3A_202] : memref<10240x128xf32, #tpu.memory_space<vmem_shared>> -> memref<128x128xf32, #tpu.memory_space<vmem_shared>>
        tpu.enqueue_dma source(%arg7 : memref<128x128xf32, #tpu.memory_space<vmem>>) target(%dma_start3A_203 : memref<128x128xf32, #tpu.memory_space<vmem_shared>>) target_semaphore(%run_scoped3A : memref<!tpu.dma_semaphore, #tpu.memory_space<semaphore_mem>>)
        %dma_wait3A_204 = arith.constant 0 : i32
        %dma_wait3A_205 = tpu.memref_slice %arg9[%add3A_198, %dma_wait3A_204] : memref<10240x128xf32, #tpu.memory_space<vmem_shared>> -> memref<128x128xf32, #tpu.memory_space<vmem_shared>>
        %dma_wait3A_206 = arith.constant 0 : i32
        %dma_wait3A_207 = tpu.memref_slice %arg9[%add3A_198, %dma_wait3A_206] : memref<10240x128xf32, #tpu.memory_space<vmem_shared>> -> memref<128x128xf32, #tpu.memory_space<vmem_shared>>
        tpu.wait_dma2 semaphore(%run_scoped3A : memref<!tpu.dma_semaphore, #tpu.memory_space<semaphore_mem>>) src(%arg7 : memref<128x128xf32, #tpu.memory_space<vmem>>) dst(%dma_wait3A_207 : memref<128x128xf32, #tpu.memory_space<vmem_shared>>)
        tpu.yield
      }) : () -> ()
      %scan3A_199 = arith.constant 0 : i32
      scf.yield %scan3A_199 : i32
    }
    %scan3A_22 = arith.constant 5 : i32
    %barrier3A = arith.constant 0 : index
    tpu.barrier barrier_id(%barrier3A)
    %dma_wait3A = arith.constant 0 : i32
    %dma_wait3A_23 = arith.constant 0 : i32
    %dma_wait3A_24 = arith.constant 0 : i32
    %dma_wait3A_25 = tpu.memref_slice %arg3[%add3A, %dma_wait3A, %dma_wait3A_23, %dma_wait3A_24] : memref<32x80x2x128xi32, #tpu.memory_space<hbm>> -> memref<1x20x2x128xi32, #tpu.memory_space<hbm>>
    %dma_wait3A_26 = tpu.memref_squeeze %dma_wait3A_25 : memref<1x20x2x128xi32, #tpu.memory_space<hbm>> -> memref<20x2x128xi32, #tpu.memory_space<hbm>>
    %dma_wait3A_27 = arith.constant 0 : i32
    %dma_wait3A_28 = arith.constant 0 : i32
    %dma_wait3A_29 = arith.constant 0 : i32
    %dma_wait3A_30 = tpu.memref_slice %arg3[%add3A, %dma_wait3A_27, %dma_wait3A_28, %dma_wait3A_29] : memref<32x80x2x128xi32, #tpu.memory_space<hbm>> -> memref<1x20x2x128xi32, #tpu.memory_space<hbm>>
    %dma_wait3A_31 = tpu.memref_squeeze %dma_wait3A_30 : memref<1x20x2x128xi32, #tpu.memory_space<hbm>> -> memref<20x2x128xi32, #tpu.memory_space<hbm>>
    tpu.wait_dma2 semaphore(%arg10 : memref<!tpu.dma_semaphore, #tpu.memory_space<semaphore_mem>>) src(%dma_wait3A_31 : memref<20x2x128xi32, #tpu.memory_space<hbm>>) dst(%arg5 : memref<20x2x128xi32, #tpu.memory_space<vmem>>)
    %dma_start3A_32 = arith.constant 20 : i32
    %dma_start3A_33 = arith.constant 0 : i32
    %dma_start3A_34 = arith.constant 0 : i32
    %dma_start3A_35 = tpu.memref_slice %arg3[%add3A, %dma_start3A_32, %dma_start3A_33, %dma_start3A_34] : memref<32x80x2x128xi32, #tpu.memory_space<hbm>> -> memref<1x20x2x128xi32, #tpu.memory_space<hbm>>
    %dma_start3A_36 = tpu.memref_squeeze %dma_start3A_35 : memref<1x20x2x128xi32, #tpu.memory_space<hbm>> -> memref<20x2x128xi32, #tpu.memory_space<hbm>>
    %dma_start3A_37 = arith.constant 20 : i32
    %dma_start3A_38 = arith.constant 0 : i32
    %dma_start3A_39 = arith.constant 0 : i32
    %dma_start3A_40 = tpu.memref_slice %arg3[%add3A, %dma_start3A_37, %dma_start3A_38, %dma_start3A_39] : memref<32x80x2x128xi32, #tpu.memory_space<hbm>> -> memref<1x20x2x128xi32, #tpu.memory_space<hbm>>
    %dma_start3A_41 = tpu.memref_squeeze %dma_start3A_40 : memref<1x20x2x128xi32, #tpu.memory_space<hbm>> -> memref<20x2x128xi32, #tpu.memory_space<hbm>>
    tpu.enqueue_dma source(%dma_start3A_41 : memref<20x2x128xi32, #tpu.memory_space<hbm>>) target(%arg6 : memref<20x2x128xi32, #tpu.memory_space<vmem>>) target_semaphore(%arg11 : memref<!tpu.dma_semaphore, #tpu.memory_space<semaphore_mem>>)
    %dma_start3A_42 = arith.constant 0 : i32
    %dma_start3A_43 = arith.constant 0 : i32
    %dma_start3A_44 = arith.constant 0 : i32
    %dma_start3A_45 = tpu.memref_slice %arg5[%dma_start3A_42, %dma_start3A_43, %dma_start3A_44] : memref<20x2x128xi32, #tpu.memory_space<vmem>> -> memref<1x1x128xi32, #tpu.memory_space<vmem>>
    %dma_start3A_46 = tpu.memref_squeeze %dma_start3A_45 : memref<1x1x128xi32, #tpu.memory_space<vmem>> -> memref<128xi32, #tpu.memory_space<vmem>>
    %dma_start3A_47 = arith.constant 0 : i32
    %dma_start3A_48 = arith.constant 0 : i32
    %dma_start3A_49 = tpu.memref_slice %arg2[%dma_start3A_47, %dma_start3A_48] : memref<10000x128xf32, #tpu.memory_space<hbm>> -> memref<10000x128xf32, #tpu.memory_space<hbm>>
    tpu.enqueue_indirect_dma source(%dma_start3A_49 : memref<10000x128xf32, #tpu.memory_space<hbm>>) target(%arg7 : memref<128x128xf32, #tpu.memory_space<vmem>>) offsets(%dma_start3A_46 : memref<128xi32, #tpu.memory_space<vmem>>) semaphore(%arg12 : memref<!tpu.dma_semaphore, #tpu.memory_space<semaphore_mem>>)
    %dma_start3A_50 = arith.constant 1 : i32
    %dma_start3A_51 = arith.constant 0 : i32
    %dma_start3A_52 = arith.constant 0 : i32
    %dma_start3A_53 = tpu.memref_slice %arg5[%dma_start3A_50, %dma_start3A_51, %dma_start3A_52] : memref<20x2x128xi32, #tpu.memory_space<vmem>> -> memref<1x1x128xi32, #tpu.memory_space<vmem>>
    %dma_start3A_54 = tpu.memref_squeeze %dma_start3A_53 : memref<1x1x128xi32, #tpu.memory_space<vmem>> -> memref<128xi32, #tpu.memory_space<vmem>>
    %dma_start3A_55 = arith.constant 0 : i32
    %dma_start3A_56 = arith.constant 0 : i32
    %dma_start3A_57 = tpu.memref_slice %arg2[%dma_start3A_55, %dma_start3A_56] : memref<10000x128xf32, #tpu.memory_space<hbm>> -> memref<10000x128xf32, #tpu.memory_space<hbm>>
    tpu.enqueue_indirect_dma source(%dma_start3A_57 : memref<10000x128xf32, #tpu.memory_space<hbm>>) target(%arg8 : memref<128x128xf32, #tpu.memory_space<vmem>>) offsets(%dma_start3A_54 : memref<128xi32, #tpu.memory_space<vmem>>) semaphore(%arg13 : memref<!tpu.dma_semaphore, #tpu.memory_space<semaphore_mem>>)
    %scan3A_58 = arith.constant 0 : i32
    %scan3A_59 = arith.constant 0 : i32
    %scan3A_60 = arith.constant 10 : i32
    %scan3A_61 = arith.addi %scan3A_59, %scan3A_60 : i32
    %scan3A_62 = arith.constant 1 : i32
    %scan3A_63 = scf.for %scan3A_192 = %scan3A_59 to %scan3A_61 step %scan3A_62 iter_args(%scan3A_193 = %scan3A_58) -> (i32)  : i32 {
      %mul3A_194 = arith.constant 2 : i32
      %mul3A_195 = arith.muli %scan3A_192, %mul3A_194 : i32
      %dma_wait3A_196 = arith.constant 0 : i32
      %dma_wait3A_197 = arith.constant 0 : i32
      %dma_wait3A_198 = tpu.memref_slice %arg5[%mul3A_195, %dma_wait3A_196, %dma_wait3A_197] : memref<20x2x128xi32, #tpu.memory_space<vmem>> -> memref<1x1x128xi32, #tpu.memory_space<vmem>>
      %dma_wait3A_199 = tpu.memref_squeeze %dma_wait3A_198 : memref<1x1x128xi32, #tpu.memory_space<vmem>> -> memref<128xi32, #tpu.memory_space<vmem>>
      %dma_wait3A_200 = arith.constant 0 : i32
      %dma_wait3A_201 = arith.constant 0 : i32
      %dma_wait3A_202 = tpu.memref_slice %arg2[%dma_wait3A_200, %dma_wait3A_201] : memref<10000x128xf32, #tpu.memory_space<hbm>> -> memref<10000x128xf32, #tpu.memory_space<hbm>>
      tpu.wait_indirect_dma semaphore(%arg12 : memref<!tpu.dma_semaphore, #tpu.memory_space<semaphore_mem>>) src(%dma_wait3A_202 : memref<10000x128xf32, #tpu.memory_space<hbm>>) dst(%arg7 : memref<128x128xf32, #tpu.memory_space<vmem>>)
      %run_scoped3A = arith.constant 1 : i32
      "tpu.region"() ({
        %run_scoped3A_225 = tpu.sem_alloc : memref<!tpu.dma_semaphore, #tpu.memory_space<semaphore_mem>>
        %dma_start3A_226 = arith.constant 0 : i32
        %dma_start3A_227 = tpu.memref_slice %arg5[%mul3A_195, %run_scoped3A, %dma_start3A_226] : memref<20x2x128xi32, #tpu.memory_space<vmem>> -> memref<1x1x128xi32, #tpu.memory_space<vmem>>
        %dma_start3A_228 = tpu.memref_squeeze %dma_start3A_227 : memref<1x1x128xi32, #tpu.memory_space<vmem>> -> memref<128xi32, #tpu.memory_space<vmem>>
        %dma_start3A_229 = arith.constant 0 : i32
        %dma_start3A_230 = arith.constant 0 : i32
        %dma_start3A_231 = tpu.memref_slice %arg9[%dma_start3A_229, %dma_start3A_230] : memref<10240x128xf32, #tpu.memory_space<vmem_shared>> -> memref<10240x128xf32, #tpu.memory_space<vmem_shared>>
        tpu.enqueue_indirect_dma source(%arg7 : memref<128x128xf32, #tpu.memory_space<vmem>>) target(%dma_start3A_231 : memref<10240x128xf32, #tpu.memory_space<vmem_shared>>) offsets(%dma_start3A_228 : memref<128xi32, #tpu.memory_space<vmem>>) semaphore(%run_scoped3A_225 : memref<!tpu.dma_semaphore, #tpu.memory_space<semaphore_mem>>) {add = true}
        %dma_wait3A_232 = arith.constant 0 : i32
        %dma_wait3A_233 = tpu.memref_slice %arg5[%mul3A_195, %run_scoped3A, %dma_wait3A_232] : memref<20x2x128xi32, #tpu.memory_space<vmem>> -> memref<1x1x128xi32, #tpu.memory_space<vmem>>
        %dma_wait3A_234 = tpu.memref_squeeze %dma_wait3A_233 : memref<1x1x128xi32, #tpu.memory_space<vmem>> -> memref<128xi32, #tpu.memory_space<vmem>>
        %dma_wait3A_235 = arith.constant 0 : i32
        %dma_wait3A_236 = arith.constant 0 : i32
        %dma_wait3A_237 = tpu.memref_slice %arg9[%dma_wait3A_235, %dma_wait3A_236] : memref<10240x128xf32, #tpu.memory_space<vmem_shared>> -> memref<10240x128xf32, #tpu.memory_space<vmem_shared>>
        tpu.wait_indirect_dma semaphore(%run_scoped3A_225 : memref<!tpu.dma_semaphore, #tpu.memory_space<semaphore_mem>>) src(%arg7 : memref<128x128xf32, #tpu.memory_space<vmem>>) dst(%dma_wait3A_237 : memref<10240x128xf32, #tpu.memory_space<vmem_shared>>)
        tpu.yield
      }) : () -> ()
      %add3A_203 = arith.constant 2 : i32
      %add3A_204 = arith.addi %mul3A_195, %add3A_203 : i32
      %lt3A = arith.constant 20 : i32
      %lt3A_205 = arith.cmpi slt, %add3A_204, %lt3A : i32
      %convert_element_type3A = arith.extui %lt3A_205 : i1 to i32
      %cond3A = arith.constant 0 : i32
      %cond3A_206 = arith.cmpi ne, %convert_element_type3A, %cond3A : i32
      scf.if %cond3A_206 {
        %add3A_225 = arith.constant 2 : i32
        %add3A_226 = arith.addi %mul3A_195, %add3A_225 : i32
        %dma_start3A_227 = arith.constant 0 : i32
        %dma_start3A_228 = arith.constant 0 : i32
        %dma_start3A_229 = tpu.memref_slice %arg5[%add3A_226, %dma_start3A_227, %dma_start3A_228] : memref<20x2x128xi32, #tpu.memory_space<vmem>> -> memref<1x1x128xi32, #tpu.memory_space<vmem>>
        %dma_start3A_230 = tpu.memref_squeeze %dma_start3A_229 : memref<1x1x128xi32, #tpu.memory_space<vmem>> -> memref<128xi32, #tpu.memory_space<vmem>>
        %dma_start3A_231 = arith.constant 0 : i32
        %dma_start3A_232 = arith.constant 0 : i32
        %dma_start3A_233 = tpu.memref_slice %arg2[%dma_start3A_231, %dma_start3A_232] : memref<10000x128xf32, #tpu.memory_space<hbm>> -> memref<10000x128xf32, #tpu.memory_space<hbm>>
        tpu.enqueue_indirect_dma source(%dma_start3A_233 : memref<10000x128xf32, #tpu.memory_space<hbm>>) target(%arg7 : memref<128x128xf32, #tpu.memory_space<vmem>>) offsets(%dma_start3A_230 : memref<128xi32, #tpu.memory_space<vmem>>) semaphore(%arg12 : memref<!tpu.dma_semaphore, #tpu.memory_space<semaphore_mem>>)
      } else {
      }
      %add3A_207 = arith.constant 1 : i32
      %add3A_208 = arith.addi %mul3A_195, %add3A_207 : i32
      %dma_wait3A_209 = arith.constant 0 : i32
      %dma_wait3A_210 = arith.constant 0 : i32
      %dma_wait3A_211 = tpu.memref_slice %arg5[%add3A_208, %dma_wait3A_209, %dma_wait3A_210] : memref<20x2x128xi32, #tpu.memory_space<vmem>> -> memref<1x1x128xi32, #tpu.memory_space<vmem>>
      %dma_wait3A_212 = tpu.memref_squeeze %dma_wait3A_211 : memref<1x1x128xi32, #tpu.memory_space<vmem>> -> memref<128xi32, #tpu.memory_space<vmem>>
      %dma_wait3A_213 = arith.constant 0 : i32
      %dma_wait3A_214 = arith.constant 0 : i32
      %dma_wait3A_215 = tpu.memref_slice %arg2[%dma_wait3A_213, %dma_wait3A_214] : memref<10000x128xf32, #tpu.memory_space<hbm>> -> memref<10000x128xf32, #tpu.memory_space<hbm>>
      tpu.wait_indirect_dma semaphore(%arg13 : memref<!tpu.dma_semaphore, #tpu.memory_space<semaphore_mem>>) src(%dma_wait3A_215 : memref<10000x128xf32, #tpu.memory_space<hbm>>) dst(%arg8 : memref<128x128xf32, #tpu.memory_space<vmem>>)
      %run_scoped3A_216 = arith.constant 1 : i32
      "tpu.region"() ({
        %run_scoped3A_225 = tpu.sem_alloc : memref<!tpu.dma_semaphore, #tpu.memory_space<semaphore_mem>>
        %dma_start3A_226 = arith.constant 0 : i32
        %dma_start3A_227 = tpu.memref_slice %arg5[%add3A_208, %run_scoped3A_216, %dma_start3A_226] : memref<20x2x128xi32, #tpu.memory_space<vmem>> -> memref<1x1x128xi32, #tpu.memory_space<vmem>>
        %dma_start3A_228 = tpu.memref_squeeze %dma_start3A_227 : memref<1x1x128xi32, #tpu.memory_space<vmem>> -> memref<128xi32, #tpu.memory_space<vmem>>
        %dma_start3A_229 = arith.constant 0 : i32
        %dma_start3A_230 = arith.constant 0 : i32
        %dma_start3A_231 = tpu.memref_slice %arg9[%dma_start3A_229, %dma_start3A_230] : memref<10240x128xf32, #tpu.memory_space<vmem_shared>> -> memref<10240x128xf32, #tpu.memory_space<vmem_shared>>
        tpu.enqueue_indirect_dma source(%arg8 : memref<128x128xf32, #tpu.memory_space<vmem>>) target(%dma_start3A_231 : memref<10240x128xf32, #tpu.memory_space<vmem_shared>>) offsets(%dma_start3A_228 : memref<128xi32, #tpu.memory_space<vmem>>) semaphore(%run_scoped3A_225 : memref<!tpu.dma_semaphore, #tpu.memory_space<semaphore_mem>>) {add = true}
        %dma_wait3A_232 = arith.constant 0 : i32
        %dma_wait3A_233 = tpu.memref_slice %arg5[%add3A_208, %run_scoped3A_216, %dma_wait3A_232] : memref<20x2x128xi32, #tpu.memory_space<vmem>> -> memref<1x1x128xi32, #tpu.memory_space<vmem>>
        %dma_wait3A_234 = tpu.memref_squeeze %dma_wait3A_233 : memref<1x1x128xi32, #tpu.memory_space<vmem>> -> memref<128xi32, #tpu.memory_space<vmem>>
        %dma_wait3A_235 = arith.constant 0 : i32
        %dma_wait3A_236 = arith.constant 0 : i32
        %dma_wait3A_237 = tpu.memref_slice %arg9[%dma_wait3A_235, %dma_wait3A_236] : memref<10240x128xf32, #tpu.memory_space<vmem_shared>> -> memref<10240x128xf32, #tpu.memory_space<vmem_shared>>
        tpu.wait_indirect_dma semaphore(%run_scoped3A_225 : memref<!tpu.dma_semaphore, #tpu.memory_space<semaphore_mem>>) src(%arg8 : memref<128x128xf32, #tpu.memory_space<vmem>>) dst(%dma_wait3A_237 : memref<10240x128xf32, #tpu.memory_space<vmem_shared>>)
        tpu.yield
      }) : () -> ()
      %add3A_217 = arith.constant 2 : i32
      %add3A_218 = arith.addi %add3A_208, %add3A_217 : i32
      %lt3A_219 = arith.constant 20 : i32
      %lt3A_220 = arith.cmpi slt, %add3A_218, %lt3A_219 : i32
      %convert_element_type3A_221 = arith.extui %lt3A_220 : i1 to i32
      %cond3A_222 = arith.constant 0 : i32
      %cond3A_223 = arith.cmpi ne, %convert_element_type3A_221, %cond3A_222 : i32
      scf.if %cond3A_223 {
        %add3A_225 = arith.constant 2 : i32
        %add3A_226 = arith.addi %add3A_208, %add3A_225 : i32
        %dma_start3A_227 = arith.constant 0 : i32
        %dma_start3A_228 = arith.constant 0 : i32
        %dma_start3A_229 = tpu.memref_slice %arg5[%add3A_226, %dma_start3A_227, %dma_start3A_228] : memref<20x2x128xi32, #tpu.memory_space<vmem>> -> memref<1x1x128xi32, #tpu.memory_space<vmem>>
        %dma_start3A_230 = tpu.memref_squeeze %dma_start3A_229 : memref<1x1x128xi32, #tpu.memory_space<vmem>> -> memref<128xi32, #tpu.memory_space<vmem>>
        %dma_start3A_231 = arith.constant 0 : i32
        %dma_start3A_232 = arith.constant 0 : i32
        %dma_start3A_233 = tpu.memref_slice %arg2[%dma_start3A_231, %dma_start3A_232] : memref<10000x128xf32, #tpu.memory_space<hbm>> -> memref<10000x128xf32, #tpu.memory_space<hbm>>
        tpu.enqueue_indirect_dma source(%dma_start3A_233 : memref<10000x128xf32, #tpu.memory_space<hbm>>) target(%arg8 : memref<128x128xf32, #tpu.memory_space<vmem>>) offsets(%dma_start3A_230 : memref<128xi32, #tpu.memory_space<vmem>>) semaphore(%arg13 : memref<!tpu.dma_semaphore, #tpu.memory_space<semaphore_mem>>)
      } else {
      }
      %scan3A_224 = arith.constant 0 : i32
      scf.yield %scan3A_224 : i32
    }
    %scan3A_64 = arith.constant 10 : i32
    %dma_wait3A_65 = arith.constant 20 : i32
    %dma_wait3A_66 = arith.constant 0 : i32
    %dma_wait3A_67 = arith.constant 0 : i32
    %dma_wait3A_68 = tpu.memref_slice %arg3[%add3A, %dma_wait3A_65, %dma_wait3A_66, %dma_wait3A_67] : memref<32x80x2x128xi32, #tpu.memory_space<hbm>> -> memref<1x20x2x128xi32, #tpu.memory_space<hbm>>
    %dma_wait3A_69 = tpu.memref_squeeze %dma_wait3A_68 : memref<1x20x2x128xi32, #tpu.memory_space<hbm>> -> memref<20x2x128xi32, #tpu.memory_space<hbm>>
    %dma_wait3A_70 = arith.constant 20 : i32
    %dma_wait3A_71 = arith.constant 0 : i32
    %dma_wait3A_72 = arith.constant 0 : i32
    %dma_wait3A_73 = tpu.memref_slice %arg3[%add3A, %dma_wait3A_70, %dma_wait3A_71, %dma_wait3A_72] : memref<32x80x2x128xi32, #tpu.memory_space<hbm>> -> memref<1x20x2x128xi32, #tpu.memory_space<hbm>>
    %dma_wait3A_74 = tpu.memref_squeeze %dma_wait3A_73 : memref<1x20x2x128xi32, #tpu.memory_space<hbm>> -> memref<20x2x128xi32, #tpu.memory_space<hbm>>
    tpu.wait_dma2 semaphore(%arg11 : memref<!tpu.dma_semaphore, #tpu.memory_space<semaphore_mem>>) src(%dma_wait3A_74 : memref<20x2x128xi32, #tpu.memory_space<hbm>>) dst(%arg6 : memref<20x2x128xi32, #tpu.memory_space<vmem>>)
    %dma_start3A_75 = arith.constant 40 : i32
    %dma_start3A_76 = arith.constant 0 : i32
    %dma_start3A_77 = arith.constant 0 : i32
    %dma_start3A_78 = tpu.memref_slice %arg3[%add3A, %dma_start3A_75, %dma_start3A_76, %dma_start3A_77] : memref<32x80x2x128xi32, #tpu.memory_space<hbm>> -> memref<1x20x2x128xi32, #tpu.memory_space<hbm>>
    %dma_start3A_79 = tpu.memref_squeeze %dma_start3A_78 : memref<1x20x2x128xi32, #tpu.memory_space<hbm>> -> memref<20x2x128xi32, #tpu.memory_space<hbm>>
    %dma_start3A_80 = arith.constant 40 : i32
    %dma_start3A_81 = arith.constant 0 : i32
    %dma_start3A_82 = arith.constant 0 : i32
    %dma_start3A_83 = tpu.memref_slice %arg3[%add3A, %dma_start3A_80, %dma_start3A_81, %dma_start3A_82] : memref<32x80x2x128xi32, #tpu.memory_space<hbm>> -> memref<1x20x2x128xi32, #tpu.memory_space<hbm>>
    %dma_start3A_84 = tpu.memref_squeeze %dma_start3A_83 : memref<1x20x2x128xi32, #tpu.memory_space<hbm>> -> memref<20x2x128xi32, #tpu.memory_space<hbm>>
    tpu.enqueue_dma source(%dma_start3A_84 : memref<20x2x128xi32, #tpu.memory_space<hbm>>) target(%arg5 : memref<20x2x128xi32, #tpu.memory_space<vmem>>) target_semaphore(%arg10 : memref<!tpu.dma_semaphore, #tpu.memory_space<semaphore_mem>>)
    %dma_start3A_85 = arith.constant 0 : i32
    %dma_start3A_86 = arith.constant 0 : i32
    %dma_start3A_87 = arith.constant 0 : i32
    %dma_start3A_88 = tpu.memref_slice %arg6[%dma_start3A_85, %dma_start3A_86, %dma_start3A_87] : memref<20x2x128xi32, #tpu.memory_space<vmem>> -> memref<1x1x128xi32, #tpu.memory_space<vmem>>
    %dma_start3A_89 = tpu.memref_squeeze %dma_start3A_88 : memref<1x1x128xi32, #tpu.memory_space<vmem>> -> memref<128xi32, #tpu.memory_space<vmem>>
    %dma_start3A_90 = arith.constant 0 : i32
    %dma_start3A_91 = arith.constant 0 : i32
    %dma_start3A_92 = tpu.memref_slice %arg2[%dma_start3A_90, %dma_start3A_91] : memref<10000x128xf32, #tpu.memory_space<hbm>> -> memref<10000x128xf32, #tpu.memory_space<hbm>>
    tpu.enqueue_indirect_dma source(%dma_start3A_92 : memref<10000x128xf32, #tpu.memory_space<hbm>>) target(%arg7 : memref<128x128xf32, #tpu.memory_space<vmem>>) offsets(%dma_start3A_89 : memref<128xi32, #tpu.memory_space<vmem>>) semaphore(%arg12 : memref<!tpu.dma_semaphore, #tpu.memory_space<semaphore_mem>>)
    %dma_start3A_93 = arith.constant 1 : i32
    %dma_start3A_94 = arith.constant 0 : i32
    %dma_start3A_95 = arith.constant 0 : i32
    %dma_start3A_96 = tpu.memref_slice %arg6[%dma_start3A_93, %dma_start3A_94, %dma_start3A_95] : memref<20x2x128xi32, #tpu.memory_space<vmem>> -> memref<1x1x128xi32, #tpu.memory_space<vmem>>
    %dma_start3A_97 = tpu.memref_squeeze %dma_start3A_96 : memref<1x1x128xi32, #tpu.memory_space<vmem>> -> memref<128xi32, #tpu.memory_space<vmem>>
    %dma_start3A_98 = arith.constant 0 : i32
    %dma_start3A_99 = arith.constant 0 : i32
    %dma_start3A_100 = tpu.memref_slice %arg2[%dma_start3A_98, %dma_start3A_99] : memref<10000x128xf32, #tpu.memory_space<hbm>> -> memref<10000x128xf32, #tpu.memory_space<hbm>>
    tpu.enqueue_indirect_dma source(%dma_start3A_100 : memref<10000x128xf32, #tpu.memory_space<hbm>>) target(%arg8 : memref<128x128xf32, #tpu.memory_space<vmem>>) offsets(%dma_start3A_97 : memref<128xi32, #tpu.memory_space<vmem>>) semaphore(%arg13 : memref<!tpu.dma_semaphore, #tpu.memory_space<semaphore_mem>>)
    %scan3A_101 = arith.constant 0 : i32
    %scan3A_102 = arith.constant 0 : i32
    %scan3A_103 = arith.constant 10 : i32
    %scan3A_104 = arith.addi %scan3A_102, %scan3A_103 : i32
    %scan3A_105 = arith.constant 1 : i32
    %scan3A_106 = scf.for %scan3A_192 = %scan3A_102 to %scan3A_104 step %scan3A_105 iter_args(%scan3A_193 = %scan3A_101) -> (i32)  : i32 {
      %mul3A_194 = arith.constant 2 : i32
      %mul3A_195 = arith.muli %scan3A_192, %mul3A_194 : i32
      %dma_wait3A_196 = arith.constant 0 : i32
      %dma_wait3A_197 = arith.constant 0 : i32
      %dma_wait3A_198 = tpu.memref_slice %arg6[%mul3A_195, %dma_wait3A_196, %dma_wait3A_197] : memref<20x2x128xi32, #tpu.memory_space<vmem>> -> memref<1x1x128xi32, #tpu.memory_space<vmem>>
      %dma_wait3A_199 = tpu.memref_squeeze %dma_wait3A_198 : memref<1x1x128xi32, #tpu.memory_space<vmem>> -> memref<128xi32, #tpu.memory_space<vmem>>
      %dma_wait3A_200 = arith.constant 0 : i32
      %dma_wait3A_201 = arith.constant 0 : i32
      %dma_wait3A_202 = tpu.memref_slice %arg2[%dma_wait3A_200, %dma_wait3A_201] : memref<10000x128xf32, #tpu.memory_space<hbm>> -> memref<10000x128xf32, #tpu.memory_space<hbm>>
      tpu.wait_indirect_dma semaphore(%arg12 : memref<!tpu.dma_semaphore, #tpu.memory_space<semaphore_mem>>) src(%dma_wait3A_202 : memref<10000x128xf32, #tpu.memory_space<hbm>>) dst(%arg7 : memref<128x128xf32, #tpu.memory_space<vmem>>)
      %run_scoped3A = arith.constant 1 : i32
      "tpu.region"() ({
        %run_scoped3A_225 = tpu.sem_alloc : memref<!tpu.dma_semaphore, #tpu.memory_space<semaphore_mem>>
        %dma_start3A_226 = arith.constant 0 : i32
        %dma_start3A_227 = tpu.memref_slice %arg6[%mul3A_195, %run_scoped3A, %dma_start3A_226] : memref<20x2x128xi32, #tpu.memory_space<vmem>> -> memref<1x1x128xi32, #tpu.memory_space<vmem>>
        %dma_start3A_228 = tpu.memref_squeeze %dma_start3A_227 : memref<1x1x128xi32, #tpu.memory_space<vmem>> -> memref<128xi32, #tpu.memory_space<vmem>>
        %dma_start3A_229 = arith.constant 0 : i32
        %dma_start3A_230 = arith.constant 0 : i32
        %dma_start3A_231 = tpu.memref_slice %arg9[%dma_start3A_229, %dma_start3A_230] : memref<10240x128xf32, #tpu.memory_space<vmem_shared>> -> memref<10240x128xf32, #tpu.memory_space<vmem_shared>>
        tpu.enqueue_indirect_dma source(%arg7 : memref<128x128xf32, #tpu.memory_space<vmem>>) target(%dma_start3A_231 : memref<10240x128xf32, #tpu.memory_space<vmem_shared>>) offsets(%dma_start3A_228 : memref<128xi32, #tpu.memory_space<vmem>>) semaphore(%run_scoped3A_225 : memref<!tpu.dma_semaphore, #tpu.memory_space<semaphore_mem>>) {add = true}
        %dma_wait3A_232 = arith.constant 0 : i32
        %dma_wait3A_233 = tpu.memref_slice %arg6[%mul3A_195, %run_scoped3A, %dma_wait3A_232] : memref<20x2x128xi32, #tpu.memory_space<vmem>> -> memref<1x1x128xi32, #tpu.memory_space<vmem>>
        %dma_wait3A_234 = tpu.memref_squeeze %dma_wait3A_233 : memref<1x1x128xi32, #tpu.memory_space<vmem>> -> memref<128xi32, #tpu.memory_space<vmem>>
        %dma_wait3A_235 = arith.constant 0 : i32
        %dma_wait3A_236 = arith.constant 0 : i32
        %dma_wait3A_237 = tpu.memref_slice %arg9[%dma_wait3A_235, %dma_wait3A_236] : memref<10240x128xf32, #tpu.memory_space<vmem_shared>> -> memref<10240x128xf32, #tpu.memory_space<vmem_shared>>
        tpu.wait_indirect_dma semaphore(%run_scoped3A_225 : memref<!tpu.dma_semaphore, #tpu.memory_space<semaphore_mem>>) src(%arg7 : memref<128x128xf32, #tpu.memory_space<vmem>>) dst(%dma_wait3A_237 : memref<10240x128xf32, #tpu.memory_space<vmem_shared>>)
        tpu.yield
      }) : () -> ()
      %add3A_203 = arith.constant 2 : i32
      %add3A_204 = arith.addi %mul3A_195, %add3A_203 : i32
      %lt3A = arith.constant 20 : i32
      %lt3A_205 = arith.cmpi slt, %add3A_204, %lt3A : i32
      %convert_element_type3A = arith.extui %lt3A_205 : i1 to i32
      %cond3A = arith.constant 0 : i32
      %cond3A_206 = arith.cmpi ne, %convert_element_type3A, %cond3A : i32
      scf.if %cond3A_206 {
        %add3A_225 = arith.constant 2 : i32
        %add3A_226 = arith.addi %mul3A_195, %add3A_225 : i32
        %dma_start3A_227 = arith.constant 0 : i32
        %dma_start3A_228 = arith.constant 0 : i32
        %dma_start3A_229 = tpu.memref_slice %arg6[%add3A_226, %dma_start3A_227, %dma_start3A_228] : memref<20x2x128xi32, #tpu.memory_space<vmem>> -> memref<1x1x128xi32, #tpu.memory_space<vmem>>
        %dma_start3A_230 = tpu.memref_squeeze %dma_start3A_229 : memref<1x1x128xi32, #tpu.memory_space<vmem>> -> memref<128xi32, #tpu.memory_space<vmem>>
        %dma_start3A_231 = arith.constant 0 : i32
        %dma_start3A_232 = arith.constant 0 : i32
        %dma_start3A_233 = tpu.memref_slice %arg2[%dma_start3A_231, %dma_start3A_232] : memref<10000x128xf32, #tpu.memory_space<hbm>> -> memref<10000x128xf32, #tpu.memory_space<hbm>>
        tpu.enqueue_indirect_dma source(%dma_start3A_233 : memref<10000x128xf32, #tpu.memory_space<hbm>>) target(%arg7 : memref<128x128xf32, #tpu.memory_space<vmem>>) offsets(%dma_start3A_230 : memref<128xi32, #tpu.memory_space<vmem>>) semaphore(%arg12 : memref<!tpu.dma_semaphore, #tpu.memory_space<semaphore_mem>>)
      } else {
      }
      %add3A_207 = arith.constant 1 : i32
      %add3A_208 = arith.addi %mul3A_195, %add3A_207 : i32
      %dma_wait3A_209 = arith.constant 0 : i32
      %dma_wait3A_210 = arith.constant 0 : i32
      %dma_wait3A_211 = tpu.memref_slice %arg6[%add3A_208, %dma_wait3A_209, %dma_wait3A_210] : memref<20x2x128xi32, #tpu.memory_space<vmem>> -> memref<1x1x128xi32, #tpu.memory_space<vmem>>
      %dma_wait3A_212 = tpu.memref_squeeze %dma_wait3A_211 : memref<1x1x128xi32, #tpu.memory_space<vmem>> -> memref<128xi32, #tpu.memory_space<vmem>>
      %dma_wait3A_213 = arith.constant 0 : i32
      %dma_wait3A_214 = arith.constant 0 : i32
      %dma_wait3A_215 = tpu.memref_slice %arg2[%dma_wait3A_213, %dma_wait3A_214] : memref<10000x128xf32, #tpu.memory_space<hbm>> -> memref<10000x128xf32, #tpu.memory_space<hbm>>
      tpu.wait_indirect_dma semaphore(%arg13 : memref<!tpu.dma_semaphore, #tpu.memory_space<semaphore_mem>>) src(%dma_wait3A_215 : memref<10000x128xf32, #tpu.memory_space<hbm>>) dst(%arg8 : memref<128x128xf32, #tpu.memory_space<vmem>>)
      %run_scoped3A_216 = arith.constant 1 : i32
      "tpu.region"() ({
        %run_scoped3A_225 = tpu.sem_alloc : memref<!tpu.dma_semaphore, #tpu.memory_space<semaphore_mem>>
        %dma_start3A_226 = arith.constant 0 : i32
        %dma_start3A_227 = tpu.memref_slice %arg6[%add3A_208, %run_scoped3A_216, %dma_start3A_226] : memref<20x2x128xi32, #tpu.memory_space<vmem>> -> memref<1x1x128xi32, #tpu.memory_space<vmem>>
        %dma_start3A_228 = tpu.memref_squeeze %dma_start3A_227 : memref<1x1x128xi32, #tpu.memory_space<vmem>> -> memref<128xi32, #tpu.memory_space<vmem>>
        %dma_start3A_229 = arith.constant 0 : i32
        %dma_start3A_230 = arith.constant 0 : i32
        %dma_start3A_231 = tpu.memref_slice %arg9[%dma_start3A_229, %dma_start3A_230] : memref<10240x128xf32, #tpu.memory_space<vmem_shared>> -> memref<10240x128xf32, #tpu.memory_space<vmem_shared>>
        tpu.enqueue_indirect_dma source(%arg8 : memref<128x128xf32, #tpu.memory_space<vmem>>) target(%dma_start3A_231 : memref<10240x128xf32, #tpu.memory_space<vmem_shared>>) offsets(%dma_start3A_228 : memref<128xi32, #tpu.memory_space<vmem>>) semaphore(%run_scoped3A_225 : memref<!tpu.dma_semaphore, #tpu.memory_space<semaphore_mem>>) {add = true}
        %dma_wait3A_232 = arith.constant 0 : i32
        %dma_wait3A_233 = tpu.memref_slice %arg6[%add3A_208, %run_scoped3A_216, %dma_wait3A_232] : memref<20x2x128xi32, #tpu.memory_space<vmem>> -> memref<1x1x128xi32, #tpu.memory_space<vmem>>
        %dma_wait3A_234 = tpu.memref_squeeze %dma_wait3A_233 : memref<1x1x128xi32, #tpu.memory_space<vmem>> -> memref<128xi32, #tpu.memory_space<vmem>>
        %dma_wait3A_235 = arith.constant 0 : i32
        %dma_wait3A_236 = arith.constant 0 : i32
        %dma_wait3A_237 = tpu.memref_slice %arg9[%dma_wait3A_235, %dma_wait3A_236] : memref<10240x128xf32, #tpu.memory_space<vmem_shared>> -> memref<10240x128xf32, #tpu.memory_space<vmem_shared>>
        tpu.wait_indirect_dma semaphore(%run_scoped3A_225 : memref<!tpu.dma_semaphore, #tpu.memory_space<semaphore_mem>>) src(%arg8 : memref<128x128xf32, #tpu.memory_space<vmem>>) dst(%dma_wait3A_237 : memref<10240x128xf32, #tpu.memory_space<vmem_shared>>)
        tpu.yield
      }) : () -> ()
      %add3A_217 = arith.constant 2 : i32
      %add3A_218 = arith.addi %add3A_208, %add3A_217 : i32
      %lt3A_219 = arith.constant 20 : i32
      %lt3A_220 = arith.cmpi slt, %add3A_218, %lt3A_219 : i32
      %convert_element_type3A_221 = arith.extui %lt3A_220 : i1 to i32
      %cond3A_222 = arith.constant 0 : i32
      %cond3A_223 = arith.cmpi ne, %convert_element_type3A_221, %cond3A_222 : i32
      scf.if %cond3A_223 {
        %add3A_225 = arith.constant 2 : i32
        %add3A_226 = arith.addi %add3A_208, %add3A_225 : i32
        %dma_start3A_227 = arith.constant 0 : i32
        %dma_start3A_228 = arith.constant 0 : i32
        %dma_start3A_229 = tpu.memref_slice %arg6[%add3A_226, %dma_start3A_227, %dma_start3A_228] : memref<20x2x128xi32, #tpu.memory_space<vmem>> -> memref<1x1x128xi32, #tpu.memory_space<vmem>>
        %dma_start3A_230 = tpu.memref_squeeze %dma_start3A_229 : memref<1x1x128xi32, #tpu.memory_space<vmem>> -> memref<128xi32, #tpu.memory_space<vmem>>
        %dma_start3A_231 = arith.constant 0 : i32
        %dma_start3A_232 = arith.constant 0 : i32
        %dma_start3A_233 = tpu.memref_slice %arg2[%dma_start3A_231, %dma_start3A_232] : memref<10000x128xf32, #tpu.memory_space<hbm>> -> memref<10000x128xf32, #tpu.memory_space<hbm>>
        tpu.enqueue_indirect_dma source(%dma_start3A_233 : memref<10000x128xf32, #tpu.memory_space<hbm>>) target(%arg8 : memref<128x128xf32, #tpu.memory_space<vmem>>) offsets(%dma_start3A_230 : memref<128xi32, #tpu.memory_space<vmem>>) semaphore(%arg13 : memref<!tpu.dma_semaphore, #tpu.memory_space<semaphore_mem>>)
      } else {
      }
      %scan3A_224 = arith.constant 0 : i32
      scf.yield %scan3A_224 : i32
    }
    %scan3A_107 = arith.constant 10 : i32
    %dma_wait3A_108 = arith.constant 40 : i32
    %dma_wait3A_109 = arith.constant 0 : i32
    %dma_wait3A_110 = arith.constant 0 : i32
    %dma_wait3A_111 = tpu.memref_slice %arg3[%add3A, %dma_wait3A_108, %dma_wait3A_109, %dma_wait3A_110] : memref<32x80x2x128xi32, #tpu.memory_space<hbm>> -> memref<1x20x2x128xi32, #tpu.memory_space<hbm>>
    %dma_wait3A_112 = tpu.memref_squeeze %dma_wait3A_111 : memref<1x20x2x128xi32, #tpu.memory_space<hbm>> -> memref<20x2x128xi32, #tpu.memory_space<hbm>>
    %dma_wait3A_113 = arith.constant 40 : i32
    %dma_wait3A_114 = arith.constant 0 : i32
    %dma_wait3A_115 = arith.constant 0 : i32
    %dma_wait3A_116 = tpu.memref_slice %arg3[%add3A, %dma_wait3A_113, %dma_wait3A_114, %dma_wait3A_115] : memref<32x80x2x128xi32, #tpu.memory_space<hbm>> -> memref<1x20x2x128xi32, #tpu.memory_space<hbm>>
    %dma_wait3A_117 = tpu.memref_squeeze %dma_wait3A_116 : memref<1x20x2x128xi32, #tpu.memory_space<hbm>> -> memref<20x2x128xi32, #tpu.memory_space<hbm>>
    tpu.wait_dma2 semaphore(%arg10 : memref<!tpu.dma_semaphore, #tpu.memory_space<semaphore_mem>>) src(%dma_wait3A_117 : memref<20x2x128xi32, #tpu.memory_space<hbm>>) dst(%arg5 : memref<20x2x128xi32, #tpu.memory_space<vmem>>)
    %dma_start3A_118 = arith.constant 60 : i32
    %dma_start3A_119 = arith.constant 0 : i32
    %dma_start3A_120 = arith.constant 0 : i32
    %dma_start3A_121 = tpu.memref_slice %arg3[%add3A, %dma_start3A_118, %dma_start3A_119, %dma_start3A_120] : memref<32x80x2x128xi32, #tpu.memory_space<hbm>> -> memref<1x20x2x128xi32, #tpu.memory_space<hbm>>
    %dma_start3A_122 = tpu.memref_squeeze %dma_start3A_121 : memref<1x20x2x128xi32, #tpu.memory_space<hbm>> -> memref<20x2x128xi32, #tpu.memory_space<hbm>>
    %dma_start3A_123 = arith.constant 60 : i32
    %dma_start3A_124 = arith.constant 0 : i32
    %dma_start3A_125 = arith.constant 0 : i32
    %dma_start3A_126 = tpu.memref_slice %arg3[%add3A, %dma_start3A_123, %dma_start3A_124, %dma_start3A_125] : memref<32x80x2x128xi32, #tpu.memory_space<hbm>> -> memref<1x20x2x128xi32, #tpu.memory_space<hbm>>
    %dma_start3A_127 = tpu.memref_squeeze %dma_start3A_126 : memref<1x20x2x128xi32, #tpu.memory_space<hbm>> -> memref<20x2x128xi32, #tpu.memory_space<hbm>>
    tpu.enqueue_dma source(%dma_start3A_127 : memref<20x2x128xi32, #tpu.memory_space<hbm>>) target(%arg6 : memref<20x2x128xi32, #tpu.memory_space<vmem>>) target_semaphore(%arg11 : memref<!tpu.dma_semaphore, #tpu.memory_space<semaphore_mem>>)
    %dma_start3A_128 = arith.constant 0 : i32
    %dma_start3A_129 = arith.constant 0 : i32
    %dma_start3A_130 = arith.constant 0 : i32
    %dma_start3A_131 = tpu.memref_slice %arg5[%dma_start3A_128, %dma_start3A_129, %dma_start3A_130] : memref<20x2x128xi32, #tpu.memory_space<vmem>> -> memref<1x1x128xi32, #tpu.memory_space<vmem>>
    %dma_start3A_132 = tpu.memref_squeeze %dma_start3A_131 : memref<1x1x128xi32, #tpu.memory_space<vmem>> -> memref<128xi32, #tpu.memory_space<vmem>>
    %dma_start3A_133 = arith.constant 0 : i32
    %dma_start3A_134 = arith.constant 0 : i32
    %dma_start3A_135 = tpu.memref_slice %arg2[%dma_start3A_133, %dma_start3A_134] : memref<10000x128xf32, #tpu.memory_space<hbm>> -> memref<10000x128xf32, #tpu.memory_space<hbm>>
    tpu.enqueue_indirect_dma source(%dma_start3A_135 : memref<10000x128xf32, #tpu.memory_space<hbm>>) target(%arg7 : memref<128x128xf32, #tpu.memory_space<vmem>>) offsets(%dma_start3A_132 : memref<128xi32, #tpu.memory_space<vmem>>) semaphore(%arg12 : memref<!tpu.dma_semaphore, #tpu.memory_space<semaphore_mem>>)
    %dma_start3A_136 = arith.constant 1 : i32
    %dma_start3A_137 = arith.constant 0 : i32
    %dma_start3A_138 = arith.constant 0 : i32
    %dma_start3A_139 = tpu.memref_slice %arg5[%dma_start3A_136, %dma_start3A_137, %dma_start3A_138] : memref<20x2x128xi32, #tpu.memory_space<vmem>> -> memref<1x1x128xi32, #tpu.memory_space<vmem>>
    %dma_start3A_140 = tpu.memref_squeeze %dma_start3A_139 : memref<1x1x128xi32, #tpu.memory_space<vmem>> -> memref<128xi32, #tpu.memory_space<vmem>>
    %dma_start3A_141 = arith.constant 0 : i32
    %dma_start3A_142 = arith.constant 0 : i32
    %dma_start3A_143 = tpu.memref_slice %arg2[%dma_start3A_141, %dma_start3A_142] : memref<10000x128xf32, #tpu.memory_space<hbm>> -> memref<10000x128xf32, #tpu.memory_space<hbm>>
    tpu.enqueue_indirect_dma source(%dma_start3A_143 : memref<10000x128xf32, #tpu.memory_space<hbm>>) target(%arg8 : memref<128x128xf32, #tpu.memory_space<vmem>>) offsets(%dma_start3A_140 : memref<128xi32, #tpu.memory_space<vmem>>) semaphore(%arg13 : memref<!tpu.dma_semaphore, #tpu.memory_space<semaphore_mem>>)
    %scan3A_144 = arith.constant 0 : i32
    %scan3A_145 = arith.constant 0 : i32
    %scan3A_146 = arith.constant 10 : i32
    %scan3A_147 = arith.addi %scan3A_145, %scan3A_146 : i32
    %scan3A_148 = arith.constant 1 : i32
    %scan3A_149 = scf.for %scan3A_192 = %scan3A_145 to %scan3A_147 step %scan3A_148 iter_args(%scan3A_193 = %scan3A_144) -> (i32)  : i32 {
      %mul3A_194 = arith.constant 2 : i32
      %mul3A_195 = arith.muli %scan3A_192, %mul3A_194 : i32
      %dma_wait3A_196 = arith.constant 0 : i32
      %dma_wait3A_197 = arith.constant 0 : i32
      %dma_wait3A_198 = tpu.memref_slice %arg5[%mul3A_195, %dma_wait3A_196, %dma_wait3A_197] : memref<20x2x128xi32, #tpu.memory_space<vmem>> -> memref<1x1x128xi32, #tpu.memory_space<vmem>>
      %dma_wait3A_199 = tpu.memref_squeeze %dma_wait3A_198 : memref<1x1x128xi32, #tpu.memory_space<vmem>> -> memref<128xi32, #tpu.memory_space<vmem>>
      %dma_wait3A_200 = arith.constant 0 : i32
      %dma_wait3A_201 = arith.constant 0 : i32
      %dma_wait3A_202 = tpu.memref_slice %arg2[%dma_wait3A_200, %dma_wait3A_201] : memref<10000x128xf32, #tpu.memory_space<hbm>> -> memref<10000x128xf32, #tpu.memory_space<hbm>>
      tpu.wait_indirect_dma semaphore(%arg12 : memref<!tpu.dma_semaphore, #tpu.memory_space<semaphore_mem>>) src(%dma_wait3A_202 : memref<10000x128xf32, #tpu.memory_space<hbm>>) dst(%arg7 : memref<128x128xf32, #tpu.memory_space<vmem>>)
      %run_scoped3A = arith.constant 1 : i32
      "tpu.region"() ({
        %run_scoped3A_225 = tpu.sem_alloc : memref<!tpu.dma_semaphore, #tpu.memory_space<semaphore_mem>>
        %dma_start3A_226 = arith.constant 0 : i32
        %dma_start3A_227 = tpu.memref_slice %arg5[%mul3A_195, %run_scoped3A, %dma_start3A_226] : memref<20x2x128xi32, #tpu.memory_space<vmem>> -> memref<1x1x128xi32, #tpu.memory_space<vmem>>
        %dma_start3A_228 = tpu.memref_squeeze %dma_start3A_227 : memref<1x1x128xi32, #tpu.memory_space<vmem>> -> memref<128xi32, #tpu.memory_space<vmem>>
        %dma_start3A_229 = arith.constant 0 : i32
        %dma_start3A_230 = arith.constant 0 : i32
        %dma_start3A_231 = tpu.memref_slice %arg9[%dma_start3A_229, %dma_start3A_230] : memref<10240x128xf32, #tpu.memory_space<vmem_shared>> -> memref<10240x128xf32, #tpu.memory_space<vmem_shared>>
        tpu.enqueue_indirect_dma source(%arg7 : memref<128x128xf32, #tpu.memory_space<vmem>>) target(%dma_start3A_231 : memref<10240x128xf32, #tpu.memory_space<vmem_shared>>) offsets(%dma_start3A_228 : memref<128xi32, #tpu.memory_space<vmem>>) semaphore(%run_scoped3A_225 : memref<!tpu.dma_semaphore, #tpu.memory_space<semaphore_mem>>) {add = true}
        %dma_wait3A_232 = arith.constant 0 : i32
        %dma_wait3A_233 = tpu.memref_slice %arg5[%mul3A_195, %run_scoped3A, %dma_wait3A_232] : memref<20x2x128xi32, #tpu.memory_space<vmem>> -> memref<1x1x128xi32, #tpu.memory_space<vmem>>
        %dma_wait3A_234 = tpu.memref_squeeze %dma_wait3A_233 : memref<1x1x128xi32, #tpu.memory_space<vmem>> -> memref<128xi32, #tpu.memory_space<vmem>>
        %dma_wait3A_235 = arith.constant 0 : i32
        %dma_wait3A_236 = arith.constant 0 : i32
        %dma_wait3A_237 = tpu.memref_slice %arg9[%dma_wait3A_235, %dma_wait3A_236] : memref<10240x128xf32, #tpu.memory_space<vmem_shared>> -> memref<10240x128xf32, #tpu.memory_space<vmem_shared>>
        tpu.wait_indirect_dma semaphore(%run_scoped3A_225 : memref<!tpu.dma_semaphore, #tpu.memory_space<semaphore_mem>>) src(%arg7 : memref<128x128xf32, #tpu.memory_space<vmem>>) dst(%dma_wait3A_237 : memref<10240x128xf32, #tpu.memory_space<vmem_shared>>)
        tpu.yield
      }) : () -> ()
      %add3A_203 = arith.constant 2 : i32
      %add3A_204 = arith.addi %mul3A_195, %add3A_203 : i32
      %lt3A = arith.constant 20 : i32
      %lt3A_205 = arith.cmpi slt, %add3A_204, %lt3A : i32
      %convert_element_type3A = arith.extui %lt3A_205 : i1 to i32
      %cond3A = arith.constant 0 : i32
      %cond3A_206 = arith.cmpi ne, %convert_element_type3A, %cond3A : i32
      scf.if %cond3A_206 {
        %add3A_225 = arith.constant 2 : i32
        %add3A_226 = arith.addi %mul3A_195, %add3A_225 : i32
        %dma_start3A_227 = arith.constant 0 : i32
        %dma_start3A_228 = arith.constant 0 : i32
        %dma_start3A_229 = tpu.memref_slice %arg5[%add3A_226, %dma_start3A_227, %dma_start3A_228] : memref<20x2x128xi32, #tpu.memory_space<vmem>> -> memref<1x1x128xi32, #tpu.memory_space<vmem>>
        %dma_start3A_230 = tpu.memref_squeeze %dma_start3A_229 : memref<1x1x128xi32, #tpu.memory_space<vmem>> -> memref<128xi32, #tpu.memory_space<vmem>>
        %dma_start3A_231 = arith.constant 0 : i32
        %dma_start3A_232 = arith.constant 0 : i32
        %dma_start3A_233 = tpu.memref_slice %arg2[%dma_start3A_231, %dma_start3A_232] : memref<10000x128xf32, #tpu.memory_space<hbm>> -> memref<10000x128xf32, #tpu.memory_space<hbm>>
        tpu.enqueue_indirect_dma source(%dma_start3A_233 : memref<10000x128xf32, #tpu.memory_space<hbm>>) target(%arg7 : memref<128x128xf32, #tpu.memory_space<vmem>>) offsets(%dma_start3A_230 : memref<128xi32, #tpu.memory_space<vmem>>) semaphore(%arg12 : memref<!tpu.dma_semaphore, #tpu.memory_space<semaphore_mem>>)
      } else {
      }
      %add3A_207 = arith.constant 1 : i32
      %add3A_208 = arith.addi %mul3A_195, %add3A_207 : i32
      %dma_wait3A_209 = arith.constant 0 : i32
      %dma_wait3A_210 = arith.constant 0 : i32
      %dma_wait3A_211 = tpu.memref_slice %arg5[%add3A_208, %dma_wait3A_209, %dma_wait3A_210] : memref<20x2x128xi32, #tpu.memory_space<vmem>> -> memref<1x1x128xi32, #tpu.memory_space<vmem>>
      %dma_wait3A_212 = tpu.memref_squeeze %dma_wait3A_211 : memref<1x1x128xi32, #tpu.memory_space<vmem>> -> memref<128xi32, #tpu.memory_space<vmem>>
      %dma_wait3A_213 = arith.constant 0 : i32
      %dma_wait3A_214 = arith.constant 0 : i32
      %dma_wait3A_215 = tpu.memref_slice %arg2[%dma_wait3A_213, %dma_wait3A_214] : memref<10000x128xf32, #tpu.memory_space<hbm>> -> memref<10000x128xf32, #tpu.memory_space<hbm>>
      tpu.wait_indirect_dma semaphore(%arg13 : memref<!tpu.dma_semaphore, #tpu.memory_space<semaphore_mem>>) src(%dma_wait3A_215 : memref<10000x128xf32, #tpu.memory_space<hbm>>) dst(%arg8 : memref<128x128xf32, #tpu.memory_space<vmem>>)
      %run_scoped3A_216 = arith.constant 1 : i32
      "tpu.region"() ({
        %run_scoped3A_225 = tpu.sem_alloc : memref<!tpu.dma_semaphore, #tpu.memory_space<semaphore_mem>>
        %dma_start3A_226 = arith.constant 0 : i32
        %dma_start3A_227 = tpu.memref_slice %arg5[%add3A_208, %run_scoped3A_216, %dma_start3A_226] : memref<20x2x128xi32, #tpu.memory_space<vmem>> -> memref<1x1x128xi32, #tpu.memory_space<vmem>>
        %dma_start3A_228 = tpu.memref_squeeze %dma_start3A_227 : memref<1x1x128xi32, #tpu.memory_space<vmem>> -> memref<128xi32, #tpu.memory_space<vmem>>
        %dma_start3A_229 = arith.constant 0 : i32
        %dma_start3A_230 = arith.constant 0 : i32
        %dma_start3A_231 = tpu.memref_slice %arg9[%dma_start3A_229, %dma_start3A_230] : memref<10240x128xf32, #tpu.memory_space<vmem_shared>> -> memref<10240x128xf32, #tpu.memory_space<vmem_shared>>
        tpu.enqueue_indirect_dma source(%arg8 : memref<128x128xf32, #tpu.memory_space<vmem>>) target(%dma_start3A_231 : memref<10240x128xf32, #tpu.memory_space<vmem_shared>>) offsets(%dma_start3A_228 : memref<128xi32, #tpu.memory_space<vmem>>) semaphore(%run_scoped3A_225 : memref<!tpu.dma_semaphore, #tpu.memory_space<semaphore_mem>>) {add = true}
        %dma_wait3A_232 = arith.constant 0 : i32
        %dma_wait3A_233 = tpu.memref_slice %arg5[%add3A_208, %run_scoped3A_216, %dma_wait3A_232] : memref<20x2x128xi32, #tpu.memory_space<vmem>> -> memref<1x1x128xi32, #tpu.memory_space<vmem>>
        %dma_wait3A_234 = tpu.memref_squeeze %dma_wait3A_233 : memref<1x1x128xi32, #tpu.memory_space<vmem>> -> memref<128xi32, #tpu.memory_space<vmem>>
        %dma_wait3A_235 = arith.constant 0 : i32
        %dma_wait3A_236 = arith.constant 0 : i32
        %dma_wait3A_237 = tpu.memref_slice %arg9[%dma_wait3A_235, %dma_wait3A_236] : memref<10240x128xf32, #tpu.memory_space<vmem_shared>> -> memref<10240x128xf32, #tpu.memory_space<vmem_shared>>
        tpu.wait_indirect_dma semaphore(%run_scoped3A_225 : memref<!tpu.dma_semaphore, #tpu.memory_space<semaphore_mem>>) src(%arg8 : memref<128x128xf32, #tpu.memory_space<vmem>>) dst(%dma_wait3A_237 : memref<10240x128xf32, #tpu.memory_space<vmem_shared>>)
        tpu.yield
      }) : () -> ()
      %add3A_217 = arith.constant 2 : i32
      %add3A_218 = arith.addi %add3A_208, %add3A_217 : i32
      %lt3A_219 = arith.constant 20 : i32
      %lt3A_220 = arith.cmpi slt, %add3A_218, %lt3A_219 : i32
      %convert_element_type3A_221 = arith.extui %lt3A_220 : i1 to i32
      %cond3A_222 = arith.constant 0 : i32
      %cond3A_223 = arith.cmpi ne, %convert_element_type3A_221, %cond3A_222 : i32
      scf.if %cond3A_223 {
        %add3A_225 = arith.constant 2 : i32
        %add3A_226 = arith.addi %add3A_208, %add3A_225 : i32
        %dma_start3A_227 = arith.constant 0 : i32
        %dma_start3A_228 = arith.constant 0 : i32
        %dma_start3A_229 = tpu.memref_slice %arg5[%add3A_226, %dma_start3A_227, %dma_start3A_228] : memref<20x2x128xi32, #tpu.memory_space<vmem>> -> memref<1x1x128xi32, #tpu.memory_space<vmem>>
        %dma_start3A_230 = tpu.memref_squeeze %dma_start3A_229 : memref<1x1x128xi32, #tpu.memory_space<vmem>> -> memref<128xi32, #tpu.memory_space<vmem>>
        %dma_start3A_231 = arith.constant 0 : i32
        %dma_start3A_232 = arith.constant 0 : i32
        %dma_start3A_233 = tpu.memref_slice %arg2[%dma_start3A_231, %dma_start3A_232] : memref<10000x128xf32, #tpu.memory_space<hbm>> -> memref<10000x128xf32, #tpu.memory_space<hbm>>
        tpu.enqueue_indirect_dma source(%dma_start3A_233 : memref<10000x128xf32, #tpu.memory_space<hbm>>) target(%arg8 : memref<128x128xf32, #tpu.memory_space<vmem>>) offsets(%dma_start3A_230 : memref<128xi32, #tpu.memory_space<vmem>>) semaphore(%arg13 : memref<!tpu.dma_semaphore, #tpu.memory_space<semaphore_mem>>)
      } else {
      }
      %scan3A_224 = arith.constant 0 : i32
      scf.yield %scan3A_224 : i32
    }
    %scan3A_150 = arith.constant 10 : i32
    %dma_wait3A_151 = arith.constant 60 : i32
    %dma_wait3A_152 = arith.constant 0 : i32
    %dma_wait3A_153 = arith.constant 0 : i32
    %dma_wait3A_154 = tpu.memref_slice %arg3[%add3A, %dma_wait3A_151, %dma_wait3A_152, %dma_wait3A_153] : memref<32x80x2x128xi32, #tpu.memory_space<hbm>> -> memref<1x20x2x128xi32, #tpu.memory_space<hbm>>
    %dma_wait3A_155 = tpu.memref_squeeze %dma_wait3A_154 : memref<1x20x2x128xi32, #tpu.memory_space<hbm>> -> memref<20x2x128xi32, #tpu.memory_space<hbm>>
    %dma_wait3A_156 = arith.constant 60 : i32
    %dma_wait3A_157 = arith.constant 0 : i32
    %dma_wait3A_158 = arith.constant 0 : i32
    %dma_wait3A_159 = tpu.memref_slice %arg3[%add3A, %dma_wait3A_156, %dma_wait3A_157, %dma_wait3A_158] : memref<32x80x2x128xi32, #tpu.memory_space<hbm>> -> memref<1x20x2x128xi32, #tpu.memory_space<hbm>>
    %dma_wait3A_160 = tpu.memref_squeeze %dma_wait3A_159 : memref<1x20x2x128xi32, #tpu.memory_space<hbm>> -> memref<20x2x128xi32, #tpu.memory_space<hbm>>
    tpu.wait_dma2 semaphore(%arg11 : memref<!tpu.dma_semaphore, #tpu.memory_space<semaphore_mem>>) src(%dma_wait3A_160 : memref<20x2x128xi32, #tpu.memory_space<hbm>>) dst(%arg6 : memref<20x2x128xi32, #tpu.memory_space<vmem>>)
    %dma_start3A_161 = arith.constant 0 : i32
    %dma_start3A_162 = arith.constant 0 : i32
    %dma_start3A_163 = arith.constant 0 : i32
    %dma_start3A_164 = tpu.memref_slice %arg6[%dma_start3A_161, %dma_start3A_162, %dma_start3A_163] : memref<20x2x128xi32, #tpu.memory_space<vmem>> -> memref<1x1x128xi32, #tpu.memory_space<vmem>>
    %dma_start3A_165 = tpu.memref_squeeze %dma_start3A_164 : memref<1x1x128xi32, #tpu.memory_space<vmem>> -> memref<128xi32, #tpu.memory_space<vmem>>
    %dma_start3A_166 = arith.constant 0 : i32
    %dma_start3A_167 = arith.constant 0 : i32
    %dma_start3A_168 = tpu.memref_slice %arg2[%dma_start3A_166, %dma_start3A_167] : memref<10000x128xf32, #tpu.memory_space<hbm>> -> memref<10000x128xf32, #tpu.memory_space<hbm>>
    tpu.enqueue_indirect_dma source(%dma_start3A_168 : memref<10000x128xf32, #tpu.memory_space<hbm>>) target(%arg7 : memref<128x128xf32, #tpu.memory_space<vmem>>) offsets(%dma_start3A_165 : memref<128xi32, #tpu.memory_space<vmem>>) semaphore(%arg12 : memref<!tpu.dma_semaphore, #tpu.memory_space<semaphore_mem>>)
    %dma_start3A_169 = arith.constant 1 : i32
    %dma_start3A_170 = arith.constant 0 : i32
    %dma_start3A_171 = arith.constant 0 : i32
    %dma_start3A_172 = tpu.memref_slice %arg6[%dma_start3A_169, %dma_start3A_170, %dma_start3A_171] : memref<20x2x128xi32, #tpu.memory_space<vmem>> -> memref<1x1x128xi32, #tpu.memory_space<vmem>>
    %dma_start3A_173 = tpu.memref_squeeze %dma_start3A_172 : memref<1x1x128xi32, #tpu.memory_space<vmem>> -> memref<128xi32, #tpu.memory_space<vmem>>
    %dma_start3A_174 = arith.constant 0 : i32
    %dma_start3A_175 = arith.constant 0 : i32
    %dma_start3A_176 = tpu.memref_slice %arg2[%dma_start3A_174, %dma_start3A_175] : memref<10000x128xf32, #tpu.memory_space<hbm>> -> memref<10000x128xf32, #tpu.memory_space<hbm>>
    tpu.enqueue_indirect_dma source(%dma_start3A_176 : memref<10000x128xf32, #tpu.memory_space<hbm>>) target(%arg8 : memref<128x128xf32, #tpu.memory_space<vmem>>) offsets(%dma_start3A_173 : memref<128xi32, #tpu.memory_space<vmem>>) semaphore(%arg13 : memref<!tpu.dma_semaphore, #tpu.memory_space<semaphore_mem>>)
    %scan3A_177 = arith.constant 0 : i32
    %scan3A_178 = arith.constant 0 : i32
    %scan3A_179 = arith.constant 10 : i32
    %scan3A_180 = arith.addi %scan3A_178, %scan3A_179 : i32
    %scan3A_181 = arith.constant 1 : i32
    %scan3A_182 = scf.for %scan3A_192 = %scan3A_178 to %scan3A_180 step %scan3A_181 iter_args(%scan3A_193 = %scan3A_177) -> (i32)  : i32 {
      %mul3A_194 = arith.constant 2 : i32
      %mul3A_195 = arith.muli %scan3A_192, %mul3A_194 : i32
      %dma_wait3A_196 = arith.constant 0 : i32
      %dma_wait3A_197 = arith.constant 0 : i32
      %dma_wait3A_198 = tpu.memref_slice %arg6[%mul3A_195, %dma_wait3A_196, %dma_wait3A_197] : memref<20x2x128xi32, #tpu.memory_space<vmem>> -> memref<1x1x128xi32, #tpu.memory_space<vmem>>
      %dma_wait3A_199 = tpu.memref_squeeze %dma_wait3A_198 : memref<1x1x128xi32, #tpu.memory_space<vmem>> -> memref<128xi32, #tpu.memory_space<vmem>>
      %dma_wait3A_200 = arith.constant 0 : i32
      %dma_wait3A_201 = arith.constant 0 : i32
      %dma_wait3A_202 = tpu.memref_slice %arg2[%dma_wait3A_200, %dma_wait3A_201] : memref<10000x128xf32, #tpu.memory_space<hbm>> -> memref<10000x128xf32, #tpu.memory_space<hbm>>
      tpu.wait_indirect_dma semaphore(%arg12 : memref<!tpu.dma_semaphore, #tpu.memory_space<semaphore_mem>>) src(%dma_wait3A_202 : memref<10000x128xf32, #tpu.memory_space<hbm>>) dst(%arg7 : memref<128x128xf32, #tpu.memory_space<vmem>>)
      %run_scoped3A = arith.constant 1 : i32
      "tpu.region"() ({
        %run_scoped3A_225 = tpu.sem_alloc : memref<!tpu.dma_semaphore, #tpu.memory_space<semaphore_mem>>
        %dma_start3A_226 = arith.constant 0 : i32
        %dma_start3A_227 = tpu.memref_slice %arg6[%mul3A_195, %run_scoped3A, %dma_start3A_226] : memref<20x2x128xi32, #tpu.memory_space<vmem>> -> memref<1x1x128xi32, #tpu.memory_space<vmem>>
        %dma_start3A_228 = tpu.memref_squeeze %dma_start3A_227 : memref<1x1x128xi32, #tpu.memory_space<vmem>> -> memref<128xi32, #tpu.memory_space<vmem>>
        %dma_start3A_229 = arith.constant 0 : i32
        %dma_start3A_230 = arith.constant 0 : i32
        %dma_start3A_231 = tpu.memref_slice %arg9[%dma_start3A_229, %dma_start3A_230] : memref<10240x128xf32, #tpu.memory_space<vmem_shared>> -> memref<10240x128xf32, #tpu.memory_space<vmem_shared>>
        tpu.enqueue_indirect_dma source(%arg7 : memref<128x128xf32, #tpu.memory_space<vmem>>) target(%dma_start3A_231 : memref<10240x128xf32, #tpu.memory_space<vmem_shared>>) offsets(%dma_start3A_228 : memref<128xi32, #tpu.memory_space<vmem>>) semaphore(%run_scoped3A_225 : memref<!tpu.dma_semaphore, #tpu.memory_space<semaphore_mem>>) {add = true}
        %dma_wait3A_232 = arith.constant 0 : i32
        %dma_wait3A_233 = tpu.memref_slice %arg6[%mul3A_195, %run_scoped3A, %dma_wait3A_232] : memref<20x2x128xi32, #tpu.memory_space<vmem>> -> memref<1x1x128xi32, #tpu.memory_space<vmem>>
        %dma_wait3A_234 = tpu.memref_squeeze %dma_wait3A_233 : memref<1x1x128xi32, #tpu.memory_space<vmem>> -> memref<128xi32, #tpu.memory_space<vmem>>
        %dma_wait3A_235 = arith.constant 0 : i32
        %dma_wait3A_236 = arith.constant 0 : i32
        %dma_wait3A_237 = tpu.memref_slice %arg9[%dma_wait3A_235, %dma_wait3A_236] : memref<10240x128xf32, #tpu.memory_space<vmem_shared>> -> memref<10240x128xf32, #tpu.memory_space<vmem_shared>>
        tpu.wait_indirect_dma semaphore(%run_scoped3A_225 : memref<!tpu.dma_semaphore, #tpu.memory_space<semaphore_mem>>) src(%arg7 : memref<128x128xf32, #tpu.memory_space<vmem>>) dst(%dma_wait3A_237 : memref<10240x128xf32, #tpu.memory_space<vmem_shared>>)
        tpu.yield
      }) : () -> ()
      %add3A_203 = arith.constant 2 : i32
      %add3A_204 = arith.addi %mul3A_195, %add3A_203 : i32
      %lt3A = arith.constant 20 : i32
      %lt3A_205 = arith.cmpi slt, %add3A_204, %lt3A : i32
      %convert_element_type3A = arith.extui %lt3A_205 : i1 to i32
      %cond3A = arith.constant 0 : i32
      %cond3A_206 = arith.cmpi ne, %convert_element_type3A, %cond3A : i32
      scf.if %cond3A_206 {
        %add3A_225 = arith.constant 2 : i32
        %add3A_226 = arith.addi %mul3A_195, %add3A_225 : i32
        %dma_start3A_227 = arith.constant 0 : i32
        %dma_start3A_228 = arith.constant 0 : i32
        %dma_start3A_229 = tpu.memref_slice %arg6[%add3A_226, %dma_start3A_227, %dma_start3A_228] : memref<20x2x128xi32, #tpu.memory_space<vmem>> -> memref<1x1x128xi32, #tpu.memory_space<vmem>>
        %dma_start3A_230 = tpu.memref_squeeze %dma_start3A_229 : memref<1x1x128xi32, #tpu.memory_space<vmem>> -> memref<128xi32, #tpu.memory_space<vmem>>
        %dma_start3A_231 = arith.constant 0 : i32
        %dma_start3A_232 = arith.constant 0 : i32
        %dma_start3A_233 = tpu.memref_slice %arg2[%dma_start3A_231, %dma_start3A_232] : memref<10000x128xf32, #tpu.memory_space<hbm>> -> memref<10000x128xf32, #tpu.memory_space<hbm>>
        tpu.enqueue_indirect_dma source(%dma_start3A_233 : memref<10000x128xf32, #tpu.memory_space<hbm>>) target(%arg7 : memref<128x128xf32, #tpu.memory_space<vmem>>) offsets(%dma_start3A_230 : memref<128xi32, #tpu.memory_space<vmem>>) semaphore(%arg12 : memref<!tpu.dma_semaphore, #tpu.memory_space<semaphore_mem>>)
      } else {
      }
      %add3A_207 = arith.constant 1 : i32
      %add3A_208 = arith.addi %mul3A_195, %add3A_207 : i32
      %dma_wait3A_209 = arith.constant 0 : i32
      %dma_wait3A_210 = arith.constant 0 : i32
      %dma_wait3A_211 = tpu.memref_slice %arg6[%add3A_208, %dma_wait3A_209, %dma_wait3A_210] : memref<20x2x128xi32, #tpu.memory_space<vmem>> -> memref<1x1x128xi32, #tpu.memory_space<vmem>>
      %dma_wait3A_212 = tpu.memref_squeeze %dma_wait3A_211 : memref<1x1x128xi32, #tpu.memory_space<vmem>> -> memref<128xi32, #tpu.memory_space<vmem>>
      %dma_wait3A_213 = arith.constant 0 : i32
      %dma_wait3A_214 = arith.constant 0 : i32
      %dma_wait3A_215 = tpu.memref_slice %arg2[%dma_wait3A_213, %dma_wait3A_214] : memref<10000x128xf32, #tpu.memory_space<hbm>> -> memref<10000x128xf32, #tpu.memory_space<hbm>>
      tpu.wait_indirect_dma semaphore(%arg13 : memref<!tpu.dma_semaphore, #tpu.memory_space<semaphore_mem>>) src(%dma_wait3A_215 : memref<10000x128xf32, #tpu.memory_space<hbm>>) dst(%arg8 : memref<128x128xf32, #tpu.memory_space<vmem>>)
      %run_scoped3A_216 = arith.constant 1 : i32
      "tpu.region"() ({
        %run_scoped3A_225 = tpu.sem_alloc : memref<!tpu.dma_semaphore, #tpu.memory_space<semaphore_mem>>
        %dma_start3A_226 = arith.constant 0 : i32
        %dma_start3A_227 = tpu.memref_slice %arg6[%add3A_208, %run_scoped3A_216, %dma_start3A_226] : memref<20x2x128xi32, #tpu.memory_space<vmem>> -> memref<1x1x128xi32, #tpu.memory_space<vmem>>
        %dma_start3A_228 = tpu.memref_squeeze %dma_start3A_227 : memref<1x1x128xi32, #tpu.memory_space<vmem>> -> memref<128xi32, #tpu.memory_space<vmem>>
        %dma_start3A_229 = arith.constant 0 : i32
        %dma_start3A_230 = arith.constant 0 : i32
        %dma_start3A_231 = tpu.memref_slice %arg9[%dma_start3A_229, %dma_start3A_230] : memref<10240x128xf32, #tpu.memory_space<vmem_shared>> -> memref<10240x128xf32, #tpu.memory_space<vmem_shared>>
        tpu.enqueue_indirect_dma source(%arg8 : memref<128x128xf32, #tpu.memory_space<vmem>>) target(%dma_start3A_231 : memref<10240x128xf32, #tpu.memory_space<vmem_shared>>) offsets(%dma_start3A_228 : memref<128xi32, #tpu.memory_space<vmem>>) semaphore(%run_scoped3A_225 : memref<!tpu.dma_semaphore, #tpu.memory_space<semaphore_mem>>) {add = true}
        %dma_wait3A_232 = arith.constant 0 : i32
        %dma_wait3A_233 = tpu.memref_slice %arg6[%add3A_208, %run_scoped3A_216, %dma_wait3A_232] : memref<20x2x128xi32, #tpu.memory_space<vmem>> -> memref<1x1x128xi32, #tpu.memory_space<vmem>>
        %dma_wait3A_234 = tpu.memref_squeeze %dma_wait3A_233 : memref<1x1x128xi32, #tpu.memory_space<vmem>> -> memref<128xi32, #tpu.memory_space<vmem>>
        %dma_wait3A_235 = arith.constant 0 : i32
        %dma_wait3A_236 = arith.constant 0 : i32
        %dma_wait3A_237 = tpu.memref_slice %arg9[%dma_wait3A_235, %dma_wait3A_236] : memref<10240x128xf32, #tpu.memory_space<vmem_shared>> -> memref<10240x128xf32, #tpu.memory_space<vmem_shared>>
        tpu.wait_indirect_dma semaphore(%run_scoped3A_225 : memref<!tpu.dma_semaphore, #tpu.memory_space<semaphore_mem>>) src(%arg8 : memref<128x128xf32, #tpu.memory_space<vmem>>) dst(%dma_wait3A_237 : memref<10240x128xf32, #tpu.memory_space<vmem_shared>>)
        tpu.yield
      }) : () -> ()
      %add3A_217 = arith.constant 2 : i32
      %add3A_218 = arith.addi %add3A_208, %add3A_217 : i32
      %lt3A_219 = arith.constant 20 : i32
      %lt3A_220 = arith.cmpi slt, %add3A_218, %lt3A_219 : i32
      %convert_element_type3A_221 = arith.extui %lt3A_220 : i1 to i32
      %cond3A_222 = arith.constant 0 : i32
      %cond3A_223 = arith.cmpi ne, %convert_element_type3A_221, %cond3A_222 : i32
      scf.if %cond3A_223 {
        %add3A_225 = arith.constant 2 : i32
        %add3A_226 = arith.addi %add3A_208, %add3A_225 : i32
        %dma_start3A_227 = arith.constant 0 : i32
        %dma_start3A_228 = arith.constant 0 : i32
        %dma_start3A_229 = tpu.memref_slice %arg6[%add3A_226, %dma_start3A_227, %dma_start3A_228] : memref<20x2x128xi32, #tpu.memory_space<vmem>> -> memref<1x1x128xi32, #tpu.memory_space<vmem>>
        %dma_start3A_230 = tpu.memref_squeeze %dma_start3A_229 : memref<1x1x128xi32, #tpu.memory_space<vmem>> -> memref<128xi32, #tpu.memory_space<vmem>>
        %dma_start3A_231 = arith.constant 0 : i32
        %dma_start3A_232 = arith.constant 0 : i32
        %dma_start3A_233 = tpu.memref_slice %arg2[%dma_start3A_231, %dma_start3A_232] : memref<10000x128xf32, #tpu.memory_space<hbm>> -> memref<10000x128xf32, #tpu.memory_space<hbm>>
        tpu.enqueue_indirect_dma source(%dma_start3A_233 : memref<10000x128xf32, #tpu.memory_space<hbm>>) target(%arg8 : memref<128x128xf32, #tpu.memory_space<vmem>>) offsets(%dma_start3A_230 : memref<128xi32, #tpu.memory_space<vmem>>) semaphore(%arg13 : memref<!tpu.dma_semaphore, #tpu.memory_space<semaphore_mem>>)
      } else {
      }
      %scan3A_224 = arith.constant 0 : i32
      scf.yield %scan3A_224 : i32
    }
    %scan3A_183 = arith.constant 10 : i32
    %barrier3A_184 = arith.constant 0 : index
    tpu.barrier barrier_id(%barrier3A_184)
    %scan3A_185 = arith.constant 0 : i32
    %scan3A_186 = arith.constant 0 : i32
    %scan3A_187 = arith.constant 5 : i32
    %scan3A_188 = arith.addi %scan3A_186, %scan3A_187 : i32
    %scan3A_189 = arith.constant 1 : i32
    %scan3A_190 = scf.for %scan3A_192 = %scan3A_186 to %scan3A_188 step %scan3A_189 iter_args(%scan3A_193 = %scan3A_185) -> (i32)  : i32 {
      %mul3A_194 = arith.constant 640 : i32
      %mul3A_195 = arith.muli %arg1, %mul3A_194 : i32
      %mul3A_196 = arith.constant 128 : i32
      %mul3A_197 = arith.muli %scan3A_192, %mul3A_196 : i32
      %add3A_198 = arith.addi %mul3A_195, %mul3A_197 : i32
      "tpu.region"() ({
        %run_scoped3A = tpu.sem_alloc : memref<!tpu.dma_semaphore, #tpu.memory_space<semaphore_mem>>
        %dma_start3A_200 = arith.constant 0 : i32
        %dma_start3A_201 = tpu.memref_slice %arg9[%add3A_198, %dma_start3A_200] : memref<10240x128xf32, #tpu.memory_space<vmem_shared>> -> memref<128x128xf32, #tpu.memory_space<vmem_shared>>
        %dma_start3A_202 = arith.constant 0 : i32
        %dma_start3A_203 = tpu.memref_slice %arg9[%add3A_198, %dma_start3A_202] : memref<10240x128xf32, #tpu.memory_space<vmem_shared>> -> memref<128x128xf32, #tpu.memory_space<vmem_shared>>
        tpu.enqueue_dma source(%dma_start3A_203 : memref<128x128xf32, #tpu.memory_space<vmem_shared>>) target(%arg7 : memref<128x128xf32, #tpu.memory_space<vmem>>) target_semaphore(%run_scoped3A : memref<!tpu.dma_semaphore, #tpu.memory_space<semaphore_mem>>)
        %dma_wait3A_204 = arith.constant 0 : i32
        %dma_wait3A_205 = tpu.memref_slice %arg9[%add3A_198, %dma_wait3A_204] : memref<10240x128xf32, #tpu.memory_space<vmem_shared>> -> memref<128x128xf32, #tpu.memory_space<vmem_shared>>
        %dma_wait3A_206 = arith.constant 0 : i32
        %dma_wait3A_207 = tpu.memref_slice %arg9[%add3A_198, %dma_wait3A_206] : memref<10240x128xf32, #tpu.memory_space<vmem_shared>> -> memref<128x128xf32, #tpu.memory_space<vmem_shared>>
        tpu.wait_dma2 semaphore(%run_scoped3A : memref<!tpu.dma_semaphore, #tpu.memory_space<semaphore_mem>>) src(%dma_wait3A_207 : memref<128x128xf32, #tpu.memory_space<vmem_shared>>) dst(%arg7 : memref<128x128xf32, #tpu.memory_space<vmem>>)
        tpu.yield
      }) : () -> ()
      "tpu.region"() ({
        %run_scoped3A = tpu.sem_alloc : memref<!tpu.dma_semaphore, #tpu.memory_space<semaphore_mem>>
        %dma_start3A_200 = arith.constant 0 : i32
        %dma_start3A_201 = tpu.memref_slice %arg4[%arg0, %add3A_198, %dma_start3A_200] : memref<2x10240x128xf32, #tpu.memory_space<hbm>> -> memref<1x128x128xf32, #tpu.memory_space<hbm>>
        %dma_start3A_202 = tpu.memref_squeeze %dma_start3A_201 : memref<1x128x128xf32, #tpu.memory_space<hbm>> -> memref<128x128xf32, #tpu.memory_space<hbm>>
        %dma_start3A_203 = arith.constant 0 : i32
        %dma_start3A_204 = tpu.memref_slice %arg4[%arg0, %add3A_198, %dma_start3A_203] : memref<2x10240x128xf32, #tpu.memory_space<hbm>> -> memref<1x128x128xf32, #tpu.memory_space<hbm>>
        %dma_start3A_205 = tpu.memref_squeeze %dma_start3A_204 : memref<1x128x128xf32, #tpu.memory_space<hbm>> -> memref<128x128xf32, #tpu.memory_space<hbm>>
        tpu.enqueue_dma source(%arg7 : memref<128x128xf32, #tpu.memory_space<vmem>>) target(%dma_start3A_205 : memref<128x128xf32, #tpu.memory_space<hbm>>) target_semaphore(%run_scoped3A : memref<!tpu.dma_semaphore, #tpu.memory_space<semaphore_mem>>)
        %dma_wait3A_206 = arith.constant 0 : i32
        %dma_wait3A_207 = tpu.memref_slice %arg4[%arg0, %add3A_198, %dma_wait3A_206] : memref<2x10240x128xf32, #tpu.memory_space<hbm>> -> memref<1x128x128xf32, #tpu.memory_space<hbm>>
        %dma_wait3A_208 = tpu.memref_squeeze %dma_wait3A_207 : memref<1x128x128xf32, #tpu.memory_space<hbm>> -> memref<128x128xf32, #tpu.memory_space<hbm>>
        %dma_wait3A_209 = arith.constant 0 : i32
        %dma_wait3A_210 = tpu.memref_slice %arg4[%arg0, %add3A_198, %dma_wait3A_209] : memref<2x10240x128xf32, #tpu.memory_space<hbm>> -> memref<1x128x128xf32, #tpu.memory_space<hbm>>
        %dma_wait3A_211 = tpu.memref_squeeze %dma_wait3A_210 : memref<1x128x128xf32, #tpu.memory_space<hbm>> -> memref<128x128xf32, #tpu.memory_space<hbm>>
        tpu.wait_dma2 semaphore(%run_scoped3A : memref<!tpu.dma_semaphore, #tpu.memory_space<semaphore_mem>>) src(%arg7 : memref<128x128xf32, #tpu.memory_space<vmem>>) dst(%dma_wait3A_211 : memref<128x128xf32, #tpu.memory_space<hbm>>)
        tpu.yield
      }) : () -> ()
      %scan3A_199 = arith.constant 0 : i32
      scf.yield %scan3A_199 : i32
    }
    %scan3A_191 = arith.constant 5 : i32
    return
  }
}

module attributes {stable_mosaic.version = 14 : i64} {
  func.func @_scale_body(%arg0: i32, %arg1: memref<2x2x10240xf32, #tpu.memory_space<vmem>>, %arg2: memref<2048x128xf32, #tpu.memory_space<vmem>>, %arg3: memref<2048x128xf32, #tpu.memory_space<vmem>>) attributes {dimension_semantics = [#tpu.dimension_semantics<arbitrary>], iteration_bounds = array<i64: 5>, scalar_prefetch = 0 : i64, scratch_operands = 0 : i64, tpu.core_type = #tpu.core_type<tc>, window_params = [{pipeline_mode = #tpu.pipeline_mode<synchronous>, transform_indices = @transform_0, window_bounds = array<i64: 2, 2, 10240>}, {transform_indices = @transform_1, window_bounds = array<i64: 2048, 128>}, {transform_indices = @transform_2, window_bounds = array<i64: 2048, 128>}]} {
    %mul3A = arith.constant 2048 : i32
    %mul3A_0 = arith.muli %arg0, %mul3A : i32
    %get3A = arith.constant 0 : index
    %get3A_1 = arith.constant 0 : index
    %get3A_2 = arith.index_cast %mul3A_0 : i32 to index
    %get3A_3 = vector.load %arg1[%get3A, %get3A_1, %get3A_2] : memref<2x2x10240xf32, #tpu.memory_space<vmem>>, vector<1x1x2048xf32>
    %get3A_4 = vector.shape_cast %get3A_3 : vector<1x1x2048xf32> to vector<2048xf32>
    %get3A_5 = arith.constant 1 : index
    %get3A_6 = arith.constant 0 : index
    %get3A_7 = arith.index_cast %mul3A_0 : i32 to index
    %get3A_8 = vector.load %arg1[%get3A_5, %get3A_6, %get3A_7] : memref<2x2x10240xf32, #tpu.memory_space<vmem>>, vector<1x1x2048xf32>
    %get3A_9 = vector.shape_cast %get3A_8 : vector<1x1x2048xf32> to vector<2048xf32>
    %add3A = arith.addf %get3A_4, %get3A_9 : vector<2048xf32>
    %iota3A = tpu.iota {dimensions = array<i32: 1>} : vector<1x2048xi32>
    %iota3A_10 = vector.shape_cast %iota3A : vector<1x2048xi32> to vector<2048xi32>
    %eq3A = arith.constant 0 : i32
    %eq3A_11 = arith.cmpi eq, %arg0, %eq3A : i32
    %lt3A = arith.constant 240 : i32
    %lt3A_12 = vector.broadcast %lt3A : i32 to vector<2048xi32>
    %lt3A_13 = arith.cmpi slt, %iota3A_10, %lt3A_12 : vector<2048xi32>
    %and3A = vector.broadcast %eq3A_11 : i1 to vector<2048xi1>
    %and3A_14 = arith.andi %and3A, %lt3A_13 : vector<2048xi1>
    %jit3A = arith.constant 3.200000e+01 : f32
    %jit3A_15 = arith.constant 0.000000e+00 : f32
    %broadcast_in_dim3A = vector.broadcast %jit3A : f32 to vector<2048xf32>
    %broadcast_in_dim3A_16 = vector.broadcast %jit3A_15 : f32 to vector<2048xf32>
    %select_n3A = arith.select %and3A_14, %broadcast_in_dim3A, %broadcast_in_dim3A_16 : vector<2048xi1>, vector<2048xf32>
    %sub3A = arith.subf %add3A, %select_n3A : vector<2048xf32>
    %max3A = arith.constant 1.000000e+00 : f32
    %max3A_17 = vector.broadcast %max3A : f32 to vector<2048xf32>
    %max3A_18 = arith.maximumf %sub3A, %max3A_17 : vector<2048xf32>
    %rsqrt3A = math.rsqrt %max3A_18 : vector<2048xf32>
    %get3A_19 = arith.constant 0 : index
    %get3A_20 = arith.constant 0 : index
    %get3A_21 = vector.load %arg2[%get3A_19, %get3A_20] : memref<2048x128xf32, #tpu.memory_space<vmem>>, vector<2048x128xf32>
    %broadcast_in_dim3A_22 = vector.shape_cast %rsqrt3A : vector<2048xf32> to vector<2048x1xf32>
    %mul3A_23 = vector.broadcast %broadcast_in_dim3A_22 : vector<2048x1xf32> to vector<2048x128xf32>
    %mul3A_24 = arith.mulf %get3A_21, %mul3A_23 : vector<2048x128xf32>
    %swap3A = arith.constant 0 : index
    %swap3A_25 = arith.constant 0 : index
    %swap3A_26 = vector.load %arg3[%swap3A, %swap3A_25] : memref<2048x128xf32, #tpu.memory_space<vmem>>, vector<2048x128xf32>
    tpu.vector_store %arg3[%swap3A, %swap3A_25], %mul3A_24 {strides = array<i32>} : memref<2048x128xf32, #tpu.memory_space<vmem>>, vector<2048x128xf32>,
    return
  }
  func.func @transform_0(%arg0: i32) -> (i32, i32, i32) {
    %c0_i32 = arith.constant 0 : i32
    %c0_i32_0 = arith.constant 0 : i32
    %c0_i32_1 = arith.constant 0 : i32
    %c0_i32_2 = arith.constant 0 : i32
    return %c0_i32, %c0_i32_0, %c0_i32_1 : i32, i32, i32
  }
  func.func @transform_1(%arg0: i32) -> (i32, i32) {
    %c0_i32 = arith.constant 0 : i32
    %c0_i32_0 = arith.constant 0 : i32
    return %arg0, %c0_i32 : i32, i32
  }
  func.func @transform_2(%arg0: i32) -> (i32, i32) {
    %c0_i32 = arith.constant 0 : i32
    %c0_i32_0 = arith.constant 0 : i32
    return %arg0, %c0_i32 : i32, i32
  }
}

module attributes {stable_mosaic.version = 14 : i64} {
  func.func @_final_body(%arg0: i32, %arg1: memref<2x2048x128xf32, #tpu.memory_space<vmem>>, %arg2: memref<2x2x10240xf32, #tpu.memory_space<vmem>>, %arg3: memref<128x128xf32, #tpu.memory_space<vmem>>, %arg4: memref<128x128xf32, #tpu.memory_space<vmem>>, %arg5: memref<128x128xf32, #tpu.memory_space<vmem>>, %arg6: memref<1x128xf32, #tpu.memory_space<vmem>>, %arg7: memref<1x128xf32, #tpu.memory_space<vmem>>, %arg8: memref<1x128xf32, #tpu.memory_space<vmem>>, %arg9: memref<2048x128xf32, #tpu.memory_space<vmem>>, %arg10: memref<1x1xf32, #tpu.memory_space<vmem>>) attributes {dimension_semantics = [#tpu.dimension_semantics<arbitrary>], iteration_bounds = array<i64: 5>, scalar_prefetch = 0 : i64, scratch_operands = 0 : i64, tpu.core_type = #tpu.core_type<tc>, window_params = [{transform_indices = @transform_0, window_bounds = array<i64: 2, 2048, 128>}, {pipeline_mode = #tpu.pipeline_mode<synchronous>, transform_indices = @transform_1, window_bounds = array<i64: 2, 2, 10240>}, {pipeline_mode = #tpu.pipeline_mode<synchronous>, transform_indices = @transform_2, window_bounds = array<i64: 128, 128>}, {pipeline_mode = #tpu.pipeline_mode<synchronous>, transform_indices = @transform_3, window_bounds = array<i64: 128, 128>}, {pipeline_mode = #tpu.pipeline_mode<synchronous>, transform_indices = @transform_4, window_bounds = array<i64: 128, 128>}, {pipeline_mode = #tpu.pipeline_mode<synchronous>, transform_indices = @transform_5, window_bounds = array<i64: 1, 128>}, {pipeline_mode = #tpu.pipeline_mode<synchronous>, transform_indices = @transform_6, window_bounds = array<i64: 1, 128>}, {pipeline_mode = #tpu.pipeline_mode<synchronous>, transform_indices = @transform_7, window_bounds = array<i64: 1, 128>}, {transform_indices = @transform_8, window_bounds = array<i64: 2048, 128>}, {pipeline_mode = #tpu.pipeline_mode<synchronous>, transform_indices = @transform_9, window_bounds = array<i64: 1, 1>}]} {
    %get3A = arith.constant 0 : index
    %get3A_0 = arith.constant 0 : index
    %get3A_1 = vector.load %arg4[%get3A, %get3A_0] : memref<128x128xf32, #tpu.memory_space<vmem>>, vector<128x128xf32>
    %get3A_2 = arith.constant 0 : index
    %get3A_3 = arith.constant 0 : index
    %get3A_4 = vector.load %arg3[%get3A_2, %get3A_3] : memref<128x128xf32, #tpu.memory_space<vmem>>, vector<128x128xf32>
    %exp3A = math.exp %get3A_1 : vector<128x128xf32>
    %get3A_5 = arith.constant 0 : index
    %get3A_6 = arith.constant 0 : index
    %get3A_7 = vector.load %arg5[%get3A_5, %get3A_6] : memref<128x128xf32, #tpu.memory_space<vmem>>, vector<128x128xf32>
    %mul3A = arith.mulf %exp3A, %get3A_7 : vector<128x128xf32>
    %add3A = arith.addf %get3A_4, %mul3A : vector<128x128xf32>
    %get3A_8 = arith.constant 0 : index
    %get3A_9 = arith.constant 0 : index
    %get3A_10 = arith.constant 0 : index
    %get3A_11 = vector.load %arg1[%get3A_8, %get3A_9, %get3A_10] : memref<2x2048x128xf32, #tpu.memory_space<vmem>>, vector<1x2048x128xf32>
    %get3A_12 = vector.shape_cast %get3A_11 : vector<1x2048x128xf32> to vector<2048x128xf32>
    %get3A_13 = arith.constant 1 : index
    %get3A_14 = arith.constant 0 : index
    %get3A_15 = arith.constant 0 : index
    %get3A_16 = vector.load %arg1[%get3A_13, %get3A_14, %get3A_15] : memref<2x2048x128xf32, #tpu.memory_space<vmem>>, vector<1x2048x128xf32>
    %get3A_17 = vector.shape_cast %get3A_16 : vector<1x2048x128xf32> to vector<2048x128xf32>
    %add3A_18 = arith.addf %get3A_12, %get3A_17 : vector<2048x128xf32>
    %dot_general3A = arith.constant dense<0.000000e+00> : vector<2048x128xf32>
    %dot_general3A_19 = tpu.matmul %add3A_18, %add3A, %dot_general3A {dimension_numbers = #tpu.dot_dimension_numbers<[1], [0], [0], [1], [0, 0, 1, 1], [], []>, transpose_lhs_hint = false} : vector<2048x128xf32>, vector<128x128xf32>, vector<2048x128xf32> -> vector<2048x128xf32>
    %mul3A_20 = arith.constant 2048 : i32
    %mul3A_21 = arith.muli %arg0, %mul3A_20 : i32
    %get3A_22 = arith.constant 0 : index
    %get3A_23 = arith.constant 1 : index
    %get3A_24 = arith.index_cast %mul3A_21 : i32 to index
    %get3A_25 = vector.load %arg2[%get3A_22, %get3A_23, %get3A_24] : memref<2x2x10240xf32, #tpu.memory_space<vmem>>, vector<1x1x2048xf32>
    %get3A_26 = vector.shape_cast %get3A_25 : vector<1x1x2048xf32> to vector<2048xf32>
    %get3A_27 = arith.constant 1 : index
    %get3A_28 = arith.constant 1 : index
    %get3A_29 = arith.index_cast %mul3A_21 : i32 to index
    %get3A_30 = vector.load %arg2[%get3A_27, %get3A_28, %get3A_29] : memref<2x2x10240xf32, #tpu.memory_space<vmem>>, vector<1x1x2048xf32>
    %get3A_31 = vector.shape_cast %get3A_30 : vector<1x1x2048xf32> to vector<2048xf32>
    %add3A_32 = arith.addf %get3A_26, %get3A_31 : vector<2048xf32>
    %max3A = arith.constant 1.000000e+00 : f32
    %max3A_33 = vector.broadcast %max3A : f32 to vector<2048xf32>
    %max3A_34 = arith.maximumf %add3A_32, %max3A_33 : vector<2048xf32>
    %rsqrt3A = math.rsqrt %max3A_34 : vector<2048xf32>
    %broadcast_in_dim3A = vector.shape_cast %rsqrt3A : vector<2048xf32> to vector<2048x1xf32>
    %get3A_35 = arith.constant 0 : index
    %get3A_36 = arith.constant 0 : index
    %get3A_37 = vector.load %arg7[%get3A_35, %get3A_36] : memref<1x128xf32, #tpu.memory_space<vmem>>, vector<1x128xf32>
    %get3A_38 = arith.constant 0 : index
    %get3A_39 = arith.constant 0 : index
    %get3A_40 = vector.load %arg6[%get3A_38, %get3A_39] : memref<1x128xf32, #tpu.memory_space<vmem>>, vector<1x128xf32>
    %exp3A_41 = math.exp %get3A_37 : vector<1x128xf32>
    %get3A_42 = arith.constant 0 : index
    %get3A_43 = arith.constant 0 : index
    %get3A_44 = vector.load %arg8[%get3A_42, %get3A_43] : memref<1x128xf32, #tpu.memory_space<vmem>>, vector<1x128xf32>
    %mul3A_45 = arith.mulf %exp3A_41, %get3A_44 : vector<1x128xf32>
    %add3A_46 = arith.addf %get3A_40, %mul3A_45 : vector<1x128xf32>
    %mul3A_47 = vector.broadcast %broadcast_in_dim3A : vector<2048x1xf32> to vector<2048x128xf32>
    %mul3A_48 = arith.mulf %dot_general3A_19, %mul3A_47 : vector<2048x128xf32>
    %add3A_49 = vector.broadcast %add3A_46 : vector<1x128xf32> to vector<2048x128xf32>
    %add3A_50 = arith.addf %mul3A_48, %add3A_49 : vector<2048x128xf32>
    %swap3A = arith.constant 0 : index
    %swap3A_51 = arith.constant 0 : index
    %swap3A_52 = vector.load %arg9[%swap3A, %swap3A_51] : memref<2048x128xf32, #tpu.memory_space<vmem>>, vector<2048x128xf32>
    tpu.vector_store %arg9[%swap3A, %swap3A_51], %add3A_50 {strides = array<i32>} : memref<2048x128xf32, #tpu.memory_space<vmem>>, vector<2048x128xf32>,
    %eq3A = arith.constant 0 : i32
    %eq3A_53 = arith.cmpi eq, %arg0, %eq3A : i32
    %convert_element_type3A = arith.extui %eq3A_53 : i1 to i32
    %cond3A = arith.constant 0 : i32
    %cond3A_54 = arith.cmpi ne, %convert_element_type3A, %cond3A : i32
    scf.if %cond3A_54 {
      %neg3A = arith.constant 0.000000e+00 : f32
      %neg3A_55 = vector.broadcast %neg3A : f32 to vector<128x128xf32>
      %neg3A_56 = arith.subf %neg3A_55, %get3A_1 : vector<128x128xf32>
      %mul3A_57 = arith.constant 2.000000e+00 : f32
      %mul3A_58 = vector.broadcast %mul3A_57 : f32 to vector<128x128xf32>
      %mul3A_59 = arith.mulf %mul3A_58, %get3A_1 : vector<128x128xf32>
      %exp3A_60 = math.exp %mul3A_59 : vector<128x128xf32>
      %mul3A_61 = arith.mulf %get3A_4, %get3A_4 : vector<128x128xf32>
      %add3A_62 = arith.addf %exp3A_60, %mul3A_61 : vector<128x128xf32>
      %mul3A_63 = arith.constant 5.000000e-01 : f32
      %mul3A_64 = vector.broadcast %mul3A_63 : f32 to vector<128x128xf32>
      %mul3A_65 = arith.mulf %add3A_62, %mul3A_64 : vector<128x128xf32>
      %add3A_66 = arith.addf %neg3A_56, %mul3A_65 : vector<128x128xf32>
      %sub3A = arith.constant 5.000000e-01 : f32
      %sub3A_67 = vector.broadcast %sub3A : f32 to vector<128x128xf32>
      %sub3A_68 = arith.subf %add3A_66, %sub3A_67 : vector<128x128xf32>
      %reduce_sum3A = vector.shape_cast %sub3A_68 : vector<128x128xf32> to vector<1x128x128xf32>
      %reduce_sum3A_69 = arith.constant dense<0.000000e+00> : vector<1xf32>
      %reduce_sum3A_70 = vector.multi_reduction <add>, %reduce_sum3A, %reduce_sum3A_69 [1, 2] : vector<1x128x128xf32> to vector<1xf32>
      %reduce_sum3A_71 = vector.shape_cast %reduce_sum3A_70 : vector<1xf32> to vector<1x1x1xf32>
      %reduce_sum3A_72 = vector.extract %reduce_sum3A_71[0, 0, 0] : f32 from vector<1x1x1xf32>
      %neg3A_73 = arith.constant 0.000000e+00 : f32
      %neg3A_74 = vector.broadcast %neg3A_73 : f32 to vector<1x128xf32>
      %neg3A_75 = arith.subf %neg3A_74, %get3A_37 : vector<1x128xf32>
      %mul3A_76 = arith.constant 2.000000e+00 : f32
      %mul3A_77 = vector.broadcast %mul3A_76 : f32 to vector<1x128xf32>
      %mul3A_78 = arith.mulf %mul3A_77, %get3A_37 : vector<1x128xf32>
      %exp3A_79 = math.exp %mul3A_78 : vector<1x128xf32>
      %mul3A_80 = arith.mulf %get3A_40, %get3A_40 : vector<1x128xf32>
      %add3A_81 = arith.addf %exp3A_79, %mul3A_80 : vector<1x128xf32>
      %mul3A_82 = arith.constant 5.000000e-01 : f32
      %mul3A_83 = vector.broadcast %mul3A_82 : f32 to vector<1x128xf32>
      %mul3A_84 = arith.mulf %add3A_81, %mul3A_83 : vector<1x128xf32>
      %add3A_85 = arith.addf %neg3A_75, %mul3A_84 : vector<1x128xf32>
      %sub3A_86 = arith.constant 5.000000e-01 : f32
      %sub3A_87 = vector.broadcast %sub3A_86 : f32 to vector<1x128xf32>
      %sub3A_88 = arith.subf %add3A_85, %sub3A_87 : vector<1x128xf32>
      %reduce_sum3A_89 = vector.shape_cast %sub3A_88 : vector<1x128xf32> to vector<1x1x128xf32>
      %reduce_sum3A_90 = arith.constant dense<0.000000e+00> : vector<1xf32>
      %reduce_sum3A_91 = vector.multi_reduction <add>, %reduce_sum3A_89, %reduce_sum3A_90 [1, 2] : vector<1x1x128xf32> to vector<1xf32>
      %reduce_sum3A_92 = vector.shape_cast %reduce_sum3A_91 : vector<1xf32> to vector<1x1x1xf32>
      %reduce_sum3A_93 = vector.extract %reduce_sum3A_92[0, 0, 0] : f32 from vector<1x1x1xf32>
      %add3A_94 = arith.addf %reduce_sum3A_72, %reduce_sum3A_93 : f32
      %reshape3A = vector.broadcast %add3A_94 : f32 to vector<1x1xf32>
      %swap3A_95 = arith.constant 0 : index
      %swap3A_96 = arith.constant 0 : index
      %swap3A_97 = vector.load %arg10[%swap3A_95, %swap3A_96] : memref<1x1xf32, #tpu.memory_space<vmem>>, vector<1x1xf32>
      tpu.vector_store %arg10[%swap3A_95, %swap3A_96], %reshape3A {strides = array<i32>} : memref<1x1xf32, #tpu.memory_space<vmem>>, vector<1x1xf32>,
    } else {
    }
    return
  }
  func.func @transform_0(%arg0: i32) -> (i32, i32, i32) {
    %c0_i32 = arith.constant 0 : i32
    %c0_i32_0 = arith.constant 0 : i32
    %c0_i32_1 = arith.constant 0 : i32
    return %c0_i32, %arg0, %c0_i32_0 : i32, i32, i32
  }
  func.func @transform_1(%arg0: i32) -> (i32, i32, i32) {
    %c0_i32 = arith.constant 0 : i32
    %c0_i32_0 = arith.constant 0 : i32
    %c0_i32_1 = arith.constant 0 : i32
    %c0_i32_2 = arith.constant 0 : i32
    return %c0_i32, %c0_i32_0, %c0_i32_1 : i32, i32, i32
  }
  func.func @transform_2(%arg0: i32) -> (i32, i32) {
    %c0_i32 = arith.constant 0 : i32
    %c0_i32_0 = arith.constant 0 : i32
    %c0_i32_1 = arith.constant 0 : i32
    return %c0_i32, %c0_i32_0 : i32, i32
  }
  func.func @transform_3(%arg0: i32) -> (i32, i32) {
    %c0_i32 = arith.constant 0 : i32
    %c0_i32_0 = arith.constant 0 : i32
    %c0_i32_1 = arith.constant 0 : i32
    return %c0_i32, %c0_i32_0 : i32, i32
  }
  func.func @transform_4(%arg0: i32) -> (i32, i32) {
    %c0_i32 = arith.constant 0 : i32
    %c0_i32_0 = arith.constant 0 : i32
    %c0_i32_1 = arith.constant 0 : i32
    return %c0_i32, %c0_i32_0 : i32, i32
  }
  func.func @transform_5(%arg0: i32) -> (i32, i32) {
    %c0_i32 = arith.constant 0 : i32
    %c0_i32_0 = arith.constant 0 : i32
    %c0_i32_1 = arith.constant 0 : i32
    return %c0_i32, %c0_i32_0 : i32, i32
  }
  func.func @transform_6(%arg0: i32) -> (i32, i32) {
    %c0_i32 = arith.constant 0 : i32
    %c0_i32_0 = arith.constant 0 : i32
    %c0_i32_1 = arith.constant 0 : i32
    return %c0_i32, %c0_i32_0 : i32, i32
  }
  func.func @transform_7(%arg0: i32) -> (i32, i32) {
    %c0_i32 = arith.constant 0 : i32
    %c0_i32_0 = arith.constant 0 : i32
    %c0_i32_1 = arith.constant 0 : i32
    return %c0_i32, %c0_i32_0 : i32, i32
  }
  func.func @transform_8(%arg0: i32) -> (i32, i32) {
    %c0_i32 = arith.constant 0 : i32
    %c0_i32_0 = arith.constant 0 : i32
    return %arg0, %c0_i32 : i32, i32
  }
  func.func @transform_9(%arg0: i32) -> (i32, i32) {
    %c0_i32 = arith.constant 0 : i32
    %c0_i32_0 = arith.constant 0 : i32
    %c0_i32_1 = arith.constant 0 : i32
    return %c0_i32, %c0_i32_0 : i32, i32
  }
}

</mosaic_0001>

<sc_bundles>
// kernel: kernel.6.cloned.1.call-start
scs
__scs_entry_jumppad:
0x0: {  	(pc) =	sbr.rel $0x88, $3  }
0x1: {  	(tag) =	ssettag $0x0;
	lr =	simm.s32 $0x1  }
0x2: {  	[smem:$0x3F9B] =	sst lr;
	_ =	strace $0xD0000000  }
0x3: {  	_ = 	snop  }
0x4: {  	_ = 	snop  }
0x5: {  	_ = 	snop  }
0x6: {  	_ = 	snop  }
0x7: {  	_ = 	snop  }
__scs_overlays_trampoline_lowered:
0x8: {  	[smem:$0x3FAA] =	sst s0  }
0x9: {  	[smem:$0x3FAB] =	sst s1  }
0xa: {  	[smem:$0x3FAC] =	sst s2  }
0xb: {  	[smem:$0x3FAD] =	sst s3  }
0xc: {  	[smem:$0x3FAE] =	sst s4  }
0xd: {  	[smem:$0x3FAF] =	sst s5  }
0xe: {  	[smem:$0x3FB0] =	sst s6  }
0xf: {  	[smem:$0x3FB1] =	sst s7  }
0x10: {  	[smem:$0x3FB2] =	sst s8  }
0x11: {  	[smem:$0x3FB3] =	sst s9;
	s0 =	simm.s32 @!p0 $0x0  }
0x12: {  	s1 =	sld [smem:$0x3F99];
	s0 =	simm.s32 @p0 $0x1  }
0x13: {  	[smem:$0x3FB4] =	sst s0;
	s0 =	simm.s32 @!p1 $0x0  }
0x14: {  	s2 =	sld [smem:$0x3F98];
	s0 =	simm.s32 @p1 $0x1  }
0x15: {  	[smem:$0x3FB5] =	sst s0;
	s0 =	simm.s32 @!p2 $0x0  }
0x16: {  	s3 =	sld [smem:$0x3FDB];
	s0 =	simm.s32 @p2 $0x1  }
0x17: {  	s4 =	simm.s32 $0x1BF5;
	[smem:$0x3FB7] =	sst s0  }
0x18: {  	s0 =	sld [smem:$0x3F9A];
	_ =	swait.ge [sflag:s4], $0x0  }
0x19: {  	s7 =	sld [smem:$0x3F9B]  }
0x1a: {  	s8 =	sadd.s32 $0xFFFFE003, lr  }
0x1b: {  	s9 =	sadd.s32 $0xFFFFFEF7, lr;
	s5 =	simm.s32 $0xFFFFFFFF;
	p2 =	slt.u32 s8, $0xFFFFF086  }
0x1c: {  	p1 =	slt.u32 s9, $0xF7A;
	s5 =	simm.s32 @!p2 $0x0  }
0x1d: {  	s5 =	simm.s32 @p1 $0x1;
	p0 =	seq.s32 s7, s2  }
0x1e: {  	s7 =	smul.u32 @!p0 $0xF7A, s2;
	p2 =	seq.s32 @!p0 s5, $0x0  }
0x1f: {  	s9 =	smul.u32 $0xF7A, s1;
	s8 =	simm.s32 @!p0 $0x1BF5;
	p2 =	por !p2, p0  }
0x20: {  	[sflag:s8] =	ssyncset.s32 @!p0 $0xFFFFF086;
	s6 =	sadd.s32 @!p0 s3, s7;
	s7 =	simm.s32 @!p0 $0x108  }
0x21: {  	s3 =	sadd.s32 s3, s9;
	s6 =	sadd.s32 @!p0 $0x88, s6;
	s7 =	simm.s32 @p2 $0x1082  }
0x22: {  	[simem:s7], [sflag:s8] =	dma.local @!p0 [hbm:s6], $0xF7A  }
0x23: {  	s9 =	sor.u32 $0xD0000000, s2;
	s6 =	simm.s32 $0x108;
	_ =	swait.ge @!p0 [sflag:s8], $0x0  }
0x24: {  	s3 =	sadd.s32 $0x88, s3;
	s6 =	simm.s32 @!p1 $0x1082;
	[sflag:s4] =	ssyncset.s32 $0xFFFFF086  }
0x25: {  	[simem:s6], [sflag:s4] =	dma.local [hbm:s3], $0xF7A  }
0x26: {  	[smem:$0x3F9B] =	sst s1;
	(tag) =	ssettag s2;
	_ =	strace s9  }
0x27: {  	s1 =	sld [smem:$0x3FAB]  }
0x28: {  	s2 =	sld [smem:$0x3FAC]  }
0x29: {  	s4 =	sld [smem:$0x3FAE]  }
0x2a: {  	p0 =	seq.s32 s5, $0x0;
	s5 =	sld [smem:$0x3FAF]  }
0x2b: {  	s6 =	sld [smem:$0x3FB0]  }
0x2c: {  	s7 =	sld [smem:$0x3FB1]  }
0x2d: {  	s3 =	simm.s32 $0x108;
	s8 =	sld [smem:$0x3FB2]  }
0x2e: {  	s3 =	simm.s32 @!p0 $0x1082;
	s9 =	sld [smem:$0x3FB3]  }
0x2f: {  	lr =	sadd.s32 s0, s3;
	s0 =	sld [smem:$0x3FAA]  }
0x30: {  	s3 =	sld [smem:$0x3FAD]  }
0x31: {  	[smem:$0x3FB6] =	sst s10  }
0x32: {  	s10 =	sld [smem:$0x3FB4];
	_ =	sdelay $0x3  }
0x33: {  	p0 =	seq.s32 s10, $0x1;
	s10 =	sld [smem:$0x3FB6];
	_ =	sdelay $0x3  }
0x34: {  	[smem:$0x3FB6] =	sst s10  }
0x35: {  	s10 =	sld [smem:$0x3FB5];
	_ =	sdelay $0x3  }
0x36: {  	p1 =	seq.s32 s10, $0x1;
	s10 =	sld [smem:$0x3FB6];
	_ =	sdelay $0x3  }
0x37: {  	[smem:$0x3FB6] =	sst s10  }
0x38: {  	s10 =	sld [smem:$0x3FB7]  }
0x39: {  	_ = 	snop;
	(pc) =	sbr.ind lr, $3  }
0x3a: {  	_ = 	snop  }
0x3b: {  	_ = 	snop  }
0x3c: {  	p2 =	seq.s32 s10, $0x1;
	s10 =	sld [smem:$0x3FB6]  }
0x3d: {  	_ =	shalt  }
0x3e: {  	_ =	shalt  }
0x3f: {  	_ =	shalt  }
0x40: {  	_ =	shalt  }
0x41: {  	_ =	shalt  }
0x42: {  	_ =	shalt  }
0x43: {  	_ =	shalt  }
0x44: {  	_ =	shalt  }
0x45: {  	_ =	shalt  }
0x46: {  	_ =	shalt  }
0x47: {  	_ =	shalt  }
0x48: {  	_ =	shalt  }
0x49: {  	_ =	shalt  }
0x4a: {  	_ =	shalt  }
0x4b: {  	_ =	shalt  }
0x4c: {  	_ =	shalt  }
0x4d: {  	_ =	shalt  }
0x4e: {  	_ =	shalt  }
0x4f: {  	_ =	shalt  }
0x50: {  	_ =	shalt  }
0x51: {  	_ =	shalt  }
0x52: {  	_ =	shalt  }
0x53: {  	_ =	shalt  }
0x54: {  	_ =	shalt  }
0x55: {  	_ =	shalt  }
0x56: {  	_ =	shalt  }
0x57: {  	_ =	shalt  }
0x58: {  	_ =	shalt  }
0x59: {  	_ =	shalt  }
0x5a: {  	_ =	shalt  }
0x5b: {  	_ =	shalt  }
0x5c: {  	_ =	shalt  }
0x5d: {  	_ =	shalt  }
0x5e: {  	_ =	shalt  }
0x5f: {  	_ =	shalt  }
0x60: {  	_ =	shalt  }
0x61: {  	_ =	shalt  }
0x62: {  	_ =	shalt  }
0x63: {  	_ =	shalt  }
0x64: {  	_ =	shalt  }
0x65: {  	_ =	shalt  }
0x66: {  	_ =	shalt  }
0x67: {  	_ =	shalt  }
0x68: {  	_ =	shalt  }
0x69: {  	_ =	shalt  }
0x6a: {  	_ =	shalt  }
0x6b: {  	_ =	shalt  }
0x6c: {  	_ =	shalt  }
0x6d: {  	_ =	shalt  }
0x6e: {  	_ =	shalt  }
0x6f: {  	_ =	shalt  }
0x70: {  	_ =	shalt  }
0x71: {  	_ =	shalt  }
0x72: {  	_ =	shalt  }
0x73: {  	_ =	shalt  }
0x74: {  	_ =	shalt  }
0x75: {  	_ =	shalt  }
0x76: {  	_ =	shalt  }
0x77: {  	_ =	shalt  }
0x78: {  	_ =	shalt  }
0x79: {  	_ =	shalt  }
0x7a: {  	_ =	shalt  }
0x7b: {  	_ =	shalt  }
0x7c: {  	_ =	shalt  }
0x7d: {  	_ =	shalt  }
0x7e: {  	_ =	shalt  }
0x7f: {  	_ =	shalt  }
0x80: {  	_ =	shalt  }
0x81: {  	_ =	shalt  }
0x82: {  	_ =	shalt  }
0x83: {  	_ =	shalt  }
0x84: {  	_ =	shalt  }
0x85: {  	_ =	shalt  }
0x86: {  	_ =	shalt  }
0x87: {  	_ =	shalt  }
.Lfunc_end0:
.L_simem_size_0:
called_computation_lowered:
.L_overlay_start_0:
0x88: {  	s2 =	sld [smem:$0x3FD9]  }
0x89: {  	s3 =	sld [smem:$0x3FFE];
	_ =	sdelay $0x1  }
0x8a: {  	s1 =	srdreg.scid  }
0x8b: {  	s0 =	sand.u32 $0x1, s1  }
0x8c: {  	s14 =	sshll.u32 s0, $0xA;
	s2 =	sadd.s32 s3, s2  }
0x8d: {  	s2 =	sadd.s32 s2, s14  }
0x8e: {  	[smem:$0x3FC2] =	sst s2  }
0x8f: {  	_ = 	snop  }
0x90: {  	s2 =	sld [smem:$0x3FD0];
	_ =	sdelay $0x2  }
0x91: {  	s15 =	simm.s32 $0xA;
	s4 =	simm.s32 $0x10  }
0x92: {  	[smem:s4], [sflag:s15] =	dma.local [hbm:s2], $0x1  }
0x93: {  	_ =	swait.eq [sflag:s15], $0x1  }
0x94: {  	[sflag:s15] =	ssyncset.done $0x0  }
0x95: {  	[sflag:s15] =	ssyncadd.s32 $0xFFFFFFFF  }
0x96: {  	s16 =	sld [smem:$0x10];
	(tm) =	ssettm $0x1  }
0x97: {  	s17 =	sld [smem:$0x3FFB];
	_ =	sdelay $0x3  }
0x98: {  	_ =	strace s17  }
0x99: {  	s3 =	sld [smem:$0x3FFC];
	_ =	sdelay $0x3  }
0x9a: {  	_ =	strace s3  }
0x9b: {  	s3 =	sld [smem:$0x3FFD];
	_ =	sdelay $0x3  }
0x9c: {  	_ =	strace s3  }
0x9d: {  	_ =	strace $0x8FFFFFFF  }
0x9e: {  	s18 =	sld [smem:$0x3FDB];
	_ =	sdelay $0x1  }
0x9f: {  	s19 =	simm.s32 $_scs_section_size  }
0xa0: {  	s5 =	simm.s32 $_size__tile_overlayer_lowered;
	s6 =	simm.s32 $_tile_overlayer_lowered  }
0xa1: {  	s22 =	simm.s32 $0x1BFF;
	s21 =	sshll.u32 s6, $0x1;
	s3 =	sadd.s32 s19, s18  }
0xa2: {  	s7 =	simm.s32 $0x0;
	s20 =	sshll.u32 s5, $0x1;
	s5 =	sadd.s32 s21, s3  }
0xa3: {  	[timem:s7], [sflag:s22] =	dma.local [hbm:s5], s20  }
0xa4: {  	_ =	swait.ge [sflag:s22], s20  }
0xa5: {  	s4 =	ssub.s32 $0x0, s20;
	[sflag:s22] =	ssyncset.done $0x0  }
0xa6: {  	[sflag:s22] =	ssyncadd.s32 s4;
	_ =	sdelay $0x1  }
0xa7: {  	s23 =	simm.s32 $0x1B8B  }
0xa8: {  	_ =	swait.ge [sflag:s23], $0x1  }
0xa9: {  	[sflag:s23] =	ssyncset.done $0x0  }
0xaa: {  	s25 =	simm.s32 $0x1B8E;
	s24 =	sld [smem:$0x3FFE];
	[sflag:s23] =	ssyncadd.s32 $0xFFFFFFFF  }
0xab: {  	s26 =	simm.s32 $execute0_lowered;
	[smem:$0x3FD2] =	sst s25  }
0xac: {  	s5 =	sshll.u32 s26, $0x1;
	_ =	strace $0x80000046;
	[dreg:$0x1] =	wrdreg $0xFFFFFFFF  }
0xad: {  	s28 =	simm.s32 $_size_execute0_lowered;
	s3 =	sadd.s32 s3, s5;
	[dreg:$0x0] =	wrdreg $0x0  }
0xae: {  	s5 =	sshll.u32 s28, $0x1;
	[dreg:$0x2] =	wrdreg s3  }
0xaf: {  	[dreg:$0x3] =	wrdreg s5  }
0xb0: {  	[dreg:$0x4] =	wrdreg $0xC0  }
0xb1: {  	_ =	task [dreg:s7], $0x5FFFF  }
0xb2: {  	[dreg:$0x1] =	wrdreg $0xFFFFFFFF  }
0xb3: {  	[dreg:$0x0] =	wrdreg $0x60  }
0xb4: {  	[dreg:$0x2] =	wrdreg s24  }
0xb5: {  	[dreg:$0x3] =	wrdreg s16  }
0xb6: {  	[dreg:$0x4] =	wrdreg $0x53000  }
0xb7: {  	[dreg:$0x5] =	wrdreg $0x55800  }
0xb8: {  	[dreg:$0x6] =	wrdreg $0x9  }
0xb9: {  	_ =	task.clear_ibuf [dreg:s7], $0x7FFFF;
	_ =	strace $0x90000046  }
0xba: {  	s29 =	simm.s32 $0x9;
	_ =	strace $0x80000048  }
0xbb: {  	_ =	swait.ge [sflag:s29], $0x1  }
0xbc: {  	[sflag:s29] =	ssyncadd.s32 $0xFFFFFFFF  }
0xbd: {  	_ =	strace $0x90000048  }
0xbe: {  	_ =	sfence  }
0xbf: {  	s30 =	sld [smem:$0x0];
	_ =	sdelay $0x2  }
0xc0: {  	s31 =	sshll.u32 s1, $0xD;
	s1 =	sshrl.u32 s1, $0x2  }
0xc1: {  	s3 =	sand.u32 $0x4000, s31;
	s1 =	sadd.s32 s1, s30  }
0xc2: {  	s0 =	sor.u32 s3, s0;
	s1 =	sshll.u32 s1, $0x11  }
0xc3: {  	s0 =	sor.u32 s1, s0  }
0xc4: {  	s0 =	sadd.s32 $0x8F2B, s0  }
0xc5: {  	[sflag:s0] =	ssyncadd.remote.s32 $0x1  }
0xc6: {  	_ =	sfence.sel $0xFFFF  }
0xc7: {  	[dreg:$0x0] =	wrdreg $0xFFFFFFFF;
	(pc) =	sbr.abs _section_cstart, $3  }
0xc8: {  	[dreg:$0x1] =	wrdreg $0xFFFFFFFF  }
0xc9: {  	_ =	task.clear_ibuf [dreg:s7], $0x2FFFF;
	_ =	strace $0x9FFFFFFF  }
0xca: {  	(tm) =	ssettm $0x7FFFFFFF  }
0xcb: {  	_ =	shalt  }
tec
execute0_lowered:
.L_overlay_start_1:
0x0: {  	(tag) =	ssettag $0x1  }
0x1: {  	s5 =	rddreg [dreg:$0x0]  }
0x2: {  	s8 =	rddreg [dreg:$0x1]  }
0x3: {  	s1 =	srdreg.scid;
	s2 =	rddreg [dreg:$0x2]  }
0x4: {  	s0 =	stileid.u32;
	s3 =	rddreg [dreg:$0x3]  }
0x5: {  	s4 =	simm.s32 $0x0;
	s12 =	simm.s32 $0x5080;
	s13 =	simm.s32 $0x80  }
0x6: {  	s14 =	simm.s32 $0x5000;
	s15 =	simm.s32 $0x1;
	s16 =	simm.s32 $0x100  }
0x7: {  	s17 =	simm.s32 $0x0;
	s6 =	sand.u32 $0x1, s1;
	s10 =	smul.u32 $0x500, s0  }
0x8: {  	s29 =	sshll.u32 s0, $0x1;
	[smem:$0x7FF] =	sst s4;
	s11 =	smul.u32 $0x280, s0  }
0x9: {  	s1 =	sor.u32 s6, s29;
	s9 =	smul.u32 $0x5000, s6;
	s6 =	ssub.s32 $0x2, s6  }
0xa: {  	s7 =	smul.u32 $0xA00, s1;
	s1 =	rddreg [dreg:$0x4];
	s30 =	sshrl.u32 s6, $0x1  }
0xb: {  	_ =	strace $0x80000047;
	s9 =	sadd.s32 s10, s9;
	s31 =	ssub.s32 s6, s30  }
0xc: {  	s6 =	sadd.s32 s11, s2;
	s5 =	sadd.s32 s7, s5;
	s9 =	sshrl.u32 s9, $0x3  }
0xd: {  	s7 =	sadd.s32 s11, s3;
	s10 =	smax.u32 s31, $0x1;
	s8 =	sadd.s32 s8, s9  }
0xe: {  	v0 =	vimm.f32 $1.000000000e+00;
	v1 =	vimm.f32 $0.0e+00;
	s11 =	simm.s32 $0x2;
	s5 =	sadd.s32 $0x2400, s5;
	s9 =	sadd.s32 $0x10, s8  }
.LBB2_1:
0xf: {  	[tilespmem:s4], [sflag:$0x2] =	stream.linear.gather [hbm4b:s5+s4], $0x5000, $0x38;
	[tilespmem:$0x5800] =	vst v63  }
0x10: {  	_ =	swait.ge [sflag:s11], $0x5000  }
0x11: {  	[sflag:s11] =	ssyncset.done $0x0  }
0x12: {  	[sflag:s11] =	ssyncadd.s32 $0xFFFFB000  }
0x13: {  	[tilespmem:$0x5000] =	vst v0  }
0x14: {  	[tilespmem:$0x5010] =	vst v0  }
0x15: {  	[tilespmem:$0x5020] =	vst v0  }
0x16: {  	[tilespmem:$0x5030] =	vst v0  }
0x17: {  	[tilespmem:$0x5040] =	vst v0  }
0x18: {  	[tilespmem:$0x5050] =	vst v0  }
0x19: {  	[tilespmem:$0x5060] =	vst v0  }
0x1a: {  	[tilespmem:$0x5070] =	vst v0  }
0x1b: {  	[tilespmem:$0x5080] =	vst v1  }
0x1c: {  	[tilespmem:$0x5090] =	vst v1  }
0x1d: {  	[tilespmem:$0x50A0] =	vst v1  }
0x1e: {  	[tilespmem:$0x50B0] =	vst v1  }
0x1f: {  	[tilespmem:$0x50C0] =	vst v1  }
0x20: {  	[tilespmem:$0x50D0] =	vst v1  }
0x21: {  	[tilespmem:$0x50E0] =	vst v1  }
0x22: {  	[tilespmem:$0x50F0] =	vst v1  }
0x23: {  	[tilespmem:$0x5100] =	vst v1  }
0x24: {  	[tilespmem:$0x5110] =	vst v1  }
0x25: {  	[tilespmem:$0x5120] =	vst v1  }
0x26: {  	[tilespmem:$0x5130] =	vst v1  }
0x27: {  	[tilespmem:$0x5140] =	vst v1  }
0x28: {  	[tilespmem:$0x5150] =	vst v1  }
0x29: {  	[tilespmem:$0x5160] =	vst v1  }
0x2a: {  	[tilespmem:$0x5170] =	vst v1  }
0x2b: {  	[tilespmem:$0x5180] =	vst v1  }
0x2c: {  	[tilespmem:$0x5190] =	vst v1  }
0x2d: {  	[tilespmem:$0x51A0] =	vst v1  }
0x2e: {  	[tilespmem:$0x51B0] =	vst v1  }
0x2f: {  	[tilespmem:$0x51C0] =	vst v1  }
0x30: {  	[tilespmem:$0x51D0] =	vst v1  }
0x31: {  	[tilespmem:$0x51E0] =	vst v1  }
0x32: {  	[tilespmem:$0x51F0] =	vst v1  }
0x33: {  	[tilespmem:$0x5200] =	vst v1  }
0x34: {  	[tilespmem:$0x5210] =	vst v1  }
0x35: {  	[tilespmem:$0x5220] =	vst v1  }
0x36: {  	[tilespmem:$0x5230] =	vst v1  }
0x37: {  	[tilespmem:$0x5240] =	vst v1  }
0x38: {  	[tilespmem:$0x5250] =	vst v1  }
0x39: {  	[tilespmem:$0x5260] =	vst v1  }
0x3a: {  	[tilespmem:$0x5270] =	vst v1  }
0x3b: {  	[tilespmem:$0x5280] =	vst v1  }
0x3c: {  	[tilespmem:$0x5290] =	vst v1  }
0x3d: {  	[tilespmem:$0x52A0] =	vst v1  }
0x3e: {  	[tilespmem:$0x52B0] =	vst v1  }
0x3f: {  	[tilespmem:$0x52C0] =	vst v1  }
0x40: {  	[tilespmem:$0x52D0] =	vst v1  }
0x41: {  	[tilespmem:$0x52E0] =	vst v1  }
0x42: {  	[tilespmem:$0x52F0] =	vst v1  }
0x43: {  	[spmem:s6] =	stream.linear.scatter [tilespmem:s12], [sflag:$0x2], $0x280, $0x38;
	[tilespmem:$0x5800] =	vst v63  }
0x44: {  	_ =	swait.ge [sflag:s11], $0x280  }
0x45: {  	[sflag:s11] =	ssyncset.done $0x0  }
0x46: {  	[sflag:s11] =	ssyncadd.s32 $0xFFFFFD80  }
0x47: {  	[spmem:s7] =	stream.linear.scatter [tilespmem:s12], [sflag:$0x2], $0x280, $0x38;
	[tilespmem:$0x5800] =	vst v63  }
0x48: {  	_ =	swait.ge [sflag:s11], $0x280  }
0x49: {  	[sflag:s11] =	ssyncset.done $0x0  }
0x4a: {  	[sflag:s11] =	ssyncadd.s32 $0xFFFFFD80  }
0x4b: {  	s18 =	simm.s32 $0x0;
	[bflag:$0x0] =	sbarrier.arrive $0xFFFF  }
0x4c: {  	[spmem:s2] =	stream.indirect.scatter.add.f32 [tilespmem:s14], [sflag:$0x1], $0x1, s18, s13, $0xb8;
	[tilespmem:$0x5800] =	vst v63  }
0x4d: {  	s29 =	simm.s32 $0x80  }
0x4e: {  	[spmem:s3] =	stream.indirect.scatter.add.f32 [tilespmem:s14], [sflag:$0x1], $0x1, s29, s13, $0xb8;
	[tilespmem:$0x5800] =	vst v63  }
0x4f: {  	s30 =	simm.s32 $0x100  }
0x50: {  	[spmem:s2] =	stream.indirect.scatter.add.f32 [tilespmem:s14], [sflag:$0x1], $0x1, s30, s13, $0xb8;
	[tilespmem:$0x5800] =	vst v63  }
0x51: {  	s31 =	simm.s32 $0x180  }
0x52: {  	[spmem:s3] =	stream.indirect.scatter.add.f32 [tilespmem:s14], [sflag:$0x1], $0x1, s31, s13, $0xb8;
	[tilespmem:$0x5800] =	vst v63  }
0x53: {  	s19 =	simm.s32 $0x200  }
0x54: {  	[spmem:s2] =	stream.indirect.scatter.add.f32 [tilespmem:s14], [sflag:$0x1], $0x1, s19, s13, $0xb8;
	[tilespmem:$0x5800] =	vst v63  }
0x55: {  	s20 =	simm.s32 $0x280  }
0x56: {  	[spmem:s3] =	stream.indirect.scatter.add.f32 [tilespmem:s14], [sflag:$0x1], $0x1, s20, s13, $0xb8;
	[tilespmem:$0x5800] =	vst v63  }
0x57: {  	s21 =	simm.s32 $0x300  }
0x58: {  	[spmem:s2] =	stream.indirect.scatter.add.f32 [tilespmem:s14], [sflag:$0x1], $0x1, s21, s13, $0xb8;
	[tilespmem:$0x5800] =	vst v63  }
0x59: {  	s22 =	simm.s32 $0x380  }
0x5a: {  	[spmem:s3] =	stream.indirect.scatter.add.f32 [tilespmem:s14], [sflag:$0x1], $0x1, s22, s13, $0xb8;
	[tilespmem:$0x5800] =	vst v63  }
0x5b: {  	s23 =	simm.s32 $0x400  }
0x5c: {  	[spmem:s2] =	stream.indirect.scatter.add.f32 [tilespmem:s14], [sflag:$0x1], $0x1, s23, s13, $0xb8;
	[tilespmem:$0x5800] =	vst v63  }
0x5d: {  	s24 =	simm.s32 $0x480  }
0x5e: {  	[spmem:s3] =	stream.indirect.scatter.add.f32 [tilespmem:s14], [sflag:$0x1], $0x1, s24, s13, $0xb8;
	[tilespmem:$0x5800] =	vst v63  }
0x5f: {  	s25 =	simm.s32 $0x500  }
0x60: {  	[spmem:s2] =	stream.indirect.scatter.add.f32 [tilespmem:s14], [sflag:$0x1], $0x1, s25, s13, $0xb8;
	[tilespmem:$0x5800] =	vst v63  }
0x61: {  	s26 =	simm.s32 $0x580  }
0x62: {  	[spmem:s3] =	stream.indirect.scatter.add.f32 [tilespmem:s14], [sflag:$0x1], $0x1, s26, s13, $0xb8;
	[tilespmem:$0x5800] =	vst v63  }
0x63: {  	s28 =	simm.s32 $0x600  }
0x64: {  	[spmem:s2] =	stream.indirect.scatter.add.f32 [tilespmem:s14], [sflag:$0x1], $0x1, s28, s13, $0xb8;
	[tilespmem:$0x5800] =	vst v63  }
0x65: {  	s29 =	simm.s32 $0x680  }
0x66: {  	[spmem:s3] =	stream.indirect.scatter.add.f32 [tilespmem:s14], [sflag:$0x1], $0x1, s29, s13, $0xb8;
	[tilespmem:$0x5800] =	vst v63  }
0x67: {  	s30 =	simm.s32 $0x700  }
0x68: {  	[spmem:s2] =	stream.indirect.scatter.add.f32 [tilespmem:s14], [sflag:$0x1], $0x1, s30, s13, $0xb8;
	[tilespmem:$0x5800] =	vst v63  }
0x69: {  	s31 =	simm.s32 $0x780  }
0x6a: {  	[spmem:s3] =	stream.indirect.scatter.add.f32 [tilespmem:s14], [sflag:$0x1], $0x1, s31, s13, $0xb8;
	[tilespmem:$0x5800] =	vst v63  }
0x6b: {  	_ =	swait.ge [sflag:s15], $0x80  }
0x6c: {  	[sflag:s15] =	ssyncset.done $0x0  }
0x6d: {  	[sflag:s15] =	ssyncadd.s32 $0xFFFFFF80  }
0x6e: {  	_ =	swait.ge [sflag:s15], $0x80  }
0x6f: {  	[sflag:s15] =	ssyncset.done $0x0  }
0x70: {  	[sflag:s15] =	ssyncadd.s32 $0xFFFFFF80  }
0x71: {  	_ =	swait.ge [sflag:s15], $0x80  }
0x72: {  	[sflag:s15] =	ssyncset.done $0x0  }
0x73: {  	[sflag:s15] =	ssyncadd.s32 $0xFFFFFF80  }
0x74: {  	_ =	swait.ge [sflag:s15], $0x80  }
0x75: {  	[sflag:s15] =	ssyncset.done $0x0  }
0x76: {  	[sflag:s15] =	ssyncadd.s32 $0xFFFFFF80  }
0x77: {  	_ =	swait.ge [sflag:s15], $0x80  }
0x78: {  	[sflag:s15] =	ssyncset.done $0x0  }
0x79: {  	[sflag:s15] =	ssyncadd.s32 $0xFFFFFF80  }
0x7a: {  	_ =	swait.ge [sflag:s15], $0x80  }
0x7b: {  	[sflag:s15] =	ssyncset.done $0x0  }
0x7c: {  	[sflag:s15] =	ssyncadd.s32 $0xFFFFFF80  }
0x7d: {  	_ =	swait.ge [sflag:s15], $0x80  }
0x7e: {  	[sflag:s15] =	ssyncset.done $0x0  }
0x7f: {  	[sflag:s15] =	ssyncadd.s32 $0xFFFFFF80  }
0x80: {  	_ =	swait.ge [sflag:s15], $0x80  }
0x81: {  	[sflag:s15] =	ssyncset.done $0x0  }
0x82: {  	[sflag:s15] =	ssyncadd.s32 $0xFFFFFF80  }
0x83: {  	_ =	swait.ge [sflag:s15], $0x80  }
0x84: {  	[sflag:s15] =	ssyncset.done $0x0  }
0x85: {  	[sflag:s15] =	ssyncadd.s32 $0xFFFFFF80  }
0x86: {  	_ =	swait.ge [sflag:s15], $0x80  }
0x87: {  	[sflag:s15] =	ssyncset.done $0x0  }
0x88: {  	[sflag:s15] =	ssyncadd.s32 $0xFFFFFF80  }
0x89: {  	_ =	swait.ge [sflag:s15], $0x80  }
0x8a: {  	[sflag:s15] =	ssyncset.done $0x0  }
0x8b: {  	[sflag:s15] =	ssyncadd.s32 $0xFFFFFF80  }
0x8c: {  	_ =	swait.ge [sflag:s15], $0x80  }
0x8d: {  	[sflag:s15] =	ssyncset.done $0x0  }
0x8e: {  	[sflag:s15] =	ssyncadd.s32 $0xFFFFFF80  }
0x8f: {  	_ =	swait.ge [sflag:s15], $0x80  }
0x90: {  	[sflag:s15] =	ssyncset.done $0x0  }
0x91: {  	[sflag:s15] =	ssyncadd.s32 $0xFFFFFF80  }
0x92: {  	_ =	swait.ge [sflag:s15], $0x80  }
0x93: {  	[sflag:s15] =	ssyncset.done $0x0  }
0x94: {  	[sflag:s15] =	ssyncadd.s32 $0xFFFFFF80  }
0x95: {  	_ =	swait.ge [sflag:s15], $0x80  }
0x96: {  	[sflag:s15] =	ssyncset.done $0x0  }
0x97: {  	[sflag:s15] =	ssyncadd.s32 $0xFFFFFF80  }
0x98: {  	_ =	swait.ge [sflag:s15], $0x80  }
0x99: {  	s18 =	simm.s32 $0x2000;
	s21 =	simm.s32 $0x4000;
	[sflag:s15] =	ssyncset.done $0x0  }
.LBB2_2:
0x9a: {  	s20 =	sshra.s32 s18, $0x2  }
0x9b: {  	[sflag:s15] =	ssyncadd.s32 $0xFFFFFF80;
	s18 =	smov.u32 s21;
	s19 =	sadd.s32 $0x2000, s21  }
0x9c: {  	[spmem:s2] =	stream.indirect.scatter.add.f32 [tilespmem:s14], [sflag:$0x1], $0x1, s20, s13, $0xb8;
	[tilespmem:$0x5800] =	vst v63  }
0x9d: {  	p0 =	sne.s32 s21, $0x12000;
	s21 =	sadd.s32 $0x80, s20  }
0x9e: {  	[spmem:s3] =	stream.indirect.scatter.add.f32 [tilespmem:s14], [sflag:$0x1], $0x1, s21, s13, $0xb8;
	[tilespmem:$0x5800] =	vst v63  }
0x9f: {  	s21 =	sadd.s32 $0x100, s20  }
0xa0: {  	[spmem:s2] =	stream.indirect.scatter.add.f32 [tilespmem:s14], [sflag:$0x1], $0x1, s21, s13, $0xb8;
	[tilespmem:$0x5800] =	vst v63  }
0xa1: {  	s21 =	sadd.s32 $0x180, s20  }
0xa2: {  	[spmem:s3] =	stream.indirect.scatter.add.f32 [tilespmem:s14], [sflag:$0x1], $0x1, s21, s13, $0xb8;
	[tilespmem:$0x5800] =	vst v63  }
0xa3: {  	s21 =	sadd.s32 $0x200, s20  }
0xa4: {  	[spmem:s2] =	stream.indirect.scatter.add.f32 [tilespmem:s14], [sflag:$0x1], $0x1, s21, s13, $0xb8;
	[tilespmem:$0x5800] =	vst v63  }
0xa5: {  	s21 =	sadd.s32 $0x280, s20  }
0xa6: {  	[spmem:s3] =	stream.indirect.scatter.add.f32 [tilespmem:s14], [sflag:$0x1], $0x1, s21, s13, $0xb8;
	[tilespmem:$0x5800] =	vst v63  }
0xa7: {  	s21 =	sadd.s32 $0x300, s20  }
0xa8: {  	[spmem:s2] =	stream.indirect.scatter.add.f32 [tilespmem:s14], [sflag:$0x1], $0x1, s21, s13, $0xb8;
	[tilespmem:$0x5800] =	vst v63  }
0xa9: {  	s21 =	sadd.s32 $0x380, s20  }
0xaa: {  	[spmem:s3] =	stream.indirect.scatter.add.f32 [tilespmem:s14], [sflag:$0x1], $0x1, s21, s13, $0xb8;
	[tilespmem:$0x5800] =	vst v63  }
0xab: {  	s21 =	sadd.s32 $0x400, s20  }
0xac: {  	[spmem:s2] =	stream.indirect.scatter.add.f32 [tilespmem:s14], [sflag:$0x1], $0x1, s21, s13, $0xb8;
	[tilespmem:$0x5800] =	vst v63  }
0xad: {  	s21 =	sadd.s32 $0x480, s20  }
0xae: {  	[spmem:s3] =	stream.indirect.scatter.add.f32 [tilespmem:s14], [sflag:$0x1], $0x1, s21, s13, $0xb8;
	[tilespmem:$0x5800] =	vst v63  }
0xaf: {  	s21 =	sadd.s32 $0x500, s20  }
0xb0: {  	[spmem:s2] =	stream.indirect.scatter.add.f32 [tilespmem:s14], [sflag:$0x1], $0x1, s21, s13, $0xb8;
	[tilespmem:$0x5800] =	vst v63  }
0xb1: {  	s21 =	sadd.s32 $0x580, s20  }
0xb2: {  	[spmem:s3] =	stream.indirect.scatter.add.f32 [tilespmem:s14], [sflag:$0x1], $0x1, s21, s13, $0xb8;
	[tilespmem:$0x5800] =	vst v63  }
0xb3: {  	s21 =	sadd.s32 $0x600, s20  }
0xb4: {  	[spmem:s2] =	stream.indirect.scatter.add.f32 [tilespmem:s14], [sflag:$0x1], $0x1, s21, s13, $0xb8;
	[tilespmem:$0x5800] =	vst v63  }
0xb5: {  	s21 =	sadd.s32 $0x680, s20  }
0xb6: {  	[spmem:s3] =	stream.indirect.scatter.add.f32 [tilespmem:s14], [sflag:$0x1], $0x1, s21, s13, $0xb8;
	[tilespmem:$0x5800] =	vst v63  }
0xb7: {  	s21 =	sadd.s32 $0x700, s20  }
0xb8: {  	[spmem:s2] =	stream.indirect.scatter.add.f32 [tilespmem:s14], [sflag:$0x1], $0x1, s21, s13, $0xb8;
	[tilespmem:$0x5800] =	vst v63  }
0xb9: {  	s20 =	sadd.s32 $0x780, s20  }
0xba: {  	[spmem:s3] =	stream.indirect.scatter.add.f32 [tilespmem:s14], [sflag:$0x1], $0x1, s20, s13, $0xb8;
	[tilespmem:$0x5800] =	vst v63  }
0xbb: {  	_ =	swait.ge [sflag:s15], $0x80  }
0xbc: {  	[sflag:s15] =	ssyncset.done $0x0  }
0xbd: {  	[sflag:s15] =	ssyncadd.s32 $0xFFFFFF80  }
0xbe: {  	_ =	swait.ge [sflag:s15], $0x80  }
0xbf: {  	[sflag:s15] =	ssyncset.done $0x0  }
0xc0: {  	[sflag:s15] =	ssyncadd.s32 $0xFFFFFF80  }
0xc1: {  	_ =	swait.ge [sflag:s15], $0x80  }
0xc2: {  	[sflag:s15] =	ssyncset.done $0x0  }
0xc3: {  	[sflag:s15] =	ssyncadd.s32 $0xFFFFFF80  }
0xc4: {  	_ =	swait.ge [sflag:s15], $0x80  }
0xc5: {  	[sflag:s15] =	ssyncset.done $0x0  }
0xc6: {  	[sflag:s15] =	ssyncadd.s32 $0xFFFFFF80  }
0xc7: {  	_ =	swait.ge [sflag:s15], $0x80  }
0xc8: {  	[sflag:s15] =	ssyncset.done $0x0  }
0xc9: {  	[sflag:s15] =	ssyncadd.s32 $0xFFFFFF80  }
0xca: {  	_ =	swait.ge [sflag:s15], $0x80  }
0xcb: {  	[sflag:s15] =	ssyncset.done $0x0  }
0xcc: {  	[sflag:s15] =	ssyncadd.s32 $0xFFFFFF80  }
0xcd: {  	_ =	swait.ge [sflag:s15], $0x80  }
0xce: {  	[sflag:s15] =	ssyncset.done $0x0  }
0xcf: {  	[sflag:s15] =	ssyncadd.s32 $0xFFFFFF80  }
0xd0: {  	_ =	swait.ge [sflag:s15], $0x80  }
0xd1: {  	[sflag:s15] =	ssyncset.done $0x0  }
0xd2: {  	[sflag:s15] =	ssyncadd.s32 $0xFFFFFF80  }
0xd3: {  	_ =	swait.ge [sflag:s15], $0x80  }
0xd4: {  	[sflag:s15] =	ssyncset.done $0x0  }
0xd5: {  	[sflag:s15] =	ssyncadd.s32 $0xFFFFFF80  }
0xd6: {  	_ =	swait.ge [sflag:s15], $0x80  }
0xd7: {  	[sflag:s15] =	ssyncset.done $0x0  }
0xd8: {  	[sflag:s15] =	ssyncadd.s32 $0xFFFFFF80  }
0xd9: {  	_ =	swait.ge [sflag:s15], $0x80  }
0xda: {  	[sflag:s15] =	ssyncset.done $0x0  }
0xdb: {  	[sflag:s15] =	ssyncadd.s32 $0xFFFFFF80  }
0xdc: {  	_ =	swait.ge [sflag:s15], $0x80  }
0xdd: {  	[sflag:s15] =	ssyncset.done $0x0  }
0xde: {  	[sflag:s15] =	ssyncadd.s32 $0xFFFFFF80  }
0xdf: {  	_ =	swait.ge [sflag:s15], $0x80  }
0xe0: {  	[sflag:s15] =	ssyncset.done $0x0  }
0xe1: {  	[sflag:s15] =	ssyncadd.s32 $0xFFFFFF80  }
0xe2: {  	_ =	swait.ge [sflag:s15], $0x80  }
0xe3: {  	[sflag:s15] =	ssyncset.done $0x0  }
0xe4: {  	[sflag:s15] =	ssyncadd.s32 $0xFFFFFF80  }
.Ltmp0:
0xe5: {  	_ =	swait.ge [sflag:s15], $0x80;
	(pc) =	sbr.rel @p0 .LBB2_2-.Ltmp0, $4  }
0xe6: {  	[sflag:s15] =	ssyncset.done $0x0  }
0xe7: {  	[sflag:s15] =	ssyncadd.s32 $0xFFFFFF80  }
0xe8: {  	_ =	swait.ge [sflag:s15], $0x80  }
0xe9: {  	s21 =	smov.u32 s19;
	[sflag:s15] =	ssyncset.done $0x0  }
0xea: {  	s18 =	sshra.s32 s18, $0x2;
	[sflag:s15] =	ssyncadd.s32 $0xFFFFFF80  }
0xeb: {  	[spmem:s2] =	stream.indirect.scatter.add.f32 [tilespmem:s14], [sflag:$0x1], $0x1, s18, s13, $0xb8;
	[tilespmem:$0x5800] =	vst v63  }
0xec: {  	s19 =	sadd.s32 $0x80, s18  }
0xed: {  	[spmem:s3] =	stream.indirect.scatter.add.f32 [tilespmem:s14], [sflag:$0x1], $0x1, s19, s13, $0xb8;
	[tilespmem:$0x5800] =	vst v63  }
0xee: {  	s30 =	sadd.s32 $0x100, s18  }
0xef: {  	[spmem:s2] =	stream.indirect.scatter.add.f32 [tilespmem:s14], [sflag:$0x1], $0x1, s30, s13, $0xb8;
	[tilespmem:$0x5800] =	vst v63  }
0xf0: {  	s31 =	sadd.s32 $0x180, s18  }
0xf1: {  	[spmem:s3] =	stream.indirect.scatter.add.f32 [tilespmem:s14], [sflag:$0x1], $0x1, s31, s13, $0xb8;
	[tilespmem:$0x5800] =	vst v63  }
0xf2: {  	s20 =	sadd.s32 $0x200, s18  }
0xf3: {  	[spmem:s2] =	stream.indirect.scatter.add.f32 [tilespmem:s14], [sflag:$0x1], $0x1, s20, s13, $0xb8;
	[tilespmem:$0x5800] =	vst v63  }
0xf4: {  	s21 =	sadd.s32 $0x280, s18  }
0xf5: {  	[spmem:s3] =	stream.indirect.scatter.add.f32 [tilespmem:s14], [sflag:$0x1], $0x1, s21, s13, $0xb8;
	[tilespmem:$0x5800] =	vst v63  }
0xf6: {  	s22 =	sadd.s32 $0x300, s18  }
0xf7: {  	[spmem:s2] =	stream.indirect.scatter.add.f32 [tilespmem:s14], [sflag:$0x1], $0x1, s22, s13, $0xb8;
	[tilespmem:$0x5800] =	vst v63  }
0xf8: {  	s23 =	sadd.s32 $0x380, s18  }
0xf9: {  	[spmem:s3] =	stream.indirect.scatter.add.f32 [tilespmem:s14], [sflag:$0x1], $0x1, s23, s13, $0xb8;
	[tilespmem:$0x5800] =	vst v63  }
0xfa: {  	s24 =	sadd.s32 $0x400, s18  }
0xfb: {  	[spmem:s2] =	stream.indirect.scatter.add.f32 [tilespmem:s14], [sflag:$0x1], $0x1, s24, s13, $0xb8;
	[tilespmem:$0x5800] =	vst v63  }
0xfc: {  	s25 =	sadd.s32 $0x480, s18  }
0xfd: {  	[spmem:s3] =	stream.indirect.scatter.add.f32 [tilespmem:s14], [sflag:$0x1], $0x1, s25, s13, $0xb8;
	[tilespmem:$0x5800] =	vst v63  }
0xfe: {  	s26 =	sadd.s32 $0x500, s18  }
0xff: {  	[spmem:s2] =	stream.indirect.scatter.add.f32 [tilespmem:s14], [sflag:$0x1], $0x1, s26, s13, $0xb8;
	[tilespmem:$0x5800] =	vst v63  }
0x100: {  	s28 =	sadd.s32 $0x580, s18  }
0x101: {  	[spmem:s3] =	stream.indirect.scatter.add.f32 [tilespmem:s14], [sflag:$0x1], $0x1, s28, s13, $0xb8;
	[tilespmem:$0x5800] =	vst v63  }
0x102: {  	s29 =	sadd.s32 $0x600, s18  }
0x103: {  	[spmem:s2] =	stream.indirect.scatter.add.f32 [tilespmem:s14], [sflag:$0x1], $0x1, s29, s13, $0xb8;
	[tilespmem:$0x5800] =	vst v63  }
0x104: {  	s30 =	sadd.s32 $0x680, s18  }
0x105: {  	[spmem:s3] =	stream.indirect.scatter.add.f32 [tilespmem:s14], [sflag:$0x1], $0x1, s30, s13, $0xb8;
	[tilespmem:$0x5800] =	vst v63  }
0x106: {  	s31 =	sadd.s32 $0x700, s18  }
0x107: {  	[spmem:s2] =	stream.indirect.scatter.add.f32 [tilespmem:s14], [sflag:$0x1], $0x1, s31, s13, $0xb8;
	[tilespmem:$0x5800] =	vst v63  }
0x108: {  	s18 =	sadd.s32 $0x780, s18  }
0x109: {  	[spmem:s3] =	stream.indirect.scatter.add.f32 [tilespmem:s14], [sflag:$0x1], $0x1, s18, s13, $0xb8;
	[tilespmem:$0x5800] =	vst v63  }
0x10a: {  	_ =	swait.ge [sflag:s15], $0x80  }
0x10b: {  	[sflag:s15] =	ssyncset.done $0x0  }
0x10c: {  	[sflag:s15] =	ssyncadd.s32 $0xFFFFFF80  }
0x10d: {  	_ =	swait.ge [sflag:s15], $0x80  }
0x10e: {  	[sflag:s15] =	ssyncset.done $0x0  }
0x10f: {  	[sflag:s15] =	ssyncadd.s32 $0xFFFFFF80  }
0x110: {  	_ =	swait.ge [sflag:s15], $0x80  }
0x111: {  	[sflag:s15] =	ssyncset.done $0x0  }
0x112: {  	[sflag:s15] =	ssyncadd.s32 $0xFFFFFF80  }
0x113: {  	_ =	swait.ge [sflag:s15], $0x80  }
0x114: {  	[sflag:s15] =	ssyncset.done $0x0  }
0x115: {  	[sflag:s15] =	ssyncadd.s32 $0xFFFFFF80  }
0x116: {  	_ =	swait.ge [sflag:s15], $0x80  }
0x117: {  	[sflag:s15] =	ssyncset.done $0x0  }
0x118: {  	[sflag:s15] =	ssyncadd.s32 $0xFFFFFF80  }
0x119: {  	_ =	swait.ge [sflag:s15], $0x80  }
0x11a: {  	[sflag:s15] =	ssyncset.done $0x0  }
0x11b: {  	[sflag:s15] =	ssyncadd.s32 $0xFFFFFF80  }
0x11c: {  	_ =	swait.ge [sflag:s15], $0x80  }
0x11d: {  	[sflag:s15] =	ssyncset.done $0x0  }
0x11e: {  	[sflag:s15] =	ssyncadd.s32 $0xFFFFFF80  }
0x11f: {  	_ =	swait.ge [sflag:s15], $0x80  }
0x120: {  	[sflag:s15] =	ssyncset.done $0x0  }
0x121: {  	[sflag:s15] =	ssyncadd.s32 $0xFFFFFF80  }
0x122: {  	_ =	swait.ge [sflag:s15], $0x80  }
0x123: {  	[sflag:s15] =	ssyncset.done $0x0  }
0x124: {  	[sflag:s15] =	ssyncadd.s32 $0xFFFFFF80  }
0x125: {  	_ =	swait.ge [sflag:s15], $0x80  }
0x126: {  	[sflag:s15] =	ssyncset.done $0x0  }
0x127: {  	[sflag:s15] =	ssyncadd.s32 $0xFFFFFF80  }
0x128: {  	_ =	swait.ge [sflag:s15], $0x80  }
0x129: {  	[sflag:s15] =	ssyncset.done $0x0  }
0x12a: {  	[sflag:s15] =	ssyncadd.s32 $0xFFFFFF80  }
0x12b: {  	_ =	swait.ge [sflag:s15], $0x80  }
0x12c: {  	[sflag:s15] =	ssyncset.done $0x0  }
0x12d: {  	[sflag:s15] =	ssyncadd.s32 $0xFFFFFF80  }
0x12e: {  	_ =	swait.ge [sflag:s15], $0x80  }
0x12f: {  	[sflag:s15] =	ssyncset.done $0x0  }
0x130: {  	[sflag:s15] =	ssyncadd.s32 $0xFFFFFF80  }
0x131: {  	_ =	swait.ge [sflag:s15], $0x80  }
0x132: {  	[sflag:s15] =	ssyncset.done $0x0  }
0x133: {  	[sflag:s15] =	ssyncadd.s32 $0xFFFFFF80  }
0x134: {  	_ =	swait.ge [sflag:s15], $0x80  }
0x135: {  	[sflag:s15] =	ssyncset.done $0x0  }
0x136: {  	[sflag:s15] =	ssyncadd.s32 $0xFFFFFF80  }
0x137: {  	_ =	swait.ge [sflag:s15], $0x80  }
0x138: {  	[sflag:s15] =	ssyncset.done $0x0  }
0x139: {  	[sflag:s15] =	ssyncadd.s32 $0xFFFFFF80  }
0x13a: {  	[bflag:$0x0] =	sbarrier.arrive $0xFFFF  }
0x13b: {  	[tilespmem:s12], [sflag:$0x2] =	stream.linear.gather [spmem:s6], $0x280, $0x38;
	[tilespmem:$0x5800] =	vst v63  }
0x13c: {  	_ =	swait.ge [sflag:s11], $0x280  }
0x13d: {  	[sflag:s11] =	ssyncset.done $0x0  }
0x13e: {  	[sflag:s11] =	ssyncadd.s32 $0xFFFFFD80  }
0x13f: {  	[hbm4b:s8+s13] =	stream.strided.scatter [tilespmem:s12], [sflag:$0x2], $0x280, s16, s13, $0x38;
	[tilespmem:$0x5800] =	vst v63  }
0x140: {  	_ =	swait.ge [sflag:s11], $0x280  }
0x141: {  	[sflag:s11] =	ssyncset.done $0x0  }
0x142: {  	[sflag:s11] =	ssyncadd.s32 $0xFFFFFD80  }
0x143: {  	[tilespmem:s12], [sflag:$0x2] =	stream.linear.gather [spmem:s7], $0x280, $0x38;
	[tilespmem:$0x5800] =	vst v63  }
0x144: {  	s17 =	sadd.s32 $0x1, s17;
	_ =	swait.ge [sflag:s11], $0x280  }
0x145: {  	p0 =	sne.s32 s17, s10;
	[sflag:s11] =	ssyncset.done $0x0  }
.Ltmp1:
0x146: {  	[sflag:s11] =	ssyncadd.s32 $0xFFFFFD80;
	(pc) =	sbr.rel @p0 .LBB2_1-.Ltmp1, $4  }
0x147: {  	[hbm4b:s9+s13] =	stream.strided.scatter [tilespmem:s12], [sflag:$0x2], $0x280, s16, s13, $0x38;
	[tilespmem:$0x5800] =	vst v63  }
0x148: {  	_ =	swait.ge [sflag:s11], $0x280  }
0x149: {  	[sflag:s11] =	ssyncset.done $0x0  }
0x14a: {  	[sflag:s11] =	ssyncadd.s32 $0xFFFFFD80  }
0x14b: {  	_ =	sfence.sel $0x180000  }
0x14c: {  	[bflag:$0x0] =	sbarrier.arrive $0xFFFF  }
0x14d: {  	p0 =	sne.s32 s0, $0x0;
	_ =	strace $0x90000047  }
0x14e: {  	s0 =	sadd.s32 @!p0 $0x100000, s1;
	[bflag:$0x2] =	sbarrier.arrive $0xFFFF  }
0x14f: {  	[sflag:s0] =	ssyncadd.tile.s32 @!p0 $0x1;
	_ =	shalt  }
.Lfunc_end2:
_tile_overlayer_lowered:
.L_overlay_start_2:
0x150: {  	(tag) =	ssettag $0x2  }
0x151: {  	s0 =	rddreg [dreg:$0x0];
	s2 =	stileid.u32  }
0x152: {  	s1 =	rddreg [dreg:$0x1];
	p0 =	sne.s32 s2, $0x0  }
0x153: {  	s3 =	rddreg [dreg:$0x2];
	[bflag:$0x3] =	sbarrier.arrive $0xFFFF;
	s2 =	simm.s32 @!p0 $0x1C02  }
0x154: {  	[timem:s3], [sflag:s2] =	dma.local @!p0 [hbm:s0], s1  }
0x155: {  	s0 =	simm.s32 @!p0 $0x2  }
0x156: {  	_ =	swait.ge @!p0 [sflag:s0], s1  }
0x157: {  	s1 =	ssub.s32 @!p0 $0x0, s1;
	[sflag:s0] =	ssyncset.done @!p0 $0x0  }
0x158: {  	[sflag:s0] =	ssyncadd.s32 @!p0 s1  }
0x159: {  	[bflag:$0x3] =	sbarrier.arrive $0xFFFF  }
0x15a: {  	_ =	shalt  }

// kernel: kernel.9.cloned.1.call-start
scs
__scs_entry_jumppad:
0x0: {  	(pc) =	sbr.rel $0x88, $3  }
0x1: {  	(tag) =	ssettag $0x0;
	lr =	simm.s32 $0x1  }
0x2: {  	[smem:$0x3F9B] =	sst lr;
	_ =	strace $0xD0000000  }
0x3: {  	_ = 	snop  }
0x4: {  	_ = 	snop  }
0x5: {  	_ = 	snop  }
0x6: {  	_ = 	snop  }
0x7: {  	_ = 	snop  }
__scs_overlays_trampoline_lowered:
0x8: {  	[smem:$0x3FAA] =	sst s0  }
0x9: {  	[smem:$0x3FAB] =	sst s1  }
0xa: {  	[smem:$0x3FAC] =	sst s2  }
0xb: {  	[smem:$0x3FAD] =	sst s3  }
0xc: {  	[smem:$0x3FAE] =	sst s4  }
0xd: {  	[smem:$0x3FAF] =	sst s5  }
0xe: {  	[smem:$0x3FB0] =	sst s6  }
0xf: {  	[smem:$0x3FB1] =	sst s7  }
0x10: {  	[smem:$0x3FB2] =	sst s8  }
0x11: {  	[smem:$0x3FB3] =	sst s9;
	s0 =	simm.s32 @!p0 $0x0  }
0x12: {  	s1 =	sld [smem:$0x3F99];
	s0 =	simm.s32 @p0 $0x1  }
0x13: {  	[smem:$0x3FB4] =	sst s0;
	s0 =	simm.s32 @!p1 $0x0  }
0x14: {  	s2 =	sld [smem:$0x3F98];
	s0 =	simm.s32 @p1 $0x1  }
0x15: {  	[smem:$0x3FB5] =	sst s0;
	s0 =	simm.s32 @!p2 $0x0  }
0x16: {  	s3 =	sld [smem:$0x3FDB];
	s0 =	simm.s32 @p2 $0x1  }
0x17: {  	s4 =	simm.s32 $0x1BF5;
	[smem:$0x3FB7] =	sst s0  }
0x18: {  	s0 =	sld [smem:$0x3F9A];
	_ =	swait.ge [sflag:s4], $0x0  }
0x19: {  	s7 =	sld [smem:$0x3F9B]  }
0x1a: {  	s8 =	sadd.s32 $0xFFFFE003, lr  }
0x1b: {  	s9 =	sadd.s32 $0xFFFFFEF7, lr;
	s5 =	simm.s32 $0xFFFFFFFF;
	p2 =	slt.u32 s8, $0xFFFFF086  }
0x1c: {  	p1 =	slt.u32 s9, $0xF7A;
	s5 =	simm.s32 @!p2 $0x0  }
0x1d: {  	s5 =	simm.s32 @p1 $0x1;
	p0 =	seq.s32 s7, s2  }
0x1e: {  	s7 =	smul.u32 @!p0 $0xF7A, s2;
	p2 =	seq.s32 @!p0 s5, $0x0  }
0x1f: {  	s9 =	smul.u32 $0xF7A, s1;
	s8 =	simm.s32 @!p0 $0x1BF5;
	p2 =	por !p2, p0  }
0x20: {  	[sflag:s8] =	ssyncset.s32 @!p0 $0xFFFFF086;
	s6 =	sadd.s32 @!p0 s3, s7;
	s7 =	simm.s32 @!p0 $0x108  }
0x21: {  	s3 =	sadd.s32 s3, s9;
	s6 =	sadd.s32 @!p0 $0x88, s6;
	s7 =	simm.s32 @p2 $0x1082  }
0x22: {  	[simem:s7], [sflag:s8] =	dma.local @!p0 [hbm:s6], $0xF7A  }
0x23: {  	s9 =	sor.u32 $0xD0000000, s2;
	s6 =	simm.s32 $0x108;
	_ =	swait.ge @!p0 [sflag:s8], $0x0  }
0x24: {  	s3 =	sadd.s32 $0x88, s3;
	s6 =	simm.s32 @!p1 $0x1082;
	[sflag:s4] =	ssyncset.s32 $0xFFFFF086  }
0x25: {  	[simem:s6], [sflag:s4] =	dma.local [hbm:s3], $0xF7A  }
0x26: {  	[smem:$0x3F9B] =	sst s1;
	(tag) =	ssettag s2;
	_ =	strace s9  }
0x27: {  	s1 =	sld [smem:$0x3FAB]  }
0x28: {  	s2 =	sld [smem:$0x3FAC]  }
0x29: {  	s4 =	sld [smem:$0x3FAE]  }
0x2a: {  	p0 =	seq.s32 s5, $0x0;
	s5 =	sld [smem:$0x3FAF]  }
0x2b: {  	s6 =	sld [smem:$0x3FB0]  }
0x2c: {  	s7 =	sld [smem:$0x3FB1]  }
0x2d: {  	s3 =	simm.s32 $0x108;
	s8 =	sld [smem:$0x3FB2]  }
0x2e: {  	s3 =	simm.s32 @!p0 $0x1082;
	s9 =	sld [smem:$0x3FB3]  }
0x2f: {  	lr =	sadd.s32 s0, s3;
	s0 =	sld [smem:$0x3FAA]  }
0x30: {  	s3 =	sld [smem:$0x3FAD]  }
0x31: {  	[smem:$0x3FB6] =	sst s10  }
0x32: {  	s10 =	sld [smem:$0x3FB4];
	_ =	sdelay $0x3  }
0x33: {  	p0 =	seq.s32 s10, $0x1;
	s10 =	sld [smem:$0x3FB6];
	_ =	sdelay $0x3  }
0x34: {  	[smem:$0x3FB6] =	sst s10  }
0x35: {  	s10 =	sld [smem:$0x3FB5];
	_ =	sdelay $0x3  }
0x36: {  	p1 =	seq.s32 s10, $0x1;
	s10 =	sld [smem:$0x3FB6];
	_ =	sdelay $0x3  }
0x37: {  	[smem:$0x3FB6] =	sst s10  }
0x38: {  	s10 =	sld [smem:$0x3FB7]  }
0x39: {  	_ = 	snop;
	(pc) =	sbr.ind lr, $3  }
0x3a: {  	_ = 	snop  }
0x3b: {  	_ = 	snop  }
0x3c: {  	p2 =	seq.s32 s10, $0x1;
	s10 =	sld [smem:$0x3FB6]  }
0x3d: {  	_ =	shalt  }
0x3e: {  	_ =	shalt  }
0x3f: {  	_ =	shalt  }
0x40: {  	_ =	shalt  }
0x41: {  	_ =	shalt  }
0x42: {  	_ =	shalt  }
0x43: {  	_ =	shalt  }
0x44: {  	_ =	shalt  }
0x45: {  	_ =	shalt  }
0x46: {  	_ =	shalt  }
0x47: {  	_ =	shalt  }
0x48: {  	_ =	shalt  }
0x49: {  	_ =	shalt  }
0x4a: {  	_ =	shalt  }
0x4b: {  	_ =	shalt  }
0x4c: {  	_ =	shalt  }
0x4d: {  	_ =	shalt  }
0x4e: {  	_ =	shalt  }
0x4f: {  	_ =	shalt  }
0x50: {  	_ =	shalt  }
0x51: {  	_ =	shalt  }
0x52: {  	_ =	shalt  }
0x53: {  	_ =	shalt  }
0x54: {  	_ =	shalt  }
0x55: {  	_ =	shalt  }
0x56: {  	_ =	shalt  }
0x57: {  	_ =	shalt  }
0x58: {  	_ =	shalt  }
0x59: {  	_ =	shalt  }
0x5a: {  	_ =	shalt  }
0x5b: {  	_ =	shalt  }
0x5c: {  	_ =	shalt  }
0x5d: {  	_ =	shalt  }
0x5e: {  	_ =	shalt  }
0x5f: {  	_ =	shalt  }
0x60: {  	_ =	shalt  }
0x61: {  	_ =	shalt  }
0x62: {  	_ =	shalt  }
0x63: {  	_ =	shalt  }
0x64: {  	_ =	shalt  }
0x65: {  	_ =	shalt  }
0x66: {  	_ =	shalt  }
0x67: {  	_ =	shalt  }
0x68: {  	_ =	shalt  }
0x69: {  	_ =	shalt  }
0x6a: {  	_ =	shalt  }
0x6b: {  	_ =	shalt  }
0x6c: {  	_ =	shalt  }
0x6d: {  	_ =	shalt  }
0x6e: {  	_ =	shalt  }
0x6f: {  	_ =	shalt  }
0x70: {  	_ =	shalt  }
0x71: {  	_ =	shalt  }
0x72: {  	_ =	shalt  }
0x73: {  	_ =	shalt  }
0x74: {  	_ =	shalt  }
0x75: {  	_ =	shalt  }
0x76: {  	_ =	shalt  }
0x77: {  	_ =	shalt  }
0x78: {  	_ =	shalt  }
0x79: {  	_ =	shalt  }
0x7a: {  	_ =	shalt  }
0x7b: {  	_ =	shalt  }
0x7c: {  	_ =	shalt  }
0x7d: {  	_ =	shalt  }
0x7e: {  	_ =	shalt  }
0x7f: {  	_ =	shalt  }
0x80: {  	_ =	shalt  }
0x81: {  	_ =	shalt  }
0x82: {  	_ =	shalt  }
0x83: {  	_ =	shalt  }
0x84: {  	_ =	shalt  }
0x85: {  	_ =	shalt  }
0x86: {  	_ =	shalt  }
0x87: {  	_ =	shalt  }
.Lfunc_end0:
.L_simem_size_0:
called_computation.1_lowered:
.L_overlay_start_0:
0x88: {  	s2 =	sld [smem:$0x3FD9]  }
0x89: {  	s3 =	sld [smem:$0x3FFE];
	_ =	sdelay $0x1  }
0x8a: {  	s1 =	srdreg.scid  }
0x8b: {  	s0 =	sand.u32 $0x1, s1  }
0x8c: {  	s14 =	sshll.u32 s0, $0xA;
	s2 =	sadd.s32 s3, s2  }
0x8d: {  	s2 =	sadd.s32 s2, s14  }
0x8e: {  	[smem:$0x3FC2] =	sst s2  }
0x8f: {  	_ = 	snop  }
0x90: {  	s2 =	sld [smem:$0x3FD0];
	_ =	sdelay $0x2  }
0x91: {  	s15 =	simm.s32 $0xA;
	s4 =	simm.s32 $0x10  }
0x92: {  	[smem:s4], [sflag:s15] =	dma.local [hbm:s2], $0x1  }
0x93: {  	_ =	swait.eq [sflag:s15], $0x1  }
0x94: {  	[sflag:s15] =	ssyncset.done $0x0  }
0x95: {  	[sflag:s15] =	ssyncadd.s32 $0xFFFFFFFF  }
0x96: {  	s16 =	sld [smem:$0x10];
	(tm) =	ssettm $0x1  }
0x97: {  	s17 =	sld [smem:$0x3FFB];
	_ =	sdelay $0x3  }
0x98: {  	_ =	strace s17  }
0x99: {  	s3 =	sld [smem:$0x3FFC];
	_ =	sdelay $0x3  }
0x9a: {  	_ =	strace s3  }
0x9b: {  	s3 =	sld [smem:$0x3FFD];
	_ =	sdelay $0x3  }
0x9c: {  	_ =	strace s3  }
0x9d: {  	_ =	strace $0x8FFFFFFF  }
0x9e: {  	s18 =	sld [smem:$0x3FDB];
	_ =	sdelay $0x1  }
0x9f: {  	s19 =	simm.s32 $_scs_section_size  }
0xa0: {  	s5 =	simm.s32 $_size__tile_overlayer_lowered;
	s6 =	simm.s32 $_tile_overlayer_lowered  }
0xa1: {  	s22 =	simm.s32 $0x1BFF;
	s21 =	sshll.u32 s6, $0x1;
	s3 =	sadd.s32 s19, s18  }
0xa2: {  	s7 =	simm.s32 $0x0;
	s20 =	sshll.u32 s5, $0x1;
	s5 =	sadd.s32 s21, s3  }
0xa3: {  	[timem:s7], [sflag:s22] =	dma.local [hbm:s5], s20  }
0xa4: {  	_ =	swait.ge [sflag:s22], s20  }
0xa5: {  	s4 =	ssub.s32 $0x0, s20;
	[sflag:s22] =	ssyncset.done $0x0  }
0xa6: {  	[sflag:s22] =	ssyncadd.s32 s4;
	_ =	sdelay $0x1  }
0xa7: {  	s23 =	simm.s32 $0x1B8B  }
0xa8: {  	_ =	swait.ge [sflag:s23], $0x1  }
0xa9: {  	[sflag:s23] =	ssyncset.done $0x0  }
0xaa: {  	s25 =	simm.s32 $0x1B8E;
	s24 =	sld [smem:$0x3FFE];
	[sflag:s23] =	ssyncadd.s32 $0xFFFFFFFF  }
0xab: {  	s26 =	simm.s32 $execute0_lowered;
	[smem:$0x3FD2] =	sst s25  }
0xac: {  	s5 =	sshll.u32 s26, $0x1;
	_ =	strace $0x80000049;
	[dreg:$0x1] =	wrdreg $0xFFFFFFFF  }
0xad: {  	s28 =	simm.s32 $_size_execute0_lowered;
	s3 =	sadd.s32 s3, s5;
	[dreg:$0x0] =	wrdreg $0x0  }
0xae: {  	s5 =	sshll.u32 s28, $0x1;
	[dreg:$0x2] =	wrdreg s3  }
0xaf: {  	[dreg:$0x3] =	wrdreg s5  }
0xb0: {  	[dreg:$0x4] =	wrdreg $0xC0  }
0xb1: {  	_ =	task [dreg:s7], $0x5FFFF  }
0xb2: {  	[dreg:$0x1] =	wrdreg $0xFFFFFFFF  }
0xb3: {  	[dreg:$0x0] =	wrdreg $0x60  }
0xb4: {  	[dreg:$0x2] =	wrdreg s16  }
0xb5: {  	[dreg:$0x3] =	wrdreg s24  }
0xb6: {  	[dreg:$0x4] =	wrdreg $0xA8000  }
0xb7: {  	[dreg:$0x5] =	wrdreg $0x9  }
0xb8: {  	_ =	task.clear_ibuf [dreg:s7], $0x6FFFF;
	_ =	strace $0x90000049  }
0xb9: {  	s29 =	simm.s32 $0x9;
	_ =	strace $0x8000004B  }
0xba: {  	_ =	swait.ge [sflag:s29], $0x1  }
0xbb: {  	[sflag:s29] =	ssyncadd.s32 $0xFFFFFFFF  }
0xbc: {  	_ =	strace $0x9000004B  }
0xbd: {  	_ =	sfence  }
0xbe: {  	s30 =	sld [smem:$0x0];
	_ =	sdelay $0x2  }
0xbf: {  	s31 =	sshll.u32 s1, $0xD;
	s1 =	sshrl.u32 s1, $0x2  }
0xc0: {  	s3 =	sand.u32 $0x4000, s31;
	s1 =	sadd.s32 s1, s30  }
0xc1: {  	s0 =	sor.u32 s3, s0;
	s1 =	sshll.u32 s1, $0x11  }
0xc2: {  	s0 =	sor.u32 s1, s0  }
0xc3: {  	s0 =	sadd.s32 $0x8F2B, s0  }
0xc4: {  	[sflag:s0] =	ssyncadd.remote.s32 $0x1  }
0xc5: {  	_ =	sfence.sel $0xFFFF  }
0xc6: {  	[dreg:$0x0] =	wrdreg $0xFFFFFFFF;
	(pc) =	sbr.abs _section_cstart, $3  }
0xc7: {  	[dreg:$0x1] =	wrdreg $0xFFFFFFFF  }
0xc8: {  	_ =	task.clear_ibuf [dreg:s7], $0x2FFFF;
	_ =	strace $0x9FFFFFFF  }
0xc9: {  	(tm) =	ssettm $0x7FFFFFFF  }
tec
execute0_lowered:
.L_overlay_start_1:
0x0: {  	(tag) =	ssettag $0x1  }
0x1: {  	s1 =	rddreg [dreg:$0x0]  }
0x2: {  	s0 =	rddreg [dreg:$0x1];
	s2 =	srdreg.scid  }
0x3: {  	s9 =	stileid.u32;
	s3 =	rddreg [dreg:$0x2];
	s4 =	simm.s32 $0x0  }
0x4: {  	s29 =	simm.s32 $0x80;
	s31 =	simm.s32 $0x6800;
	s28 =	simm.s32 $0x1C00  }
0x5: {  	s30 =	simm.s32 $0x1B80;
	s2 =	sand.u32 $0x1, s2;
	s8 =	smul.u32 $0x50000, s9  }
0x6: {  	s5 =	sshll.u32 s9, $0x1;
	[smem:$0x7FF] =	sst s4;
	s11 =	smul.u32 $0x14000, s9  }
0x7: {  	s5 =	sor.u32 s2, s5;
	s6 =	ssub.s32 $0x2, s2;
	s2 =	smul.u32 $0x140000, s2  }
0x8: {  	s9 =	simm.s32 $0x1600;
	_ =	strace $0x8000004A;
	s5 =	smul.u32 $0x5000, s5  }
0x9: {  	s7 =	sshrl.u32 s6, $0x1;
	s8 =	sshrl.u32 s8, $0x2;
	s18 =	sadd.s32 $0x4000, s11  }
0xa: {  	s21 =	sadd.s32 $0x8000, s11;
	s24 =	sadd.s32 $0xC000, s11;
	s7 =	ssub.s32 s6, s7  }
0xb: {  	s6 =	sadd.s32 s8, s3;
	s16 =	sadd.s32 s2, s11;
	s20 =	sadd.s32 s2, s18  }
0xc: {  	s22 =	sadd.s32 s21, s3;
	s23 =	sadd.s32 s2, s21;
	s8 =	sadd.s32 $0x10000, s11  }
0xd: {  	s25 =	sadd.s32 s2, s24;
	s21 =	simm.s32 $0x1;
	[dreg:$0x16] =	wrdreg s6  }
0xe: {  	s5 =	sshrl.u32 s5, $0x3;
	s13 =	smax.u32 s7, $0x1;
	[dreg:$0x10] =	wrdreg s22  }
0xf: {  	s14 =	sadd.s32 $0x4000, s6;
	s15 =	sadd.s32 $0x8000, s6;
	[dreg:$0x8] =	wrdreg s13  }
0x10: {  	s17 =	sadd.s32 $0xC000, s6;
	s19 =	sadd.s32 $0x10000, s6;
	[dreg:$0x9] =	wrdreg s14  }
0x11: {  	s7 =	sadd.s32 s18, s3;
	s2 =	sadd.s32 s2, s8;
	[dreg:$0xa] =	wrdreg s15  }
0x12: {  	s6 =	simm.s32 $0x1400;
	s18 =	simm.s32 $0x1A00;
	[dreg:$0xb] =	wrdreg s17  }
0x13: {  	s22 =	simm.s32 $0x1A80;
	s5 =	sadd.s32 s5, s0;
	[dreg:$0xc] =	wrdreg s19  }
0x14: {  	s0 =	sadd.s32 $0x16400, s0;
	[dreg:$0xe] =	wrdreg s7;
	s7 =	sadd.s32 s24, s3  }
0x15: {  	s2 =	sshrl.u32 s2, $0x3;
	s24 =	simm.s32 $0x2800;
	s14 =	simm.s32 $0x1800  }
0x16: {  	s26 =	sadd.s32 $0x2400, s5;
	s10 =	sadd.s32 $0x2680, s5;
	[dreg:$0x12] =	wrdreg s7  }
0x17: {  	s12 =	sadd.s32 $0x2900, s5;
	s5 =	sadd.s32 $0x2B80, s5;
	[dreg:$0x4] =	wrdreg s26  }
0x18: {  	s15 =	simm.s32 $0x1780;
	[dreg:$0x7] =	wrdreg s5;
	s5 =	sshrl.u32 s16, $0x3  }
0x19: {  	s17 =	simm.s32 $0x1880;
	[dreg:$0x5] =	wrdreg s10;
	s5 =	sadd.s32 s0, s5  }
0x1a: {  	s19 =	simm.s32 $0x1980;
	[dreg:$0xd] =	wrdreg s5;
	s5 =	sshrl.u32 s20, $0x3  }
0x1b: {  	s7 =	simm.s32 $0x1500;
	[dreg:$0x6] =	wrdreg s12;
	s5 =	sadd.s32 s0, s5  }
0x1c: {  	s26 =	sadd.s32 s8, s3;
	[dreg:$0xf] =	wrdreg s5;
	s5 =	sshrl.u32 s23, $0x3  }
0x1d: {  	s8 =	simm.s32 $0x1480;
	[dreg:$0x14] =	wrdreg s26;
	s5 =	sadd.s32 s0, s5  }
0x1e: {  	s16 =	simm.s32 $0x1900;
	[dreg:$0x11] =	wrdreg s5;
	s5 =	sshrl.u32 s25, $0x3  }
0x1f: {  	s20 =	simm.s32 $0x1B00;
	s23 =	simm.s32 $0x0;
	s5 =	sadd.s32 s0, s5  }
0x20: {  	s25 =	simm.s32 $0x5;
	s0 =	sadd.s32 s0, s2;
	[dreg:$0x13] =	wrdreg s5  }
0x21: {  	v0 =	vimm.f32 $0.0e+00;
	s2 =	simm.s32 $0x3;
	[dreg:$0x15] =	wrdreg s0;
	s5 =	simm.s32 $0x4  }
.LBB2_1:
0x22: {  	s10 =	rddreg [dreg:$0x4];
	s26 =	sand.u32 $0xFE00, s4  }
0x23: {  	[tilespmem:s4], [sflag:$0x1] =	stream.linear.gather [hbm4b:s10+s4], $0x1400, $0x38;
	[tilespmem:$0x1E800] =	vst v63  }
0x24: {  	s11 =	sand.u32 $0x70, s4;
	s12 =	sshrl.u32 s26, $0x2  }
0x25: {  	s10 =	simm.s32 $0x40;
	s12 =	sor.u32 s11, s12;
	s11 =	simm.s32 $0x0  }
.LBB2_2:
0x26: {  	p0 =	sne.s32 s10, $0xFFC0  }
0x27: {  	[tilespmem:s12+$0x2800] =	vst v0;
	s11 =	sadd.s32 $0x10, s11;
	s12 =	smov.u32 s10;
	s10 =	sadd.s32 $0x40, s10  }
.Ltmp0:
0x28: {  	(pc) =	sbr.rel @p0 .LBB2_2-.Ltmp0, $4  }
0x29: {  	_ = 	snop  }
0x2a: {  	s12 =	sand.u32 $0xFE00, s12  }
0x2b: {  	s13 =	sand.u32 $0x70, s11;
	s12 =	sshrl.u32 s12, $0x2  }
0x2c: {  	s12 =	sor.u32 s13, s12  }
0x2d: {  	[tilespmem:s12+$0x2800] =	vst v0;
	s26 =	rddreg [dreg:$0x16]  }
0x2e: {  	[spmem:s26] =	stream.linear.scatter [tilespmem:s24], [sflag:$0x5], $0x4000, $0x38;
	[tilespmem:$0x1E800] =	vst v63  }
0x2f: {  	_ =	swait.ge [sflag:s25], $0x4000  }
0x30: {  	[sflag:s25] =	ssyncset.done $0x0  }
0x31: {  	s10 =	rddreg [dreg:$0x9];
	[sflag:s25] =	ssyncadd.s32 $0xFFFFC000  }
0x32: {  	[spmem:s10] =	stream.linear.scatter [tilespmem:s24], [sflag:$0x5], $0x4000, $0x38;
	[tilespmem:$0x1E800] =	vst v63  }
0x33: {  	_ =	swait.ge [sflag:s25], $0x4000  }
0x34: {  	[sflag:s25] =	ssyncset.done $0x0  }
0x35: {  	s12 =	rddreg [dreg:$0xa];
	[sflag:s25] =	ssyncadd.s32 $0xFFFFC000  }
0x36: {  	[spmem:s12] =	stream.linear.scatter [tilespmem:s24], [sflag:$0x5], $0x4000, $0x38;
	[tilespmem:$0x1E800] =	vst v63  }
0x37: {  	_ =	swait.ge [sflag:s25], $0x4000  }
0x38: {  	[sflag:s25] =	ssyncset.done $0x0  }
0x39: {  	s13 =	rddreg [dreg:$0xb];
	[sflag:s25] =	ssyncadd.s32 $0xFFFFC000  }
0x3a: {  	[spmem:s13] =	stream.linear.scatter [tilespmem:s24], [sflag:$0x5], $0x4000, $0x38;
	[tilespmem:$0x1E800] =	vst v63  }
0x3b: {  	_ =	swait.ge [sflag:s25], $0x4000  }
0x3c: {  	[sflag:s25] =	ssyncset.done $0x0  }
0x3d: {  	s0 =	rddreg [dreg:$0xc];
	[sflag:s25] =	ssyncadd.s32 $0xFFFFC000  }
0x3e: {  	[spmem:s0] =	stream.linear.scatter [tilespmem:s24], [sflag:$0x5], $0x4000, $0x38;
	[tilespmem:$0x1E800] =	vst v63  }
0x3f: {  	_ =	swait.ge [sflag:s25], $0x4000  }
0x40: {  	[sflag:s25] =	ssyncset.done $0x0  }
0x41: {  	[sflag:s25] =	ssyncadd.s32 $0xFFFFC000  }
0x42: {  	[bflag:$0x0] =	sbarrier.arrive $0xFFFF  }
0x43: {  	_ =	swait.ge [sflag:s21], $0x1400  }
0x44: {  	[sflag:s21] =	ssyncset.done $0x0  }
0x45: {  	s11 =	rddreg [dreg:$0x5];
	[sflag:s21] =	ssyncadd.s32 $0xFFFFEC00  }
0x46: {  	[tilespmem:s6], [sflag:$0x2] =	stream.linear.gather [hbm4b:s11+s4], $0x1400, $0x38;
	[tilespmem:$0x1E800] =	vst v63  }
0x47: {  	_ = 	snop  }
0x48: {  	[tilespmem:s24], [sflag:$0x3] =	stream.indirect.gather [hbm4b:s1+s29], $0x80, s4, s29, $0xb8;
	[tilespmem:$0x1E800] =	vst v63  }
0x49: {  	s0 =	simm.s32 $0x100  }
0x4a: {  	[tilespmem:s31], [sflag:$0x4] =	stream.indirect.gather [hbm4b:s1+s29], $0x80, s0, s29, $0xb8;
	[tilespmem:$0x1E800] =	vst v63  }
0x4b: {  	_ =	swait.ge [sflag:s2], $0x4000  }
0x4c: {  	[sflag:s2] =	ssyncset.done $0x0  }
0x4d: {  	[sflag:s2] =	ssyncadd.s32 $0xFFFFC000  }
0x4e: {  	[spmem:s3] =	stream.indirect.scatter.add.f32 [tilespmem:s24], [sflag:$0x5], $0x80, s29, s29, $0xb8;
	[tilespmem:$0x1E800] =	vst v63  }
0x4f: {  	_ =	swait.ge [sflag:s25], $0x4000  }
0x50: {  	[sflag:s25] =	ssyncset.done $0x0  }
0x51: {  	s12 =	simm.s32 $0x200;
	[sflag:s25] =	ssyncadd.s32 $0xFFFFC000  }
0x52: {  	[tilespmem:s24], [sflag:$0x3] =	stream.indirect.gather [hbm4b:s1+s29], $0x80, s12, s29, $0xb8;
	[tilespmem:$0x1E800] =	vst v63  }
0x53: {  	_ =	swait.ge [sflag:s5], $0x4000  }
0x54: {  	[sflag:s5] =	ssyncset.done $0x0  }
0x55: {  	s13 =	simm.s32 $0x180;
	[sflag:s5] =	ssyncadd.s32 $0xFFFFC000  }
0x56: {  	[spmem:s3] =	stream.indirect.scatter.add.f32 [tilespmem:s31], [sflag:$0x5], $0x80, s13, s29, $0xb8;
	[tilespmem:$0x1E800] =	vst v63  }
0x57: {  	_ =	swait.ge [sflag:s25], $0x4000  }
0x58: {  	[sflag:s25] =	ssyncset.done $0x0  }
0x59: {  	s10 =	simm.s32 $0x300;
	[sflag:s25] =	ssyncadd.s32 $0xFFFFC000  }
0x5a: {  	[tilespmem:s31], [sflag:$0x4] =	stream.indirect.gather [hbm4b:s1+s29], $0x80, s10, s29, $0xb8;
	[tilespmem:$0x1E800] =	vst v63  }
0x5b: {  	_ =	swait.ge [sflag:s2], $0x4000  }
0x5c: {  	[sflag:s2] =	ssyncset.done $0x0  }
0x5d: {  	s11 =	simm.s32 $0x280;
	[sflag:s2] =	ssyncadd.s32 $0xFFFFC000  }
0x5e: {  	[spmem:s3] =	stream.indirect.scatter.add.f32 [tilespmem:s24], [sflag:$0x5], $0x80, s11, s29, $0xb8;
	[tilespmem:$0x1E800] =	vst v63  }
0x5f: {  	_ =	swait.ge [sflag:s25], $0x4000  }
0x60: {  	[sflag:s25] =	ssyncset.done $0x0  }
0x61: {  	s12 =	simm.s32 $0x400;
	[sflag:s25] =	ssyncadd.s32 $0xFFFFC000  }
0x62: {  	[tilespmem:s24], [sflag:$0x3] =	stream.indirect.gather [hbm4b:s1+s29], $0x80, s12, s29, $0xb8;
	[tilespmem:$0x1E800] =	vst v63  }
0x63: {  	_ =	swait.ge [sflag:s5], $0x4000  }
0x64: {  	[sflag:s5] =	ssyncset.done $0x0  }
0x65: {  	s13 =	simm.s32 $0x380;
	[sflag:s5] =	ssyncadd.s32 $0xFFFFC000  }
0x66: {  	[spmem:s3] =	stream.indirect.scatter.add.f32 [tilespmem:s31], [sflag:$0x5], $0x80, s13, s29, $0xb8;
	[tilespmem:$0x1E800] =	vst v63  }
0x67: {  	_ =	swait.ge [sflag:s25], $0x4000  }
0x68: {  	[sflag:s25] =	ssyncset.done $0x0  }
0x69: {  	s10 =	simm.s32 $0x500;
	[sflag:s25] =	ssyncadd.s32 $0xFFFFC000  }
0x6a: {  	[tilespmem:s31], [sflag:$0x4] =	stream.indirect.gather [hbm4b:s1+s29], $0x80, s10, s29, $0xb8;
	[tilespmem:$0x1E800] =	vst v63  }
0x6b: {  	_ =	swait.ge [sflag:s2], $0x4000  }
0x6c: {  	[sflag:s2] =	ssyncset.done $0x0  }
0x6d: {  	s11 =	simm.s32 $0x480;
	[sflag:s2] =	ssyncadd.s32 $0xFFFFC000  }
0x6e: {  	[spmem:s3] =	stream.indirect.scatter.add.f32 [tilespmem:s24], [sflag:$0x5], $0x80, s11, s29, $0xb8;
	[tilespmem:$0x1E800] =	vst v63  }
0x6f: {  	_ =	swait.ge [sflag:s25], $0x4000  }
0x70: {  	[sflag:s25] =	ssyncset.done $0x0  }
0x71: {  	s12 =	simm.s32 $0x600;
	[sflag:s25] =	ssyncadd.s32 $0xFFFFC000  }
0x72: {  	[tilespmem:s24], [sflag:$0x3] =	stream.indirect.gather [hbm4b:s1+s29], $0x80, s12, s29, $0xb8;
	[tilespmem:$0x1E800] =	vst v63  }
0x73: {  	_ =	swait.ge [sflag:s5], $0x4000  }
0x74: {  	[sflag:s5] =	ssyncset.done $0x0  }
0x75: {  	s13 =	simm.s32 $0x580;
	[sflag:s5] =	ssyncadd.s32 $0xFFFFC000  }
0x76: {  	[spmem:s3] =	stream.indirect.scatter.add.f32 [tilespmem:s31], [sflag:$0x5], $0x80, s13, s29, $0xb8;
	[tilespmem:$0x1E800] =	vst v63  }
0x77: {  	_ =	swait.ge [sflag:s25], $0x4000  }
0x78: {  	[sflag:s25] =	ssyncset.done $0x0  }
0x79: {  	s10 =	simm.s32 $0x700;
	[sflag:s25] =	ssyncadd.s32 $0xFFFFC000  }
0x7a: {  	[tilespmem:s31], [sflag:$0x4] =	stream.indirect.gather [hbm4b:s1+s29], $0x80, s10, s29, $0xb8;
	[tilespmem:$0x1E800] =	vst v63  }
0x7b: {  	_ =	swait.ge [sflag:s2], $0x4000  }
0x7c: {  	[sflag:s2] =	ssyncset.done $0x0  }
0x7d: {  	s11 =	simm.s32 $0x680;
	[sflag:s2] =	ssyncadd.s32 $0xFFFFC000  }
0x7e: {  	[spmem:s3] =	stream.indirect.scatter.add.f32 [tilespmem:s24], [sflag:$0x5], $0x80, s11, s29, $0xb8;
	[tilespmem:$0x1E800] =	vst v63  }
0x7f: {  	_ =	swait.ge [sflag:s25], $0x4000  }
0x80: {  	[sflag:s25] =	ssyncset.done $0x0  }
0x81: {  	s12 =	simm.s32 $0x800;
	[sflag:s25] =	ssyncadd.s32 $0xFFFFC000  }
0x82: {  	[tilespmem:s24], [sflag:$0x3] =	stream.indirect.gather [hbm4b:s1+s29], $0x80, s12, s29, $0xb8;
	[tilespmem:$0x1E800] =	vst v63  }
0x83: {  	_ =	swait.ge [sflag:s5], $0x4000  }
0x84: {  	[sflag:s5] =	ssyncset.done $0x0  }
0x85: {  	s13 =	simm.s32 $0x780;
	[sflag:s5] =	ssyncadd.s32 $0xFFFFC000  }
0x86: {  	[spmem:s3] =	stream.indirect.scatter.add.f32 [tilespmem:s31], [sflag:$0x5], $0x80, s13, s29, $0xb8;
	[tilespmem:$0x1E800] =	vst v63  }
0x87: {  	_ =	swait.ge [sflag:s25], $0x4000  }
0x88: {  	[sflag:s25] =	ssyncset.done $0x0  }
0x89: {  	s10 =	simm.s32 $0x900;
	[sflag:s25] =	ssyncadd.s32 $0xFFFFC000  }
0x8a: {  	[tilespmem:s31], [sflag:$0x4] =	stream.indirect.gather [hbm4b:s1+s29], $0x80, s10, s29, $0xb8;
	[tilespmem:$0x1E800] =	vst v63  }
0x8b: {  	_ =	swait.ge [sflag:s2], $0x4000  }
0x8c: {  	[sflag:s2] =	ssyncset.done $0x0  }
0x8d: {  	s11 =	simm.s32 $0x880;
	[sflag:s2] =	ssyncadd.s32 $0xFFFFC000  }
0x8e: {  	[spmem:s3] =	stream.indirect.scatter.add.f32 [tilespmem:s24], [sflag:$0x5], $0x80, s11, s29, $0xb8;
	[tilespmem:$0x1E800] =	vst v63  }
0x8f: {  	_ =	swait.ge [sflag:s25], $0x4000  }
0x90: {  	[sflag:s25] =	ssyncset.done $0x0  }
0x91: {  	s12 =	simm.s32 $0xA00;
	[sflag:s25] =	ssyncadd.s32 $0xFFFFC000  }
0x92: {  	[tilespmem:s24], [sflag:$0x3] =	stream.indirect.gather [hbm4b:s1+s29], $0x80, s12, s29, $0xb8;
	[tilespmem:$0x1E800] =	vst v63  }
0x93: {  	_ =	swait.ge [sflag:s5], $0x4000  }
0x94: {  	[sflag:s5] =	ssyncset.done $0x0  }
0x95: {  	s13 =	simm.s32 $0x980;
	[sflag:s5] =	ssyncadd.s32 $0xFFFFC000  }
0x96: {  	[spmem:s3] =	stream.indirect.scatter.add.f32 [tilespmem:s31], [sflag:$0x5], $0x80, s13, s29, $0xb8;
	[tilespmem:$0x1E800] =	vst v63  }
0x97: {  	_ =	swait.ge [sflag:s25], $0x4000  }
0x98: {  	[sflag:s25] =	ssyncset.done $0x0  }
0x99: {  	s10 =	simm.s32 $0xB00;
	[sflag:s25] =	ssyncadd.s32 $0xFFFFC000  }
0x9a: {  	[tilespmem:s31], [sflag:$0x4] =	stream.indirect.gather [hbm4b:s1+s29], $0x80, s10, s29, $0xb8;
	[tilespmem:$0x1E800] =	vst v63  }
0x9b: {  	_ =	swait.ge [sflag:s2], $0x4000  }
0x9c: {  	[sflag:s2] =	ssyncset.done $0x0  }
0x9d: {  	s11 =	simm.s32 $0xA80;
	[sflag:s2] =	ssyncadd.s32 $0xFFFFC000  }
0x9e: {  	[spmem:s3] =	stream.indirect.scatter.add.f32 [tilespmem:s24], [sflag:$0x5], $0x80, s11, s29, $0xb8;
	[tilespmem:$0x1E800] =	vst v63  }
0x9f: {  	_ =	swait.ge [sflag:s25], $0x4000  }
0xa0: {  	[sflag:s25] =	ssyncset.done $0x0  }
0xa1: {  	s12 =	simm.s32 $0xC00;
	[sflag:s25] =	ssyncadd.s32 $0xFFFFC000  }
0xa2: {  	[tilespmem:s24], [sflag:$0x3] =	stream.indirect.gather [hbm4b:s1+s29], $0x80, s12, s29, $0xb8;
	[tilespmem:$0x1E800] =	vst v63  }
0xa3: {  	_ =	swait.ge [sflag:s5], $0x4000  }
0xa4: {  	[sflag:s5] =	ssyncset.done $0x0  }
0xa5: {  	s13 =	simm.s32 $0xB80;
	[sflag:s5] =	ssyncadd.s32 $0xFFFFC000  }
0xa6: {  	[spmem:s3] =	stream.indirect.scatter.add.f32 [tilespmem:s31], [sflag:$0x5], $0x80, s13, s29, $0xb8;
	[tilespmem:$0x1E800] =	vst v63  }
0xa7: {  	_ =	swait.ge [sflag:s25], $0x4000  }
0xa8: {  	[sflag:s25] =	ssyncset.done $0x0  }
0xa9: {  	s10 =	simm.s32 $0xD00;
	[sflag:s25] =	ssyncadd.s32 $0xFFFFC000  }
0xaa: {  	[tilespmem:s31], [sflag:$0x4] =	stream.indirect.gather [hbm4b:s1+s29], $0x80, s10, s29, $0xb8;
	[tilespmem:$0x1E800] =	vst v63  }
0xab: {  	_ =	swait.ge [sflag:s2], $0x4000  }
0xac: {  	[sflag:s2] =	ssyncset.done $0x0  }
0xad: {  	s11 =	simm.s32 $0xC80;
	[sflag:s2] =	ssyncadd.s32 $0xFFFFC000  }
0xae: {  	[spmem:s3] =	stream.indirect.scatter.add.f32 [tilespmem:s24], [sflag:$0x5], $0x80, s11, s29, $0xb8;
	[tilespmem:$0x1E800] =	vst v63  }
0xaf: {  	_ =	swait.ge [sflag:s25], $0x4000  }
0xb0: {  	[sflag:s25] =	ssyncset.done $0x0  }
0xb1: {  	s12 =	simm.s32 $0xE00;
	[sflag:s25] =	ssyncadd.s32 $0xFFFFC000  }
0xb2: {  	[tilespmem:s24], [sflag:$0x3] =	stream.indirect.gather [hbm4b:s1+s29], $0x80, s12, s29, $0xb8;
	[tilespmem:$0x1E800] =	vst v63  }
0xb3: {  	_ =	swait.ge [sflag:s5], $0x4000  }
0xb4: {  	[sflag:s5] =	ssyncset.done $0x0  }
0xb5: {  	s13 =	simm.s32 $0xD80;
	[sflag:s5] =	ssyncadd.s32 $0xFFFFC000  }
0xb6: {  	[spmem:s3] =	stream.indirect.scatter.add.f32 [tilespmem:s31], [sflag:$0x5], $0x80, s13, s29, $0xb8;
	[tilespmem:$0x1E800] =	vst v63  }
0xb7: {  	_ =	swait.ge [sflag:s25], $0x4000  }
0xb8: {  	[sflag:s25] =	ssyncset.done $0x0  }
0xb9: {  	s10 =	simm.s32 $0xF00;
	[sflag:s25] =	ssyncadd.s32 $0xFFFFC000  }
0xba: {  	[tilespmem:s31], [sflag:$0x4] =	stream.indirect.gather [hbm4b:s1+s29], $0x80, s10, s29, $0xb8;
	[tilespmem:$0x1E800] =	vst v63  }
0xbb: {  	_ =	swait.ge [sflag:s2], $0x4000  }
0xbc: {  	[sflag:s2] =	ssyncset.done $0x0  }
0xbd: {  	s11 =	simm.s32 $0xE80;
	[sflag:s2] =	ssyncadd.s32 $0xFFFFC000  }
0xbe: {  	[spmem:s3] =	stream.indirect.scatter.add.f32 [tilespmem:s24], [sflag:$0x5], $0x80, s11, s29, $0xb8;
	[tilespmem:$0x1E800] =	vst v63  }
0xbf: {  	_ =	swait.ge [sflag:s25], $0x4000  }
0xc0: {  	[sflag:s25] =	ssyncset.done $0x0  }
0xc1: {  	s12 =	simm.s32 $0x1000;
	[sflag:s25] =	ssyncadd.s32 $0xFFFFC000  }
0xc2: {  	[tilespmem:s24], [sflag:$0x3] =	stream.indirect.gather [hbm4b:s1+s29], $0x80, s12, s29, $0xb8;
	[tilespmem:$0x1E800] =	vst v63  }
0xc3: {  	_ =	swait.ge [sflag:s5], $0x4000  }
0xc4: {  	[sflag:s5] =	ssyncset.done $0x0  }
0xc5: {  	s13 =	simm.s32 $0xF80;
	[sflag:s5] =	ssyncadd.s32 $0xFFFFC000  }
0xc6: {  	[spmem:s3] =	stream.indirect.scatter.add.f32 [tilespmem:s31], [sflag:$0x5], $0x80, s13, s29, $0xb8;
	[tilespmem:$0x1E800] =	vst v63  }
0xc7: {  	_ =	swait.ge [sflag:s25], $0x4000  }
0xc8: {  	[sflag:s25] =	ssyncset.done $0x0  }
0xc9: {  	s10 =	simm.s32 $0x1100;
	[sflag:s25] =	ssyncadd.s32 $0xFFFFC000  }
0xca: {  	[tilespmem:s31], [sflag:$0x4] =	stream.indirect.gather [hbm4b:s1+s29], $0x80, s10, s29, $0xb8;
	[tilespmem:$0x1E800] =	vst v63  }
0xcb: {  	_ =	swait.ge [sflag:s2], $0x4000  }
0xcc: {  	[sflag:s2] =	ssyncset.done $0x0  }
0xcd: {  	s11 =	simm.s32 $0x1080;
	[sflag:s2] =	ssyncadd.s32 $0xFFFFC000  }
0xce: {  	[spmem:s3] =	stream.indirect.scatter.add.f32 [tilespmem:s24], [sflag:$0x5], $0x80, s11, s29, $0xb8;
	[tilespmem:$0x1E800] =	vst v63  }
0xcf: {  	_ =	swait.ge [sflag:s25], $0x4000  }
0xd0: {  	[sflag:s25] =	ssyncset.done $0x0  }
0xd1: {  	s12 =	simm.s32 $0x1200;
	[sflag:s25] =	ssyncadd.s32 $0xFFFFC000  }
0xd2: {  	[tilespmem:s24], [sflag:$0x3] =	stream.indirect.gather [hbm4b:s1+s29], $0x80, s12, s29, $0xb8;
	[tilespmem:$0x1E800] =	vst v63  }
0xd3: {  	_ =	swait.ge [sflag:s5], $0x4000  }
0xd4: {  	[sflag:s5] =	ssyncset.done $0x0  }
0xd5: {  	s13 =	simm.s32 $0x1180;
	[sflag:s5] =	ssyncadd.s32 $0xFFFFC000  }
0xd6: {  	[spmem:s3] =	stream.indirect.scatter.add.f32 [tilespmem:s31], [sflag:$0x5], $0x80, s13, s29, $0xb8;
	[tilespmem:$0x1E800] =	vst v63  }
0xd7: {  	_ =	swait.ge [sflag:s25], $0x4000  }
0xd8: {  	[sflag:s25] =	ssyncset.done $0x0  }
0xd9: {  	s10 =	simm.s32 $0x1300;
	[sflag:s25] =	ssyncadd.s32 $0xFFFFC000  }
0xda: {  	[tilespmem:s31], [sflag:$0x4] =	stream.indirect.gather [hbm4b:s1+s29], $0x80, s10, s29, $0xb8;
	[tilespmem:$0x1E800] =	vst v63  }
0xdb: {  	_ =	swait.ge [sflag:s2], $0x4000  }
0xdc: {  	[sflag:s2] =	ssyncset.done $0x0  }
0xdd: {  	s11 =	simm.s32 $0x1280;
	[sflag:s2] =	ssyncadd.s32 $0xFFFFC000  }
0xde: {  	[spmem:s3] =	stream.indirect.scatter.add.f32 [tilespmem:s24], [sflag:$0x5], $0x80, s11, s29, $0xb8;
	[tilespmem:$0x1E800] =	vst v63  }
0xdf: {  	_ =	swait.ge [sflag:s25], $0x4000  }
0xe0: {  	[sflag:s25] =	ssyncset.done $0x0  }
0xe1: {  	[sflag:s25] =	ssyncadd.s32 $0xFFFFC000  }
0xe2: {  	_ =	swait.ge [sflag:s5], $0x4000  }
0xe3: {  	[sflag:s5] =	ssyncset.done $0x0  }
0xe4: {  	s12 =	simm.s32 $0x1380;
	[sflag:s5] =	ssyncadd.s32 $0xFFFFC000  }
0xe5: {  	[spmem:s3] =	stream.indirect.scatter.add.f32 [tilespmem:s31], [sflag:$0x5], $0x80, s12, s29, $0xb8;
	[tilespmem:$0x1E800] =	vst v63  }
0xe6: {  	_ =	swait.ge [sflag:s25], $0x4000  }
0xe7: {  	[sflag:s25] =	ssyncset.done $0x0  }
0xe8: {  	s0 =	simm.s32 $0x2;
	[sflag:s25] =	ssyncadd.s32 $0xFFFFC000  }
0xe9: {  	_ =	swait.ge [sflag:s0], $0x1400  }
0xea: {  	[sflag:s0] =	ssyncset.done $0x0  }
0xeb: {  	s13 =	rddreg [dreg:$0x6];
	[sflag:s0] =	ssyncadd.s32 $0xFFFFEC00  }
0xec: {  	[tilespmem:s4], [sflag:$0x1] =	stream.linear.gather [hbm4b:s13+s4], $0x1400, $0x38;
	[tilespmem:$0x1E800] =	vst v63  }
0xed: {  	_ = 	snop  }
0xee: {  	[tilespmem:s24], [sflag:$0x3] =	stream.indirect.gather [hbm4b:s1+s29], $0x80, s6, s29, $0xb8;
	[tilespmem:$0x1E800] =	vst v63  }
0xef: {  	_ = 	snop  }
0xf0: {  	[tilespmem:s31], [sflag:$0x4] =	stream.indirect.gather [hbm4b:s1+s29], $0x80, s7, s29, $0xb8;
	[tilespmem:$0x1E800] =	vst v63  }
0xf1: {  	_ =	swait.ge [sflag:s2], $0x4000  }
0xf2: {  	[sflag:s2] =	ssyncset.done $0x0  }
0xf3: {  	[sflag:s2] =	ssyncadd.s32 $0xFFFFC000  }
0xf4: {  	[spmem:s3] =	stream.indirect.scatter.add.f32 [tilespmem:s24], [sflag:$0x5], $0x80, s8, s29, $0xb8;
	[tilespmem:$0x1E800] =	vst v63  }
0xf5: {  	_ =	swait.ge [sflag:s25], $0x4000  }
0xf6: {  	[sflag:s25] =	ssyncset.done $0x0  }
0xf7: {  	[sflag:s25] =	ssyncadd.s32 $0xFFFFC000  }
0xf8: {  	[tilespmem:s24], [sflag:$0x3] =	stream.indirect.gather [hbm4b:s1+s29], $0x80, s9, s29, $0xb8;
	[tilespmem:$0x1E800] =	vst v63  }
0xf9: {  	_ =	swait.ge [sflag:s5], $0x4000  }
0xfa: {  	[sflag:s5] =	ssyncset.done $0x0  }
0xfb: {  	s11 =	simm.s32 $0x1580;
	[sflag:s5] =	ssyncadd.s32 $0xFFFFC000  }
0xfc: {  	[spmem:s3] =	stream.indirect.scatter.add.f32 [tilespmem:s31], [sflag:$0x5], $0x80, s11, s29, $0xb8;
	[tilespmem:$0x1E800] =	vst v63  }
0xfd: {  	_ =	swait.ge [sflag:s25], $0x4000  }
0xfe: {  	[sflag:s25] =	ssyncset.done $0x0  }
0xff: {  	s12 =	simm.s32 $0x1700;
	[sflag:s25] =	ssyncadd.s32 $0xFFFFC000  }
0x100: {  	[tilespmem:s31], [sflag:$0x4] =	stream.indirect.gather [hbm4b:s1+s29], $0x80, s12, s29, $0xb8;
	[tilespmem:$0x1E800] =	vst v63  }
0x101: {  	_ =	swait.ge [sflag:s2], $0x4000  }
0x102: {  	[sflag:s2] =	ssyncset.done $0x0  }
0x103: {  	s13 =	simm.s32 $0x1680;
	[sflag:s2] =	ssyncadd.s32 $0xFFFFC000  }
0x104: {  	[spmem:s3] =	stream.indirect.scatter.add.f32 [tilespmem:s24], [sflag:$0x5], $0x80, s13, s29, $0xb8;
	[tilespmem:$0x1E800] =	vst v63  }
0x105: {  	_ =	swait.ge [sflag:s25], $0x4000  }
0x106: {  	[sflag:s25] =	ssyncset.done $0x0  }
0x107: {  	[sflag:s25] =	ssyncadd.s32 $0xFFFFC000  }
0x108: {  	[tilespmem:s24], [sflag:$0x3] =	stream.indirect.gather [hbm4b:s1+s29], $0x80, s14, s29, $0xb8;
	[tilespmem:$0x1E800] =	vst v63  }
0x109: {  	_ =	swait.ge [sflag:s5], $0x4000  }
0x10a: {  	[sflag:s5] =	ssyncset.done $0x0  }
0x10b: {  	[sflag:s5] =	ssyncadd.s32 $0xFFFFC000  }
0x10c: {  	[spmem:s3] =	stream.indirect.scatter.add.f32 [tilespmem:s31], [sflag:$0x5], $0x80, s15, s29, $0xb8;
	[tilespmem:$0x1E800] =	vst v63  }
0x10d: {  	_ =	swait.ge [sflag:s25], $0x4000  }
0x10e: {  	[sflag:s25] =	ssyncset.done $0x0  }
0x10f: {  	[sflag:s25] =	ssyncadd.s32 $0xFFFFC000  }
0x110: {  	[tilespmem:s31], [sflag:$0x4] =	stream.indirect.gather [hbm4b:s1+s29], $0x80, s16, s29, $0xb8;
	[tilespmem:$0x1E800] =	vst v63  }
0x111: {  	_ =	swait.ge [sflag:s2], $0x4000  }
0x112: {  	[sflag:s2] =	ssyncset.done $0x0  }
0x113: {  	[sflag:s2] =	ssyncadd.s32 $0xFFFFC000  }
0x114: {  	[spmem:s3] =	stream.indirect.scatter.add.f32 [tilespmem:s24], [sflag:$0x5], $0x80, s17, s29, $0xb8;
	[tilespmem:$0x1E800] =	vst v63  }
0x115: {  	_ =	swait.ge [sflag:s25], $0x4000  }
0x116: {  	[sflag:s25] =	ssyncset.done $0x0  }
0x117: {  	[sflag:s25] =	ssyncadd.s32 $0xFFFFC000  }
0x118: {  	[tilespmem:s24], [sflag:$0x3] =	stream.indirect.gather [hbm4b:s1+s29], $0x80, s18, s29, $0xb8;
	[tilespmem:$0x1E800] =	vst v63  }
0x119: {  	_ =	swait.ge [sflag:s5], $0x4000  }
0x11a: {  	[sflag:s5] =	ssyncset.done $0x0  }
0x11b: {  	[sflag:s5] =	ssyncadd.s32 $0xFFFFC000  }
0x11c: {  	[spmem:s3] =	stream.indirect.scatter.add.f32 [tilespmem:s31], [sflag:$0x5], $0x80, s19, s29, $0xb8;
	[tilespmem:$0x1E800] =	vst v63  }
0x11d: {  	_ =	swait.ge [sflag:s25], $0x4000  }
0x11e: {  	[sflag:s25] =	ssyncset.done $0x0  }
0x11f: {  	[sflag:s25] =	ssyncadd.s32 $0xFFFFC000  }
0x120: {  	[tilespmem:s31], [sflag:$0x4] =	stream.indirect.gather [hbm4b:s1+s29], $0x80, s20, s29, $0xb8;
	[tilespmem:$0x1E800] =	vst v63  }
0x121: {  	_ =	swait.ge [sflag:s2], $0x4000  }
0x122: {  	[sflag:s2] =	ssyncset.done $0x0  }
0x123: {  	[sflag:s2] =	ssyncadd.s32 $0xFFFFC000  }
0x124: {  	[spmem:s3] =	stream.indirect.scatter.add.f32 [tilespmem:s24], [sflag:$0x5], $0x80, s22, s29, $0xb8;
	[tilespmem:$0x1E800] =	vst v63  }
0x125: {  	_ =	swait.ge [sflag:s25], $0x4000  }
0x126: {  	[sflag:s25] =	ssyncset.done $0x0  }
0x127: {  	[sflag:s25] =	ssyncadd.s32 $0xFFFFC000  }
0x128: {  	[tilespmem:s24], [sflag:$0x3] =	stream.indirect.gather [hbm4b:s1+s29], $0x80, s28, s29, $0xb8;
	[tilespmem:$0x1E800] =	vst v63  }
0x129: {  	_ =	swait.ge [sflag:s5], $0x4000  }
0x12a: {  	[sflag:s5] =	ssyncset.done $0x0  }
0x12b: {  	[sflag:s5] =	ssyncadd.s32 $0xFFFFC000  }
0x12c: {  	[spmem:s3] =	stream.indirect.scatter.add.f32 [tilespmem:s31], [sflag:$0x5], $0x80, s30, s29, $0xb8;
	[tilespmem:$0x1E800] =	vst v63  }
0x12d: {  	_ =	swait.ge [sflag:s25], $0x4000  }
0x12e: {  	[sflag:s25] =	ssyncset.done $0x0  }
0x12f: {  	s10 =	simm.s32 $0x1D00;
	[sflag:s25] =	ssyncadd.s32 $0xFFFFC000  }
0x130: {  	[tilespmem:s31], [sflag:$0x4] =	stream.indirect.gather [hbm4b:s1+s29], $0x80, s10, s29, $0xb8;
	[tilespmem:$0x1E800] =	vst v63  }
0x131: {  	_ =	swait.ge [sflag:s2], $0x4000  }
0x132: {  	[sflag:s2] =	ssyncset.done $0x0  }
0x133: {  	s10 =	simm.s32 $0x1C80;
	[sflag:s2] =	ssyncadd.s32 $0xFFFFC000  }
0x134: {  	[spmem:s3] =	stream.indirect.scatter.add.f32 [tilespmem:s24], [sflag:$0x5], $0x80, s10, s29, $0xb8;
	[tilespmem:$0x1E800] =	vst v63  }
0x135: {  	_ =	swait.ge [sflag:s25], $0x4000  }
0x136: {  	[sflag:s25] =	ssyncset.done $0x0  }
0x137: {  	s10 =	simm.s32 $0x1E00;
	[sflag:s25] =	ssyncadd.s32 $0xFFFFC000  }
0x138: {  	[tilespmem:s24], [sflag:$0x3] =	stream.indirect.gather [hbm4b:s1+s29], $0x80, s10, s29, $0xb8;
	[tilespmem:$0x1E800] =	vst v63  }
0x139: {  	_ =	swait.ge [sflag:s5], $0x4000  }
0x13a: {  	[sflag:s5] =	ssyncset.done $0x0  }
0x13b: {  	s10 =	simm.s32 $0x1D80;
	[sflag:s5] =	ssyncadd.s32 $0xFFFFC000  }
0x13c: {  	[spmem:s3] =	stream.indirect.scatter.add.f32 [tilespmem:s31], [sflag:$0x5], $0x80, s10, s29, $0xb8;
	[tilespmem:$0x1E800] =	vst v63  }
0x13d: {  	_ =	swait.ge [sflag:s25], $0x4000  }
0x13e: {  	[sflag:s25] =	ssyncset.done $0x0  }
0x13f: {  	s10 =	simm.s32 $0x1F00;
	[sflag:s25] =	ssyncadd.s32 $0xFFFFC000  }
0x140: {  	[tilespmem:s31], [sflag:$0x4] =	stream.indirect.gather [hbm4b:s1+s29], $0x80, s10, s29, $0xb8;
	[tilespmem:$0x1E800] =	vst v63  }
0x141: {  	_ =	swait.ge [sflag:s2], $0x4000  }
0x142: {  	[sflag:s2] =	ssyncset.done $0x0  }
0x143: {  	s10 =	simm.s32 $0x1E80;
	[sflag:s2] =	ssyncadd.s32 $0xFFFFC000  }
0x144: {  	[spmem:s3] =	stream.indirect.scatter.add.f32 [tilespmem:s24], [sflag:$0x5], $0x80, s10, s29, $0xb8;
	[tilespmem:$0x1E800] =	vst v63  }
0x145: {  	_ =	swait.ge [sflag:s25], $0x4000  }
0x146: {  	[sflag:s25] =	ssyncset.done $0x0  }
0x147: {  	s10 =	simm.s32 $0x2000;
	[sflag:s25] =	ssyncadd.s32 $0xFFFFC000  }
0x148: {  	[tilespmem:s24], [sflag:$0x3] =	stream.indirect.gather [hbm4b:s1+s29], $0x80, s10, s29, $0xb8;
	[tilespmem:$0x1E800] =	vst v63  }
0x149: {  	_ =	swait.ge [sflag:s5], $0x4000  }
0x14a: {  	[sflag:s5] =	ssyncset.done $0x0  }
0x14b: {  	s10 =	simm.s32 $0x1F80;
	[sflag:s5] =	ssyncadd.s32 $0xFFFFC000  }
0x14c: {  	[spmem:s3] =	stream.indirect.scatter.add.f32 [tilespmem:s31], [sflag:$0x5], $0x80, s10, s29, $0xb8;
	[tilespmem:$0x1E800] =	vst v63  }
0x14d: {  	_ =	swait.ge [sflag:s25], $0x4000  }
0x14e: {  	[sflag:s25] =	ssyncset.done $0x0  }
0x14f: {  	s10 =	simm.s32 $0x2100;
	[sflag:s25] =	ssyncadd.s32 $0xFFFFC000  }
0x150: {  	[tilespmem:s31], [sflag:$0x4] =	stream.indirect.gather [hbm4b:s1+s29], $0x80, s10, s29, $0xb8;
	[tilespmem:$0x1E800] =	vst v63  }
0x151: {  	_ =	swait.ge [sflag:s2], $0x4000  }
0x152: {  	[sflag:s2] =	ssyncset.done $0x0  }
0x153: {  	s10 =	simm.s32 $0x2080;
	[sflag:s2] =	ssyncadd.s32 $0xFFFFC000  }
0x154: {  	[spmem:s3] =	stream.indirect.scatter.add.f32 [tilespmem:s24], [sflag:$0x5], $0x80, s10, s29, $0xb8;
	[tilespmem:$0x1E800] =	vst v63  }
0x155: {  	_ =	swait.ge [sflag:s25], $0x4000  }
0x156: {  	[sflag:s25] =	ssyncset.done $0x0  }
0x157: {  	s10 =	simm.s32 $0x2200;
	[sflag:s25] =	ssyncadd.s32 $0xFFFFC000  }
0x158: {  	[tilespmem:s24], [sflag:$0x3] =	stream.indirect.gather [hbm4b:s1+s29], $0x80, s10, s29, $0xb8;
	[tilespmem:$0x1E800] =	vst v63  }
0x159: {  	_ =	swait.ge [sflag:s5], $0x4000  }
0x15a: {  	[sflag:s5] =	ssyncset.done $0x0  }
0x15b: {  	s10 =	simm.s32 $0x2180;
	[sflag:s5] =	ssyncadd.s32 $0xFFFFC000  }
0x15c: {  	[spmem:s3] =	stream.indirect.scatter.add.f32 [tilespmem:s31], [sflag:$0x5], $0x80, s10, s29, $0xb8;
	[tilespmem:$0x1E800] =	vst v63  }
0x15d: {  	_ =	swait.ge [sflag:s25], $0x4000  }
0x15e: {  	[sflag:s25] =	ssyncset.done $0x0  }
0x15f: {  	s10 =	simm.s32 $0x2300;
	[sflag:s25] =	ssyncadd.s32 $0xFFFFC000  }
0x160: {  	[tilespmem:s31], [sflag:$0x4] =	stream.indirect.gather [hbm4b:s1+s29], $0x80, s10, s29, $0xb8;
	[tilespmem:$0x1E800] =	vst v63  }
0x161: {  	_ =	swait.ge [sflag:s2], $0x4000  }
0x162: {  	[sflag:s2] =	ssyncset.done $0x0  }
0x163: {  	s10 =	simm.s32 $0x2280;
	[sflag:s2] =	ssyncadd.s32 $0xFFFFC000  }
0x164: {  	[spmem:s3] =	stream.indirect.scatter.add.f32 [tilespmem:s24], [sflag:$0x5], $0x80, s10, s29, $0xb8;
	[tilespmem:$0x1E800] =	vst v63  }
0x165: {  	_ =	swait.ge [sflag:s25], $0x4000  }
0x166: {  	[sflag:s25] =	ssyncset.done $0x0  }
0x167: {  	s10 =	simm.s32 $0x2400;
	[sflag:s25] =	ssyncadd.s32 $0xFFFFC000  }
0x168: {  	[tilespmem:s24], [sflag:$0x3] =	stream.indirect.gather [hbm4b:s1+s29], $0x80, s10, s29, $0xb8;
	[tilespmem:$0x1E800] =	vst v63  }
0x169: {  	_ =	swait.ge [sflag:s5], $0x4000  }
0x16a: {  	[sflag:s5] =	ssyncset.done $0x0  }
0x16b: {  	s10 =	simm.s32 $0x2380;
	[sflag:s5] =	ssyncadd.s32 $0xFFFFC000  }
0x16c: {  	[spmem:s3] =	stream.indirect.scatter.add.f32 [tilespmem:s31], [sflag:$0x5], $0x80, s10, s29, $0xb8;
	[tilespmem:$0x1E800] =	vst v63  }
0x16d: {  	_ =	swait.ge [sflag:s25], $0x4000  }
0x16e: {  	[sflag:s25] =	ssyncset.done $0x0  }
0x16f: {  	s10 =	simm.s32 $0x2500;
	[sflag:s25] =	ssyncadd.s32 $0xFFFFC000  }
0x170: {  	[tilespmem:s31], [sflag:$0x4] =	stream.indirect.gather [hbm4b:s1+s29], $0x80, s10, s29, $0xb8;
	[tilespmem:$0x1E800] =	vst v63  }
0x171: {  	_ =	swait.ge [sflag:s2], $0x4000  }
0x172: {  	[sflag:s2] =	ssyncset.done $0x0  }
0x173: {  	s10 =	simm.s32 $0x2480;
	[sflag:s2] =	ssyncadd.s32 $0xFFFFC000  }
0x174: {  	[spmem:s3] =	stream.indirect.scatter.add.f32 [tilespmem:s24], [sflag:$0x5], $0x80, s10, s29, $0xb8;
	[tilespmem:$0x1E800] =	vst v63  }
0x175: {  	_ =	swait.ge [sflag:s25], $0x4000  }
0x176: {  	[sflag:s25] =	ssyncset.done $0x0  }
0x177: {  	s10 =	simm.s32 $0x2600;
	[sflag:s25] =	ssyncadd.s32 $0xFFFFC000  }
0x178: {  	[tilespmem:s24], [sflag:$0x3] =	stream.indirect.gather [hbm4b:s1+s29], $0x80, s10, s29, $0xb8;
	[tilespmem:$0x1E800] =	vst v63  }
0x179: {  	_ =	swait.ge [sflag:s5], $0x4000  }
0x17a: {  	[sflag:s5] =	ssyncset.done $0x0  }
0x17b: {  	s10 =	simm.s32 $0x2580;
	[sflag:s5] =	ssyncadd.s32 $0xFFFFC000  }
0x17c: {  	[spmem:s3] =	stream.indirect.scatter.add.f32 [tilespmem:s31], [sflag:$0x5], $0x80, s10, s29, $0xb8;
	[tilespmem:$0x1E800] =	vst v63  }
0x17d: {  	_ =	swait.ge [sflag:s25], $0x4000  }
0x17e: {  	[sflag:s25] =	ssyncset.done $0x0  }
0x17f: {  	s10 =	simm.s32 $0x2700;
	[sflag:s25] =	ssyncadd.s32 $0xFFFFC000  }
0x180: {  	[tilespmem:s31], [sflag:$0x4] =	stream.indirect.gather [hbm4b:s1+s29], $0x80, s10, s29, $0xb8;
	[tilespmem:$0x1E800] =	vst v63  }
0x181: {  	_ =	swait.ge [sflag:s2], $0x4000  }
0x182: {  	[sflag:s2] =	ssyncset.done $0x0  }
0x183: {  	s10 =	simm.s32 $0x2680;
	[sflag:s2] =	ssyncadd.s32 $0xFFFFC000  }
0x184: {  	[spmem:s3] =	stream.indirect.scatter.add.f32 [tilespmem:s24], [sflag:$0x5], $0x80, s10, s29, $0xb8;
	[tilespmem:$0x1E800] =	vst v63  }
0x185: {  	_ =	swait.ge [sflag:s25], $0x4000  }
0x186: {  	[sflag:s25] =	ssyncset.done $0x0  }
0x187: {  	[sflag:s25] =	ssyncadd.s32 $0xFFFFC000  }
0x188: {  	_ =	swait.ge [sflag:s5], $0x4000  }
0x189: {  	[sflag:s5] =	ssyncset.done $0x0  }
0x18a: {  	s10 =	simm.s32 $0x2780;
	[sflag:s5] =	ssyncadd.s32 $0xFFFFC000  }
0x18b: {  	[spmem:s3] =	stream.indirect.scatter.add.f32 [tilespmem:s31], [sflag:$0x5], $0x80, s10, s29, $0xb8;
	[tilespmem:$0x1E800] =	vst v63  }
0x18c: {  	_ =	swait.ge [sflag:s25], $0x4000  }
0x18d: {  	[sflag:s25] =	ssyncset.done $0x0  }
0x18e: {  	[sflag:s25] =	ssyncadd.s32 $0xFFFFC000  }
0x18f: {  	_ =	swait.ge [sflag:s21], $0x1400  }
0x190: {  	[sflag:s21] =	ssyncset.done $0x0  }
0x191: {  	s10 =	rddreg [dreg:$0x7];
	[sflag:s21] =	ssyncadd.s32 $0xFFFFEC00  }
0x192: {  	[tilespmem:s6], [sflag:$0x2] =	stream.linear.gather [hbm4b:s10+s4], $0x1400, $0x38;
	[tilespmem:$0x1E800] =	vst v63  }
0x193: {  	_ = 	snop  }
0x194: {  	[tilespmem:s24], [sflag:$0x3] =	stream.indirect.gather [hbm4b:s1+s29], $0x80, s4, s29, $0xb8;
	[tilespmem:$0x1E800] =	vst v63  }
0x195: {  	s10 =	simm.s32 $0x100  }
0x196: {  	[tilespmem:s31], [sflag:$0x4] =	stream.indirect.gather [hbm4b:s1+s29], $0x80, s10, s29, $0xb8;
	[tilespmem:$0x1E800] =	vst v63  }
0x197: {  	_ =	swait.ge [sflag:s2], $0x4000  }
0x198: {  	[sflag:s2] =	ssyncset.done $0x0  }
0x199: {  	[sflag:s2] =	ssyncadd.s32 $0xFFFFC000  }
0x19a: {  	[spmem:s3] =	stream.indirect.scatter.add.f32 [tilespmem:s24], [sflag:$0x5], $0x80, s29, s29, $0xb8;
	[tilespmem:$0x1E800] =	vst v63  }
0x19b: {  	_ =	swait.ge [sflag:s25], $0x4000  }
0x19c: {  	[sflag:s25] =	ssyncset.done $0x0  }
0x19d: {  	s10 =	simm.s32 $0x200;
	[sflag:s25] =	ssyncadd.s32 $0xFFFFC000  }
0x19e: {  	[tilespmem:s24], [sflag:$0x3] =	stream.indirect.gather [hbm4b:s1+s29], $0x80, s10, s29, $0xb8;
	[tilespmem:$0x1E800] =	vst v63  }
0x19f: {  	_ =	swait.ge [sflag:s5], $0x4000  }
0x1a0: {  	[sflag:s5] =	ssyncset.done $0x0  }
0x1a1: {  	s10 =	simm.s32 $0x180;
	[sflag:s5] =	ssyncadd.s32 $0xFFFFC000  }
0x1a2: {  	[spmem:s3] =	stream.indirect.scatter.add.f32 [tilespmem:s31], [sflag:$0x5], $0x80, s10, s29, $0xb8;
	[tilespmem:$0x1E800] =	vst v63  }
0x1a3: {  	_ =	swait.ge [sflag:s25], $0x4000  }
0x1a4: {  	[sflag:s25] =	ssyncset.done $0x0  }
0x1a5: {  	s10 =	simm.s32 $0x300;
	[sflag:s25] =	ssyncadd.s32 $0xFFFFC000  }
0x1a6: {  	[tilespmem:s31], [sflag:$0x4] =	stream.indirect.gather [hbm4b:s1+s29], $0x80, s10, s29, $0xb8;
	[tilespmem:$0x1E800] =	vst v63  }
0x1a7: {  	_ =	swait.ge [sflag:s2], $0x4000  }
0x1a8: {  	[sflag:s2] =	ssyncset.done $0x0  }
0x1a9: {  	s10 =	simm.s32 $0x280;
	[sflag:s2] =	ssyncadd.s32 $0xFFFFC000  }
0x1aa: {  	[spmem:s3] =	stream.indirect.scatter.add.f32 [tilespmem:s24], [sflag:$0x5], $0x80, s10, s29, $0xb8;
	[tilespmem:$0x1E800] =	vst v63  }
0x1ab: {  	_ =	swait.ge [sflag:s25], $0x4000  }
0x1ac: {  	[sflag:s25] =	ssyncset.done $0x0  }
0x1ad: {  	s10 =	simm.s32 $0x400;
	[sflag:s25] =	ssyncadd.s32 $0xFFFFC000  }
0x1ae: {  	[tilespmem:s24], [sflag:$0x3] =	stream.indirect.gather [hbm4b:s1+s29], $0x80, s10, s29, $0xb8;
	[tilespmem:$0x1E800] =	vst v63  }
0x1af: {  	_ =	swait.ge [sflag:s5], $0x4000  }
0x1b0: {  	[sflag:s5] =	ssyncset.done $0x0  }
0x1b1: {  	s10 =	simm.s32 $0x380;
	[sflag:s5] =	ssyncadd.s32 $0xFFFFC000  }
0x1b2: {  	[spmem:s3] =	stream.indirect.scatter.add.f32 [tilespmem:s31], [sflag:$0x5], $0x80, s10, s29, $0xb8;
	[tilespmem:$0x1E800] =	vst v63  }
0x1b3: {  	_ =	swait.ge [sflag:s25], $0x4000  }
0x1b4: {  	[sflag:s25] =	ssyncset.done $0x0  }
0x1b5: {  	s10 =	simm.s32 $0x500;
	[sflag:s25] =	ssyncadd.s32 $0xFFFFC000  }
0x1b6: {  	[tilespmem:s31], [sflag:$0x4] =	stream.indirect.gather [hbm4b:s1+s29], $0x80, s10, s29, $0xb8;
	[tilespmem:$0x1E800] =	vst v63  }
0x1b7: {  	_ =	swait.ge [sflag:s2], $0x4000  }
0x1b8: {  	[sflag:s2] =	ssyncset.done $0x0  }
0x1b9: {  	s10 =	simm.s32 $0x480;
	[sflag:s2] =	ssyncadd.s32 $0xFFFFC000  }
0x1ba: {  	[spmem:s3] =	stream.indirect.scatter.add.f32 [tilespmem:s24], [sflag:$0x5], $0x80, s10, s29, $0xb8;
	[tilespmem:$0x1E800] =	vst v63  }
0x1bb: {  	_ =	swait.ge [sflag:s25], $0x4000  }
0x1bc: {  	[sflag:s25] =	ssyncset.done $0x0  }
0x1bd: {  	s10 =	simm.s32 $0x600;
	[sflag:s25] =	ssyncadd.s32 $0xFFFFC000  }
0x1be: {  	[tilespmem:s24], [sflag:$0x3] =	stream.indirect.gather [hbm4b:s1+s29], $0x80, s10, s29, $0xb8;
	[tilespmem:$0x1E800] =	vst v63  }
0x1bf: {  	_ =	swait.ge [sflag:s5], $0x4000  }
0x1c0: {  	[sflag:s5] =	ssyncset.done $0x0  }
0x1c1: {  	s10 =	simm.s32 $0x580;
	[sflag:s5] =	ssyncadd.s32 $0xFFFFC000  }
0x1c2: {  	[spmem:s3] =	stream.indirect.scatter.add.f32 [tilespmem:s31], [sflag:$0x5], $0x80, s10, s29, $0xb8;
	[tilespmem:$0x1E800] =	vst v63  }
0x1c3: {  	_ =	swait.ge [sflag:s25], $0x4000  }
0x1c4: {  	[sflag:s25] =	ssyncset.done $0x0  }
0x1c5: {  	s10 =	simm.s32 $0x700;
	[sflag:s25] =	ssyncadd.s32 $0xFFFFC000  }
0x1c6: {  	[tilespmem:s31], [sflag:$0x4] =	stream.indirect.gather [hbm4b:s1+s29], $0x80, s10, s29, $0xb8;
	[tilespmem:$0x1E800] =	vst v63  }
0x1c7: {  	_ =	swait.ge [sflag:s2], $0x4000  }
0x1c8: {  	[sflag:s2] =	ssyncset.done $0x0  }
0x1c9: {  	s10 =	simm.s32 $0x680;
	[sflag:s2] =	ssyncadd.s32 $0xFFFFC000  }
0x1ca: {  	[spmem:s3] =	stream.indirect.scatter.add.f32 [tilespmem:s24], [sflag:$0x5], $0x80, s10, s29, $0xb8;
	[tilespmem:$0x1E800] =	vst v63  }
0x1cb: {  	_ =	swait.ge [sflag:s25], $0x4000  }
0x1cc: {  	[sflag:s25] =	ssyncset.done $0x0  }
0x1cd: {  	s10 =	simm.s32 $0x800;
	[sflag:s25] =	ssyncadd.s32 $0xFFFFC000  }
0x1ce: {  	[tilespmem:s24], [sflag:$0x3] =	stream.indirect.gather [hbm4b:s1+s29], $0x80, s10, s29, $0xb8;
	[tilespmem:$0x1E800] =	vst v63  }
0x1cf: {  	_ =	swait.ge [sflag:s5], $0x4000  }
0x1d0: {  	[sflag:s5] =	ssyncset.done $0x0  }
0x1d1: {  	s10 =	simm.s32 $0x780;
	[sflag:s5] =	ssyncadd.s32 $0xFFFFC000  }
0x1d2: {  	[spmem:s3] =	stream.indirect.scatter.add.f32 [tilespmem:s31], [sflag:$0x5], $0x80, s10, s29, $0xb8;
	[tilespmem:$0x1E800] =	vst v63  }
0x1d3: {  	_ =	swait.ge [sflag:s25], $0x4000  }
0x1d4: {  	[sflag:s25] =	ssyncset.done $0x0  }
0x1d5: {  	s10 =	simm.s32 $0x900;
	[sflag:s25] =	ssyncadd.s32 $0xFFFFC000  }
0x1d6: {  	[tilespmem:s31], [sflag:$0x4] =	stream.indirect.gather [hbm4b:s1+s29], $0x80, s10, s29, $0xb8;
	[tilespmem:$0x1E800] =	vst v63  }
0x1d7: {  	_ =	swait.ge [sflag:s2], $0x4000  }
0x1d8: {  	[sflag:s2] =	ssyncset.done $0x0  }
0x1d9: {  	s10 =	simm.s32 $0x880;
	[sflag:s2] =	ssyncadd.s32 $0xFFFFC000  }
0x1da: {  	[spmem:s3] =	stream.indirect.scatter.add.f32 [tilespmem:s24], [sflag:$0x5], $0x80, s10, s29, $0xb8;
	[tilespmem:$0x1E800] =	vst v63  }
0x1db: {  	_ =	swait.ge [sflag:s25], $0x4000  }
0x1dc: {  	[sflag:s25] =	ssyncset.done $0x0  }
0x1dd: {  	s10 =	simm.s32 $0xA00;
	[sflag:s25] =	ssyncadd.s32 $0xFFFFC000  }
0x1de: {  	[tilespmem:s24], [sflag:$0x3] =	stream.indirect.gather [hbm4b:s1+s29], $0x80, s10, s29, $0xb8;
	[tilespmem:$0x1E800] =	vst v63  }
0x1df: {  	_ =	swait.ge [sflag:s5], $0x4000  }
0x1e0: {  	[sflag:s5] =	ssyncset.done $0x0  }
0x1e1: {  	s10 =	simm.s32 $0x980;
	[sflag:s5] =	ssyncadd.s32 $0xFFFFC000  }
0x1e2: {  	[spmem:s3] =	stream.indirect.scatter.add.f32 [tilespmem:s31], [sflag:$0x5], $0x80, s10, s29, $0xb8;
	[tilespmem:$0x1E800] =	vst v63  }
0x1e3: {  	_ =	swait.ge [sflag:s25], $0x4000  }
0x1e4: {  	[sflag:s25] =	ssyncset.done $0x0  }
0x1e5: {  	s10 =	simm.s32 $0xB00;
	[sflag:s25] =	ssyncadd.s32 $0xFFFFC000  }
0x1e6: {  	[tilespmem:s31], [sflag:$0x4] =	stream.indirect.gather [hbm4b:s1+s29], $0x80, s10, s29, $0xb8;
	[tilespmem:$0x1E800] =	vst v63  }
0x1e7: {  	_ =	swait.ge [sflag:s2], $0x4000  }
0x1e8: {  	[sflag:s2] =	ssyncset.done $0x0  }
0x1e9: {  	s10 =	simm.s32 $0xA80;
	[sflag:s2] =	ssyncadd.s32 $0xFFFFC000  }
0x1ea: {  	[spmem:s3] =	stream.indirect.scatter.add.f32 [tilespmem:s24], [sflag:$0x5], $0x80, s10, s29, $0xb8;
	[tilespmem:$0x1E800] =	vst v63  }
0x1eb: {  	_ =	swait.ge [sflag:s25], $0x4000  }
0x1ec: {  	[sflag:s25] =	ssyncset.done $0x0  }
0x1ed: {  	s10 =	simm.s32 $0xC00;
	[sflag:s25] =	ssyncadd.s32 $0xFFFFC000  }
0x1ee: {  	[tilespmem:s24], [sflag:$0x3] =	stream.indirect.gather [hbm4b:s1+s29], $0x80, s10, s29, $0xb8;
	[tilespmem:$0x1E800] =	vst v63  }
0x1ef: {  	_ =	swait.ge [sflag:s5], $0x4000  }
0x1f0: {  	[sflag:s5] =	ssyncset.done $0x0  }
0x1f1: {  	s10 =	simm.s32 $0xB80;
	[sflag:s5] =	ssyncadd.s32 $0xFFFFC000  }
0x1f2: {  	[spmem:s3] =	stream.indirect.scatter.add.f32 [tilespmem:s31], [sflag:$0x5], $0x80, s10, s29, $0xb8;
	[tilespmem:$0x1E800] =	vst v63  }
0x1f3: {  	_ =	swait.ge [sflag:s25], $0x4000  }
0x1f4: {  	[sflag:s25] =	ssyncset.done $0x0  }
0x1f5: {  	s10 =	simm.s32 $0xD00;
	[sflag:s25] =	ssyncadd.s32 $0xFFFFC000  }
0x1f6: {  	[tilespmem:s31], [sflag:$0x4] =	stream.indirect.gather [hbm4b:s1+s29], $0x80, s10, s29, $0xb8;
	[tilespmem:$0x1E800] =	vst v63  }
0x1f7: {  	_ =	swait.ge [sflag:s2], $0x4000  }
0x1f8: {  	[sflag:s2] =	ssyncset.done $0x0  }
0x1f9: {  	s10 =	simm.s32 $0xC80;
	[sflag:s2] =	ssyncadd.s32 $0xFFFFC000  }
0x1fa: {  	[spmem:s3] =	stream.indirect.scatter.add.f32 [tilespmem:s24], [sflag:$0x5], $0x80, s10, s29, $0xb8;
	[tilespmem:$0x1E800] =	vst v63  }
0x1fb: {  	_ =	swait.ge [sflag:s25], $0x4000  }
0x1fc: {  	[sflag:s25] =	ssyncset.done $0x0  }
0x1fd: {  	s10 =	simm.s32 $0xE00;
	[sflag:s25] =	ssyncadd.s32 $0xFFFFC000  }
0x1fe: {  	[tilespmem:s24], [sflag:$0x3] =	stream.indirect.gather [hbm4b:s1+s29], $0x80, s10, s29, $0xb8;
	[tilespmem:$0x1E800] =	vst v63  }
0x1ff: {  	_ =	swait.ge [sflag:s5], $0x4000  }
0x200: {  	[sflag:s5] =	ssyncset.done $0x0  }
0x201: {  	s10 =	simm.s32 $0xD80;
	[sflag:s5] =	ssyncadd.s32 $0xFFFFC000  }
0x202: {  	[spmem:s3] =	stream.indirect.scatter.add.f32 [tilespmem:s31], [sflag:$0x5], $0x80, s10, s29, $0xb8;
	[tilespmem:$0x1E800] =	vst v63  }
0x203: {  	_ =	swait.ge [sflag:s25], $0x4000  }
0x204: {  	[sflag:s25] =	ssyncset.done $0x0  }
0x205: {  	s10 =	simm.s32 $0xF00;
	[sflag:s25] =	ssyncadd.s32 $0xFFFFC000  }
0x206: {  	[tilespmem:s31], [sflag:$0x4] =	stream.indirect.gather [hbm4b:s1+s29], $0x80, s10, s29, $0xb8;
	[tilespmem:$0x1E800] =	vst v63  }
0x207: {  	_ =	swait.ge [sflag:s2], $0x4000  }
0x208: {  	[sflag:s2] =	ssyncset.done $0x0  }
0x209: {  	s10 =	simm.s32 $0xE80;
	[sflag:s2] =	ssyncadd.s32 $0xFFFFC000  }
0x20a: {  	[spmem:s3] =	stream.indirect.scatter.add.f32 [tilespmem:s24], [sflag:$0x5], $0x80, s10, s29, $0xb8;
	[tilespmem:$0x1E800] =	vst v63  }
0x20b: {  	_ =	swait.ge [sflag:s25], $0x4000  }
0x20c: {  	[sflag:s25] =	ssyncset.done $0x0  }
0x20d: {  	s10 =	simm.s32 $0x1000;
	[sflag:s25] =	ssyncadd.s32 $0xFFFFC000  }
0x20e: {  	[tilespmem:s24], [sflag:$0x3] =	stream.indirect.gather [hbm4b:s1+s29], $0x80, s10, s29, $0xb8;
	[tilespmem:$0x1E800] =	vst v63  }
0x20f: {  	_ =	swait.ge [sflag:s5], $0x4000  }
0x210: {  	[sflag:s5] =	ssyncset.done $0x0  }
0x211: {  	s10 =	simm.s32 $0xF80;
	[sflag:s5] =	ssyncadd.s32 $0xFFFFC000  }
0x212: {  	[spmem:s3] =	stream.indirect.scatter.add.f32 [tilespmem:s31], [sflag:$0x5], $0x80, s10, s29, $0xb8;
	[tilespmem:$0x1E800] =	vst v63  }
0x213: {  	_ =	swait.ge [sflag:s25], $0x4000  }
0x214: {  	[sflag:s25] =	ssyncset.done $0x0  }
0x215: {  	s10 =	simm.s32 $0x1100;
	[sflag:s25] =	ssyncadd.s32 $0xFFFFC000  }
0x216: {  	[tilespmem:s31], [sflag:$0x4] =	stream.indirect.gather [hbm4b:s1+s29], $0x80, s10, s29, $0xb8;
	[tilespmem:$0x1E800] =	vst v63  }
0x217: {  	_ =	swait.ge [sflag:s2], $0x4000  }
0x218: {  	[sflag:s2] =	ssyncset.done $0x0  }
0x219: {  	s10 =	simm.s32 $0x1080;
	[sflag:s2] =	ssyncadd.s32 $0xFFFFC000  }
0x21a: {  	[spmem:s3] =	stream.indirect.scatter.add.f32 [tilespmem:s24], [sflag:$0x5], $0x80, s10, s29, $0xb8;
	[tilespmem:$0x1E800] =	vst v63  }
0x21b: {  	_ =	swait.ge [sflag:s25], $0x4000  }
0x21c: {  	[sflag:s25] =	ssyncset.done $0x0  }
0x21d: {  	s10 =	simm.s32 $0x1200;
	[sflag:s25] =	ssyncadd.s32 $0xFFFFC000  }
0x21e: {  	[tilespmem:s24], [sflag:$0x3] =	stream.indirect.gather [hbm4b:s1+s29], $0x80, s10, s29, $0xb8;
	[tilespmem:$0x1E800] =	vst v63  }
0x21f: {  	_ =	swait.ge [sflag:s5], $0x4000  }
0x220: {  	[sflag:s5] =	ssyncset.done $0x0  }
0x221: {  	s10 =	simm.s32 $0x1180;
	[sflag:s5] =	ssyncadd.s32 $0xFFFFC000  }
0x222: {  	[spmem:s3] =	stream.indirect.scatter.add.f32 [tilespmem:s31], [sflag:$0x5], $0x80, s10, s29, $0xb8;
	[tilespmem:$0x1E800] =	vst v63  }
0x223: {  	_ =	swait.ge [sflag:s25], $0x4000  }
0x224: {  	[sflag:s25] =	ssyncset.done $0x0  }
0x225: {  	s10 =	simm.s32 $0x1300;
	[sflag:s25] =	ssyncadd.s32 $0xFFFFC000  }
0x226: {  	[tilespmem:s31], [sflag:$0x4] =	stream.indirect.gather [hbm4b:s1+s29], $0x80, s10, s29, $0xb8;
	[tilespmem:$0x1E800] =	vst v63  }
0x227: {  	_ =	swait.ge [sflag:s2], $0x4000  }
0x228: {  	[sflag:s2] =	ssyncset.done $0x0  }
0x229: {  	s10 =	simm.s32 $0x1280;
	[sflag:s2] =	ssyncadd.s32 $0xFFFFC000  }
0x22a: {  	[spmem:s3] =	stream.indirect.scatter.add.f32 [tilespmem:s24], [sflag:$0x5], $0x80, s10, s29, $0xb8;
	[tilespmem:$0x1E800] =	vst v63  }
0x22b: {  	_ =	swait.ge [sflag:s25], $0x4000  }
0x22c: {  	[sflag:s25] =	ssyncset.done $0x0  }
0x22d: {  	[sflag:s25] =	ssyncadd.s32 $0xFFFFC000  }
0x22e: {  	_ =	swait.ge [sflag:s5], $0x4000  }
0x22f: {  	[sflag:s5] =	ssyncset.done $0x0  }
0x230: {  	s10 =	simm.s32 $0x1380;
	[sflag:s5] =	ssyncadd.s32 $0xFFFFC000  }
0x231: {  	[spmem:s3] =	stream.indirect.scatter.add.f32 [tilespmem:s31], [sflag:$0x5], $0x80, s10, s29, $0xb8;
	[tilespmem:$0x1E800] =	vst v63  }
0x232: {  	_ =	swait.ge [sflag:s25], $0x4000  }
0x233: {  	[sflag:s25] =	ssyncset.done $0x0  }
0x234: {  	[sflag:s25] =	ssyncadd.s32 $0xFFFFC000  }
0x235: {  	_ =	swait.ge [sflag:s0], $0x1400  }
0x236: {  	[sflag:s0] =	ssyncset.done $0x0  }
0x237: {  	[sflag:s0] =	ssyncadd.s32 $0xFFFFEC00  }
0x238: {  	[tilespmem:s24], [sflag:$0x3] =	stream.indirect.gather [hbm4b:s1+s29], $0x80, s6, s29, $0xb8;
	[tilespmem:$0x1E800] =	vst v63  }
0x239: {  	_ = 	snop  }
0x23a: {  	[tilespmem:s31], [sflag:$0x4] =	stream.indirect.gather [hbm4b:s1+s29], $0x80, s7, s29, $0xb8;
	[tilespmem:$0x1E800] =	vst v63  }
0x23b: {  	_ =	swait.ge [sflag:s2], $0x4000  }
0x23c: {  	[sflag:s2] =	ssyncset.done $0x0  }
0x23d: {  	[sflag:s2] =	ssyncadd.s32 $0xFFFFC000  }
0x23e: {  	[spmem:s3] =	stream.indirect.scatter.add.f32 [tilespmem:s24], [sflag:$0x5], $0x80, s8, s29, $0xb8;
	[tilespmem:$0x1E800] =	vst v63  }
0x23f: {  	_ =	swait.ge [sflag:s25], $0x4000  }
0x240: {  	[sflag:s25] =	ssyncset.done $0x0  }
0x241: {  	[sflag:s25] =	ssyncadd.s32 $0xFFFFC000  }
0x242: {  	[tilespmem:s24], [sflag:$0x3] =	stream.indirect.gather [hbm4b:s1+s29], $0x80, s9, s29, $0xb8;
	[tilespmem:$0x1E800] =	vst v63  }
0x243: {  	_ =	swait.ge [sflag:s5], $0x4000  }
0x244: {  	[sflag:s5] =	ssyncset.done $0x0  }
0x245: {  	[sflag:s5] =	ssyncadd.s32 $0xFFFFC000  }
0x246: {  	[spmem:s3] =	stream.indirect.scatter.add.f32 [tilespmem:s31], [sflag:$0x5], $0x80, s11, s29, $0xb8;
	[tilespmem:$0x1E800] =	vst v63  }
0x247: {  	_ =	swait.ge [sflag:s25], $0x4000  }
0x248: {  	[sflag:s25] =	ssyncset.done $0x0  }
0x249: {  	[sflag:s25] =	ssyncadd.s32 $0xFFFFC000  }
0x24a: {  	[tilespmem:s31], [sflag:$0x4] =	stream.indirect.gather [hbm4b:s1+s29], $0x80, s12, s29, $0xb8;
	[tilespmem:$0x1E800] =	vst v63  }
0x24b: {  	_ =	swait.ge [sflag:s2], $0x4000  }
0x24c: {  	[sflag:s2] =	ssyncset.done $0x0  }
0x24d: {  	[sflag:s2] =	ssyncadd.s32 $0xFFFFC000  }
0x24e: {  	[spmem:s3] =	stream.indirect.scatter.add.f32 [tilespmem:s24], [sflag:$0x5], $0x80, s13, s29, $0xb8;
	[tilespmem:$0x1E800] =	vst v63  }
0x24f: {  	_ =	swait.ge [sflag:s25], $0x4000  }
0x250: {  	[sflag:s25] =	ssyncset.done $0x0  }
0x251: {  	[sflag:s25] =	ssyncadd.s32 $0xFFFFC000  }
0x252: {  	[tilespmem:s24], [sflag:$0x3] =	stream.indirect.gather [hbm4b:s1+s29], $0x80, s14, s29, $0xb8;
	[tilespmem:$0x1E800] =	vst v63  }
0x253: {  	_ =	swait.ge [sflag:s5], $0x4000  }
0x254: {  	[sflag:s5] =	ssyncset.done $0x0  }
0x255: {  	[sflag:s5] =	ssyncadd.s32 $0xFFFFC000  }
0x256: {  	[spmem:s3] =	stream.indirect.scatter.add.f32 [tilespmem:s31], [sflag:$0x5], $0x80, s15, s29, $0xb8;
	[tilespmem:$0x1E800] =	vst v63  }
0x257: {  	_ =	swait.ge [sflag:s25], $0x4000  }
0x258: {  	[sflag:s25] =	ssyncset.done $0x0  }
0x259: {  	[sflag:s25] =	ssyncadd.s32 $0xFFFFC000  }
0x25a: {  	[tilespmem:s31], [sflag:$0x4] =	stream.indirect.gather [hbm4b:s1+s29], $0x80, s16, s29, $0xb8;
	[tilespmem:$0x1E800] =	vst v63  }
0x25b: {  	_ =	swait.ge [sflag:s2], $0x4000  }
0x25c: {  	[sflag:s2] =	ssyncset.done $0x0  }
0x25d: {  	[sflag:s2] =	ssyncadd.s32 $0xFFFFC000  }
0x25e: {  	[spmem:s3] =	stream.indirect.scatter.add.f32 [tilespmem:s24], [sflag:$0x5], $0x80, s17, s29, $0xb8;
	[tilespmem:$0x1E800] =	vst v63  }
0x25f: {  	_ =	swait.ge [sflag:s25], $0x4000  }
0x260: {  	[sflag:s25] =	ssyncset.done $0x0  }
0x261: {  	[sflag:s25] =	ssyncadd.s32 $0xFFFFC000  }
0x262: {  	[tilespmem:s24], [sflag:$0x3] =	stream.indirect.gather [hbm4b:s1+s29], $0x80, s18, s29, $0xb8;
	[tilespmem:$0x1E800] =	vst v63  }
0x263: {  	_ =	swait.ge [sflag:s5], $0x4000  }
0x264: {  	[sflag:s5] =	ssyncset.done $0x0  }
0x265: {  	[sflag:s5] =	ssyncadd.s32 $0xFFFFC000  }
0x266: {  	[spmem:s3] =	stream.indirect.scatter.add.f32 [tilespmem:s31], [sflag:$0x5], $0x80, s19, s29, $0xb8;
	[tilespmem:$0x1E800] =	vst v63  }
0x267: {  	_ =	swait.ge [sflag:s25], $0x4000  }
0x268: {  	[sflag:s25] =	ssyncset.done $0x0  }
0x269: {  	[sflag:s25] =	ssyncadd.s32 $0xFFFFC000  }
0x26a: {  	[tilespmem:s31], [sflag:$0x4] =	stream.indirect.gather [hbm4b:s1+s29], $0x80, s20, s29, $0xb8;
	[tilespmem:$0x1E800] =	vst v63  }
0x26b: {  	_ =	swait.ge [sflag:s2], $0x4000  }
0x26c: {  	[sflag:s2] =	ssyncset.done $0x0  }
0x26d: {  	[sflag:s2] =	ssyncadd.s32 $0xFFFFC000  }
0x26e: {  	[spmem:s3] =	stream.indirect.scatter.add.f32 [tilespmem:s24], [sflag:$0x5], $0x80, s22, s29, $0xb8;
	[tilespmem:$0x1E800] =	vst v63  }
0x26f: {  	_ =	swait.ge [sflag:s25], $0x4000  }
0x270: {  	[sflag:s25] =	ssyncset.done $0x0  }
0x271: {  	[sflag:s25] =	ssyncadd.s32 $0xFFFFC000  }
0x272: {  	[tilespmem:s24], [sflag:$0x3] =	stream.indirect.gather [hbm4b:s1+s29], $0x80, s28, s29, $0xb8;
	[tilespmem:$0x1E800] =	vst v63  }
0x273: {  	_ =	swait.ge [sflag:s5], $0x4000  }
0x274: {  	[sflag:s5] =	ssyncset.done $0x0  }
0x275: {  	[sflag:s5] =	ssyncadd.s32 $0xFFFFC000  }
0x276: {  	[spmem:s3] =	stream.indirect.scatter.add.f32 [tilespmem:s31], [sflag:$0x5], $0x80, s30, s29, $0xb8;
	[tilespmem:$0x1E800] =	vst v63  }
0x277: {  	_ =	swait.ge [sflag:s25], $0x4000  }
0x278: {  	[sflag:s25] =	ssyncset.done $0x0  }
0x279: {  	s11 =	simm.s32 $0x1D00;
	[sflag:s25] =	ssyncadd.s32 $0xFFFFC000  }
0x27a: {  	[tilespmem:s31], [sflag:$0x4] =	stream.indirect.gather [hbm4b:s1+s29], $0x80, s11, s29, $0xb8;
	[tilespmem:$0x1E800] =	vst v63  }
0x27b: {  	_ =	swait.ge [sflag:s2], $0x4000  }
0x27c: {  	[sflag:s2] =	ssyncset.done $0x0  }
0x27d: {  	s12 =	simm.s32 $0x1C80;
	[sflag:s2] =	ssyncadd.s32 $0xFFFFC000  }
0x27e: {  	[spmem:s3] =	stream.indirect.scatter.add.f32 [tilespmem:s24], [sflag:$0x5], $0x80, s12, s29, $0xb8;
	[tilespmem:$0x1E800] =	vst v63  }
0x27f: {  	_ =	swait.ge [sflag:s25], $0x4000  }
0x280: {  	[sflag:s25] =	ssyncset.done $0x0  }
0x281: {  	s13 =	simm.s32 $0x1E00;
	[sflag:s25] =	ssyncadd.s32 $0xFFFFC000  }
0x282: {  	[tilespmem:s24], [sflag:$0x3] =	stream.indirect.gather [hbm4b:s1+s29], $0x80, s13, s29, $0xb8;
	[tilespmem:$0x1E800] =	vst v63  }
0x283: {  	_ =	swait.ge [sflag:s5], $0x4000  }
0x284: {  	[sflag:s5] =	ssyncset.done $0x0  }
0x285: {  	s10 =	simm.s32 $0x1D80;
	[sflag:s5] =	ssyncadd.s32 $0xFFFFC000  }
0x286: {  	[spmem:s3] =	stream.indirect.scatter.add.f32 [tilespmem:s31], [sflag:$0x5], $0x80, s10, s29, $0xb8;
	[tilespmem:$0x1E800] =	vst v63  }
0x287: {  	_ =	swait.ge [sflag:s25], $0x4000  }
0x288: {  	[sflag:s25] =	ssyncset.done $0x0  }
0x289: {  	s11 =	simm.s32 $0x1F00;
	[sflag:s25] =	ssyncadd.s32 $0xFFFFC000  }
0x28a: {  	[tilespmem:s31], [sflag:$0x4] =	stream.indirect.gather [hbm4b:s1+s29], $0x80, s11, s29, $0xb8;
	[tilespmem:$0x1E800] =	vst v63  }
0x28b: {  	_ =	swait.ge [sflag:s2], $0x4000  }
0x28c: {  	[sflag:s2] =	ssyncset.done $0x0  }
0x28d: {  	s12 =	simm.s32 $0x1E80;
	[sflag:s2] =	ssyncadd.s32 $0xFFFFC000  }
0x28e: {  	[spmem:s3] =	stream.indirect.scatter.add.f32 [tilespmem:s24], [sflag:$0x5], $0x80, s12, s29, $0xb8;
	[tilespmem:$0x1E800] =	vst v63  }
0x28f: {  	_ =	swait.ge [sflag:s25], $0x4000  }
0x290: {  	[sflag:s25] =	ssyncset.done $0x0  }
0x291: {  	s13 =	simm.s32 $0x2000;
	[sflag:s25] =	ssyncadd.s32 $0xFFFFC000  }
0x292: {  	[tilespmem:s24], [sflag:$0x3] =	stream.indirect.gather [hbm4b:s1+s29], $0x80, s13, s29, $0xb8;
	[tilespmem:$0x1E800] =	vst v63  }
0x293: {  	_ =	swait.ge [sflag:s5], $0x4000  }
0x294: {  	[sflag:s5] =	ssyncset.done $0x0  }
0x295: {  	s10 =	simm.s32 $0x1F80;
	[sflag:s5] =	ssyncadd.s32 $0xFFFFC000  }
0x296: {  	[spmem:s3] =	stream.indirect.scatter.add.f32 [tilespmem:s31], [sflag:$0x5], $0x80, s10, s29, $0xb8;
	[tilespmem:$0x1E800] =	vst v63  }
0x297: {  	_ =	swait.ge [sflag:s25], $0x4000  }
0x298: {  	[sflag:s25] =	ssyncset.done $0x0  }
0x299: {  	s11 =	simm.s32 $0x2100;
	[sflag:s25] =	ssyncadd.s32 $0xFFFFC000  }
0x29a: {  	[tilespmem:s31], [sflag:$0x4] =	stream.indirect.gather [hbm4b:s1+s29], $0x80, s11, s29, $0xb8;
	[tilespmem:$0x1E800] =	vst v63  }
0x29b: {  	_ =	swait.ge [sflag:s2], $0x4000  }
0x29c: {  	[sflag:s2] =	ssyncset.done $0x0  }
0x29d: {  	s12 =	simm.s32 $0x2080;
	[sflag:s2] =	ssyncadd.s32 $0xFFFFC000  }
0x29e: {  	[spmem:s3] =	stream.indirect.scatter.add.f32 [tilespmem:s24], [sflag:$0x5], $0x80, s12, s29, $0xb8;
	[tilespmem:$0x1E800] =	vst v63  }
0x29f: {  	_ =	swait.ge [sflag:s25], $0x4000  }
0x2a0: {  	[sflag:s25] =	ssyncset.done $0x0  }
0x2a1: {  	s13 =	simm.s32 $0x2200;
	[sflag:s25] =	ssyncadd.s32 $0xFFFFC000  }
0x2a2: {  	[tilespmem:s24], [sflag:$0x3] =	stream.indirect.gather [hbm4b:s1+s29], $0x80, s13, s29, $0xb8;
	[tilespmem:$0x1E800] =	vst v63  }
0x2a3: {  	_ =	swait.ge [sflag:s5], $0x4000  }
0x2a4: {  	[sflag:s5] =	ssyncset.done $0x0  }
0x2a5: {  	s10 =	simm.s32 $0x2180;
	[sflag:s5] =	ssyncadd.s32 $0xFFFFC000  }
0x2a6: {  	[spmem:s3] =	stream.indirect.scatter.add.f32 [tilespmem:s31], [sflag:$0x5], $0x80, s10, s29, $0xb8;
	[tilespmem:$0x1E800] =	vst v63  }
0x2a7: {  	_ =	swait.ge [sflag:s25], $0x4000  }
0x2a8: {  	[sflag:s25] =	ssyncset.done $0x0  }
0x2a9: {  	s11 =	simm.s32 $0x2300;
	[sflag:s25] =	ssyncadd.s32 $0xFFFFC000  }
0x2aa: {  	[tilespmem:s31], [sflag:$0x4] =	stream.indirect.gather [hbm4b:s1+s29], $0x80, s11, s29, $0xb8;
	[tilespmem:$0x1E800] =	vst v63  }
0x2ab: {  	_ =	swait.ge [sflag:s2], $0x4000  }
0x2ac: {  	[sflag:s2] =	ssyncset.done $0x0  }
0x2ad: {  	s12 =	simm.s32 $0x2280;
	[sflag:s2] =	ssyncadd.s32 $0xFFFFC000  }
0x2ae: {  	[spmem:s3] =	stream.indirect.scatter.add.f32 [tilespmem:s24], [sflag:$0x5], $0x80, s12, s29, $0xb8;
	[tilespmem:$0x1E800] =	vst v63  }
0x2af: {  	_ =	swait.ge [sflag:s25], $0x4000  }
0x2b0: {  	[sflag:s25] =	ssyncset.done $0x0  }
0x2b1: {  	s13 =	simm.s32 $0x2400;
	[sflag:s25] =	ssyncadd.s32 $0xFFFFC000  }
0x2b2: {  	[tilespmem:s24], [sflag:$0x3] =	stream.indirect.gather [hbm4b:s1+s29], $0x80, s13, s29, $0xb8;
	[tilespmem:$0x1E800] =	vst v63  }
0x2b3: {  	_ =	swait.ge [sflag:s5], $0x4000  }
0x2b4: {  	[sflag:s5] =	ssyncset.done $0x0  }
0x2b5: {  	s10 =	simm.s32 $0x2380;
	[sflag:s5] =	ssyncadd.s32 $0xFFFFC000  }
0x2b6: {  	[spmem:s3] =	stream.indirect.scatter.add.f32 [tilespmem:s31], [sflag:$0x5], $0x80, s10, s29, $0xb8;
	[tilespmem:$0x1E800] =	vst v63  }
0x2b7: {  	_ =	swait.ge [sflag:s25], $0x4000  }
0x2b8: {  	[sflag:s25] =	ssyncset.done $0x0  }
0x2b9: {  	s11 =	simm.s32 $0x2500;
	[sflag:s25] =	ssyncadd.s32 $0xFFFFC000  }
0x2ba: {  	[tilespmem:s31], [sflag:$0x4] =	stream.indirect.gather [hbm4b:s1+s29], $0x80, s11, s29, $0xb8;
	[tilespmem:$0x1E800] =	vst v63  }
0x2bb: {  	_ =	swait.ge [sflag:s2], $0x4000  }
0x2bc: {  	[sflag:s2] =	ssyncset.done $0x0  }
0x2bd: {  	s12 =	simm.s32 $0x2480;
	[sflag:s2] =	ssyncadd.s32 $0xFFFFC000  }
0x2be: {  	[spmem:s3] =	stream.indirect.scatter.add.f32 [tilespmem:s24], [sflag:$0x5], $0x80, s12, s29, $0xb8;
	[tilespmem:$0x1E800] =	vst v63  }
0x2bf: {  	_ =	swait.ge [sflag:s25], $0x4000  }
0x2c0: {  	[sflag:s25] =	ssyncset.done $0x0  }
0x2c1: {  	s13 =	simm.s32 $0x2600;
	[sflag:s25] =	ssyncadd.s32 $0xFFFFC000  }
0x2c2: {  	[tilespmem:s24], [sflag:$0x3] =	stream.indirect.gather [hbm4b:s1+s29], $0x80, s13, s29, $0xb8;
	[tilespmem:$0x1E800] =	vst v63  }
0x2c3: {  	_ =	swait.ge [sflag:s5], $0x4000  }
0x2c4: {  	[sflag:s5] =	ssyncset.done $0x0  }
0x2c5: {  	s10 =	simm.s32 $0x2580;
	[sflag:s5] =	ssyncadd.s32 $0xFFFFC000  }
0x2c6: {  	[spmem:s3] =	stream.indirect.scatter.add.f32 [tilespmem:s31], [sflag:$0x5], $0x80, s10, s29, $0xb8;
	[tilespmem:$0x1E800] =	vst v63  }
0x2c7: {  	_ =	swait.ge [sflag:s25], $0x4000  }
0x2c8: {  	[sflag:s25] =	ssyncset.done $0x0  }
0x2c9: {  	s11 =	simm.s32 $0x2700;
	[sflag:s25] =	ssyncadd.s32 $0xFFFFC000  }
0x2ca: {  	[tilespmem:s31], [sflag:$0x4] =	stream.indirect.gather [hbm4b:s1+s29], $0x80, s11, s29, $0xb8;
	[tilespmem:$0x1E800] =	vst v63  }
0x2cb: {  	_ =	swait.ge [sflag:s2], $0x4000  }
0x2cc: {  	[sflag:s2] =	ssyncset.done $0x0  }
0x2cd: {  	s12 =	simm.s32 $0x2680;
	[sflag:s2] =	ssyncadd.s32 $0xFFFFC000  }
0x2ce: {  	[spmem:s3] =	stream.indirect.scatter.add.f32 [tilespmem:s24], [sflag:$0x5], $0x80, s12, s29, $0xb8;
	[tilespmem:$0x1E800] =	vst v63  }
0x2cf: {  	_ =	swait.ge [sflag:s25], $0x4000  }
0x2d0: {  	[sflag:s25] =	ssyncset.done $0x0  }
0x2d1: {  	[sflag:s25] =	ssyncadd.s32 $0xFFFFC000  }
0x2d2: {  	_ =	swait.ge [sflag:s5], $0x4000  }
0x2d3: {  	[sflag:s5] =	ssyncset.done $0x0  }
0x2d4: {  	s13 =	simm.s32 $0x2780;
	[sflag:s5] =	ssyncadd.s32 $0xFFFFC000  }
0x2d5: {  	[spmem:s3] =	stream.indirect.scatter.add.f32 [tilespmem:s31], [sflag:$0x5], $0x80, s13, s29, $0xb8;
	[tilespmem:$0x1E800] =	vst v63  }
0x2d6: {  	_ =	swait.ge [sflag:s25], $0x4000  }
0x2d7: {  	[sflag:s25] =	ssyncset.done $0x0  }
0x2d8: {  	[sflag:s25] =	ssyncadd.s32 $0xFFFFC000  }
0x2d9: {  	[bflag:$0x0] =	sbarrier.arrive $0xFFFF  }
0x2da: {  	[tilespmem:s24], [sflag:$0x5] =	stream.linear.gather [spmem:s26], $0x4000, $0x38;
	[tilespmem:$0x1E800] =	vst v63  }
0x2db: {  	_ =	swait.ge [sflag:s25], $0x4000  }
0x2dc: {  	[sflag:s25] =	ssyncset.done $0x0  }
0x2dd: {  	s0 =	rddreg [dreg:$0xd];
	[sflag:s25] =	ssyncadd.s32 $0xFFFFC000  }
0x2de: {  	[hbm4b:s0+s4] =	stream.linear.scatter [tilespmem:s24], [sflag:$0x5], $0x4000, $0x38;
	[tilespmem:$0x1E800] =	vst v63  }
0x2df: {  	_ =	swait.ge [sflag:s25], $0x4000  }
0x2e0: {  	[sflag:s25] =	ssyncset.done $0x0  }
0x2e1: {  	s11 =	rddreg [dreg:$0xe];
	[sflag:s25] =	ssyncadd.s32 $0xFFFFC000  }
0x2e2: {  	[tilespmem:s24], [sflag:$0x5] =	stream.linear.gather [spmem:s11], $0x4000, $0x38;
	[tilespmem:$0x1E800] =	vst v63  }
0x2e3: {  	_ =	swait.ge [sflag:s25], $0x4000  }
0x2e4: {  	[sflag:s25] =	ssyncset.done $0x0  }
0x2e5: {  	s12 =	rddreg [dreg:$0xf];
	[sflag:s25] =	ssyncadd.s32 $0xFFFFC000  }
0x2e6: {  	[hbm4b:s12+s4] =	stream.linear.scatter [tilespmem:s24], [sflag:$0x5], $0x4000, $0x38;
	[tilespmem:$0x1E800] =	vst v63  }
0x2e7: {  	_ =	swait.ge [sflag:s25], $0x4000  }
0x2e8: {  	[sflag:s25] =	ssyncset.done $0x0  }
0x2e9: {  	s13 =	rddreg [dreg:$0x10];
	[sflag:s25] =	ssyncadd.s32 $0xFFFFC000  }
0x2ea: {  	[tilespmem:s24], [sflag:$0x5] =	stream.linear.gather [spmem:s13], $0x4000, $0x38;
	[tilespmem:$0x1E800] =	vst v63  }
0x2eb: {  	_ =	swait.ge [sflag:s25], $0x4000  }
0x2ec: {  	[sflag:s25] =	ssyncset.done $0x0  }
0x2ed: {  	s26 =	rddreg [dreg:$0x11];
	[sflag:s25] =	ssyncadd.s32 $0xFFFFC000  }
0x2ee: {  	[hbm4b:s26+s4] =	stream.linear.scatter [tilespmem:s24], [sflag:$0x5], $0x4000, $0x38;
	[tilespmem:$0x1E800] =	vst v63  }
0x2ef: {  	_ =	swait.ge [sflag:s25], $0x4000  }
0x2f0: {  	[sflag:s25] =	ssyncset.done $0x0  }
0x2f1: {  	s0 =	rddreg [dreg:$0x12];
	[sflag:s25] =	ssyncadd.s32 $0xFFFFC000  }
0x2f2: {  	[tilespmem:s24], [sflag:$0x5] =	stream.linear.gather [spmem:s0], $0x4000, $0x38;
	[tilespmem:$0x1E800] =	vst v63  }
0x2f3: {  	_ =	swait.ge [sflag:s25], $0x4000  }
0x2f4: {  	[sflag:s25] =	ssyncset.done $0x0  }
0x2f5: {  	s11 =	rddreg [dreg:$0x13];
	[sflag:s25] =	ssyncadd.s32 $0xFFFFC000  }
0x2f6: {  	[hbm4b:s11+s4] =	stream.linear.scatter [tilespmem:s24], [sflag:$0x5], $0x4000, $0x38;
	[tilespmem:$0x1E800] =	vst v63  }
0x2f7: {  	_ =	swait.ge [sflag:s25], $0x4000  }
0x2f8: {  	[sflag:s25] =	ssyncset.done $0x0  }
0x2f9: {  	s12 =	rddreg [dreg:$0x14];
	[sflag:s25] =	ssyncadd.s32 $0xFFFFC000  }
0x2fa: {  	[tilespmem:s24], [sflag:$0x5] =	stream.linear.gather [spmem:s12], $0x4000, $0x38;
	[tilespmem:$0x1E800] =	vst v63  }
0x2fb: {  	_ =	swait.ge [sflag:s25], $0x4000  }
0x2fc: {  	[sflag:s25] =	ssyncset.done $0x0  }
0x2fd: {  	s13 =	rddreg [dreg:$0x15];
	[sflag:s25] =	ssyncadd.s32 $0xFFFFC000  }
0x2fe: {  	[hbm4b:s13+s4] =	stream.linear.scatter [tilespmem:s24], [sflag:$0x5], $0x4000, $0x38;
	[tilespmem:$0x1E800] =	vst v63  }
0x2ff: {  	_ =	swait.ge [sflag:s25], $0x4000  }
0x300: {  	s23 =	sadd.s32 $0x1, s23;
	s26 =	rddreg [dreg:$0x8]  }
0x301: {  	p0 =	sne.s32 s23, s26  }
.Ltmp1:
0x302: {  	_ = 	snop;
	(pc) =	sbr.rel @p0 .LBB2_1-.Ltmp1, $3  }
0x303: {  	_ =	sdelay $0x1  }
0x304: {  	[sflag:s25] =	ssyncset.done $0x0  }
0x305: {  	[sflag:s25] =	ssyncadd.s32 $0xFFFFC000  }
0x306: {  	_ =	sfence.sel $0x180000  }
0x307: {  	[bflag:$0x0] =	sbarrier.arrive $0xFFFF  }
0x308: {  	_ =	strace $0x9000004A  }
0x309: {  	s0 =	stileid.u32;
	[bflag:$0x2] =	sbarrier.arrive $0xFFFF  }
0x30a: {  	p0 =	sne.s32 s0, $0x0;
	s0 =	rddreg [dreg:$0x3]  }
0x30b: {  	s0 =	sadd.s32 @!p0 $0x100000, s0  }
0x30c: {  	[sflag:s0] =	ssyncadd.tile.s32 @!p0 $0x1;
	_ =	shalt  }
.Lfunc_end2:
_tile_overlayer_lowered:
.L_overlay_start_2:
0x30d: {  	(tag) =	ssettag $0x2  }
0x30e: {  	s0 =	rddreg [dreg:$0x0];
	s2 =	stileid.u32  }
0x30f: {  	s1 =	rddreg [dreg:$0x1];
	p0 =	sne.s32 s2, $0x0  }
0x310: {  	s3 =	rddreg [dreg:$0x2];
	[bflag:$0x3] =	sbarrier.arrive $0xFFFF;
	s2 =	simm.s32 @!p0 $0x1C05  }
0x311: {  	[timem:s3], [sflag:s2] =	dma.local @!p0 [hbm:s0], s1  }
0x312: {  	s0 =	simm.s32 @!p0 $0x5  }
0x313: {  	_ =	swait.ge @!p0 [sflag:s0], s1  }
0x314: {  	s1 =	ssub.s32 @!p0 $0x0, s1;
	[sflag:s0] =	ssyncset.done @!p0 $0x0  }
0x315: {  	[sflag:s0] =	ssyncadd.s32 @!p0 s1  }
0x316: {  	[bflag:$0x3] =	sbarrier.arrive $0xFFFF  }
0x317: {  	_ =	shalt  }

</sc_bundles>
